<compile_context>
chip_gen: v7x
topology: tpu7x:2x2x1
jax: 0.10.2.dev20260603
libtpu: 0.0.44.dev20260713+nightly
codegen_flags: <defaults>
</compile_context>

<pallas_src>
import functools

import jax
import jax.numpy as jnp
from jax import lax
from jax.experimental import pallas as pl
from jax.experimental.pallas import tpu as pltpu
from jax.experimental.pallas import tpu_sc as plsc

B = 16384
P = 20
D = 128
NPRED = 64
NARG = 128
NROWS = 648
RB1 = 640
RW2 = 641
RB2 = 642
NIDX = 64
NW = 32
BPW = B // NW
L = 16
DW = D // 2
NCH = D // (2 * L)


def _fold_body(pred_ref, arg_ref, w1_ref, b1_ref, w2_ref, b2_ref, out_ref):
    pred = pred_ref[...]
    arg = arg_ref[...]
    w1 = w1_ref[...]
    s = jnp.float32(1.0 / P)
    b2row = jnp.where(
        lax.broadcasted_iota(jnp.int32, (1, D), 1) == 0, b2_ref[...][0], 0.0)
    parts = [
        jnp.dot(pred, w1[0 * D:1 * D], preferred_element_type=jnp.float32) * s,
        jnp.dot(arg, w1[1 * D:2 * D], preferred_element_type=jnp.float32) * s,
        jnp.dot(arg, w1[2 * D:3 * D], preferred_element_type=jnp.float32) * s,
        jnp.dot(pred, w1[3 * D:4 * D], preferred_element_type=jnp.float32),
        jnp.dot(arg, w1[4 * D:5 * D], preferred_element_type=jnp.float32),
        jnp.dot(arg, w1[5 * D:6 * D], preferred_element_type=jnp.float32),
        b1_ref[...][None, :],
        w2_ref[...][:, 0][None, :],
        b2row,
        jnp.zeros((NROWS - RB2 - 1, D), jnp.float32),
    ]
    out_ref[...] = jnp.concatenate(parts, axis=0)


def _pack_pairs(x_f32):
    xb = x_f32.astype(jnp.bfloat16)
    n = xb.shape[-1] // 2
    lo = lax.bitcast_convert_type(xb[:, :n], jnp.uint16).astype(jnp.uint32)
    hi = lax.bitcast_convert_type(xb[:, n:], jnp.uint16).astype(jnp.uint32)
    return lax.bitcast_convert_type(lo | (hi << 16), jnp.int32)


@functools.partial(
    pl.kernel,
    mesh=plsc.VectorSubcoreMesh(core_axis_name="c", subcore_axis_name="s"),
    out_type=jax.ShapeDtypeStruct((B,), jnp.float32),
    compiler_params=pltpu.CompilerParams(needs_layout_passes=False),
    scratch_types=[
        pltpu.VMEM((NROWS * DW,), jnp.int32),
        pltpu.VMEM((NIDX, BPW), jnp.int32),
        pltpu.VMEM((BPW * DW,), jnp.int32),
        pltpu.VMEM((BPW,), jnp.float32),
    ],
)
def _sc_gather(table_hbm, cidx_hbm, out_hbm, table_v, cidx_v, hacc_v, out_v):
    wid = lax.axis_index("s") * 2 + lax.axis_index("c")
    base = wid * BPW
    pltpu.sync_copy(table_hbm, table_v)
    pltpu.sync_copy(cidx_hbm.at[:, pl.ds(base, BPW)], cidx_v)

    col = [lax.iota(jnp.int32, L) + (L * c) for c in range(NCH)]
    kvec = [lax.iota(jnp.int32, L) + (L * k) for k in range(NIDX // L)]
    w2u = [table_v[pl.ds(RW2 * DW + L * c, L)] for c in range(NCH)]
    b2lo, b2hi = plsc.unpack(
        plsc.bitcast(table_v[pl.ds(RB2 * DW, L)], jnp.bfloat16),
        format=plsc.PackFormat.INTERLEAVED)
    b2vec = jnp.full((L,), jnp.sum(b2lo + b2hi))
    zero32 = jnp.zeros((2 * L,), jnp.bfloat16)

    def body(b, carry):
        bvec = jnp.full((L,), b, jnp.int32)

        def chunk(k, accs):
            accs = list(accs)
            kv = jnp.where(k == 0, kvec[0],
                           jnp.where(k == 1, kvec[1],
                                     jnp.where(k == 2, kvec[2], kvec[3])))
            iv = plsc.load_gather(cidx_v, [kv, bvec])
            for j in range(L):
                r = jnp.full((L,), iv[j], jnp.int32)
                for c in range(NCH):
                    w = plsc.load_gather(table_v, [r + col[c]])
                    accs[c] = accs[c] + plsc.bitcast(w, jnp.bfloat16)
            return tuple(accs)

        accs = lax.fori_loop(0, NIDX // L, chunk, (zero32,) * NCH)
        for c in range(NCH):
            hacc_v[pl.ds(b * DW + L * c, L)] = plsc.bitcast(accs[c], jnp.int32)
        return carry

    lax.fori_loop(0, BPW, body, 0)

    rowoff = lax.iota(jnp.int32, L) * DW

    def epi16(g, carry):
        gbase = g * (L * DW)

        def wstep(w):
            hw = plsc.load_gather(hacc_v, [rowoff + (gbase + w)])
            h32 = plsc.bitcast(hw, jnp.bfloat16)
            w2w = plsc.bitcast(jnp.full((L,), w2u[w // L][w % L], jnp.int32),
                               jnp.bfloat16)
            return jnp.maximum(h32, 0) * w2w

        acc32 = zero32
        for w in range(DW):
            acc32 = acc32 + wstep(w)
        lo, hi = plsc.unpack(acc32, format=plsc.PackFormat.INTERLEAVED)
        tot = lo + hi + b2vec
        out_v[pl.ds(g * L, L)] = 1.0 / (1.0 + jnp.exp(-tot))
        return carry

    lax.fori_loop(0, BPW // L, epi16, 0)
    pltpu.sync_copy(out_v, out_hbm.at[pl.ds(base, BPW)])


def kernel(prem_pred_idx, prem_arg_idx, concl_pred_idx, concl_arg_idx,
           pred_table, arg_table, W1, b1, W2, b2):
    pp = prem_pred_idx.astype(jnp.int32)
    pa = prem_arg_idx.astype(jnp.int32)
    cp = concl_pred_idx.astype(jnp.int32)
    ca = concl_arg_idx.astype(jnp.int32)

    folded = pl.pallas_call(
        _fold_body,
        out_shape=jax.ShapeDtypeStruct((NROWS, D), jnp.float32),
    )(pred_table, arg_table, W1, b1, W2, b2)

    cidx_t = jnp.concatenate([
        pp.T,
        pa[:, :, 0].T + NPRED,
        pa[:, :, 1].T + (NPRED + NARG),
        cp[None, :] + (NPRED + 2 * NARG),
        ca[:, 0][None, :] + (2 * NPRED + 2 * NARG),
        ca[:, 1][None, :] + (2 * NPRED + 3 * NARG),
        jnp.full((1, B), RB1, jnp.int32),
    ], axis=0) * DW

    out_flat = _sc_gather(_pack_pairs(folded).reshape(-1), cidx_t)
    return out_flat.reshape(B, 1)

# --- scband reference (transcript-rebuilt; emitter-appended) ---
"""Pipeline reference for scband-simple-dln-43499428774599 (READ-ONLY COPY).

The authoritative reference and input builder live on the scoring server;
editing this copy changes nothing except your own understanding.
"""

import jax, jax.numpy as jnp
import numpy as np

B = 16384
P = 20
D = 128
NPRED = 64
NARG = 128


def setup_inputs(seed: int = 0) -> dict:
    key = jax.random.key(seed)
    ks = jax.random.split(key, 10)
    prem_pred_idx = jax.random.randint(ks[0], (B, P), 0, NPRED, dtype=jnp.int64 if jax.config.jax_enable_x64 else jnp.int32)
    prem_arg_idx = jax.random.randint(ks[1], (B, P, 2), 0, NARG)
    concl_pred_idx = jax.random.randint(ks[2], (B,), 0, NPRED)
    concl_arg_idx = jax.random.randint(ks[3], (B, 2), 0, NARG)
    pred_table = jax.random.normal(ks[4], (NPRED, D), dtype=jnp.float32) * 0.02
    arg_table = jax.random.normal(ks[5], (NARG, D), dtype=jnp.float32) * 0.02
    W1 = jax.random.normal(ks[6], (6 * D, D), dtype=jnp.float32) * 0.02
    b1 = jnp.zeros((D,), jnp.float32)
    W2 = jax.random.normal(ks[7], (D, 1), dtype=jnp.float32) * 0.02
    b2 = jnp.zeros((1,), jnp.float32)
    return {
        'prem_pred_idx': prem_pred_idx,
        'prem_arg_idx': prem_arg_idx,
        'concl_pred_idx': concl_pred_idx,
        'concl_arg_idx': concl_arg_idx,
        'pred_table': pred_table,
        'arg_table': arg_table,
        'W1': W1,
        'b1': b1,
        'W2': W2,
        'b2': b2,
    }


def _encode_prop(pred_table, arg_table, pred_idx, arg_idx):
    # embedding lookups (gather): pred_embed + two arg_embed slots, concatenated
    pe = jnp.take(pred_table, pred_idx, axis=0)            # [..., D]
    ae = jnp.take(arg_table, arg_idx, axis=0)              # [..., 2, D]
    ae = ae.reshape(ae.shape[:-2] + (ae.shape[-2] * ae.shape[-1],))  # [..., 2D]
    return jnp.concatenate([pe, ae], axis=-1)              # [..., 3D]


def reference(prem_pred_idx, prem_arg_idx, concl_pred_idx, concl_arg_idx,
              pred_table, arg_table, W1, b1, W2, b2):
    # encode_premises: per-proposition embedding concat, mean over premises
    prem = _encode_prop(pred_table, arg_table, prem_pred_idx, prem_arg_idx)  # [B, P, 3D]
    prem_repr = prem.mean(axis=1)                                            # [B, 3D]
    concl_repr = _encode_prop(pred_table, arg_table, concl_pred_idx, concl_arg_idx)  # [B, 3D]
    features = jnp.concatenate([prem_repr, concl_repr], axis=-1)             # [B, 6D]
    h = jax.nn.relu(features @ W1 + b1)
    out = jax.nn.sigmoid(h @ W2 + b2)                                        # [B, 1]
    return out

if __name__ == "__main__":
    import jax
    _d = setup_inputs()
    print(jax.jit(kernel)(*tuple(_d.values())))

</pallas_src>

<mosaic_0001>
#map = affine_map<(d0, d1) -> (0)>
#map1 = affine_map<(d0, d1) -> (0, 0)>
module attributes {stable_mosaic.version = 14 : i64} {
  func.func @_sc_gather(%arg0: i32, %arg1: i32, %arg2: memref<41472xi32, #tpu.memory_space<hbm>>, %arg3: memref<64x16384xi32, #tpu.memory_space<hbm>>, %arg4: memref<16384xf32, #tpu.memory_space<hbm>>, %arg5: memref<41472xi32, #tpu.memory_space<vmem>>, %arg6: memref<64x512xi32, #tpu.memory_space<vmem>>, %arg7: memref<32768xi32, #tpu.memory_space<vmem>>, %arg8: memref<512xf32, #tpu.memory_space<vmem>>) attributes {dimension_semantics = [#tpu.dimension_semantics<core_parallel>, #tpu.dimension_semantics<subcore_parallel>], iteration_bounds = array<i64: 2, 16>, scalar_prefetch = 0 : i64, scratch_operands = 4 : i64, tpu.core_type = #tpu.core_type<sc_vector_subcore>, window_params = [{transform_indices = #map}, {transform_indices = #map1}, {transform_indices = #map}]} {
    %mul3A = arith.constant 2 : i32
    %mul3A_0 = arith.muli %arg1, %mul3A : i32
    %add3A = arith.addi %mul3A_0, %arg0 : i32
    %mul3A_1 = arith.constant 512 : i32
    %mul3A_2 = arith.muli %add3A, %mul3A_1 : i32
    "tpu.region"() ({
      %run_scoped3A = tpu.sem_alloc : memref<!tpu.dma_semaphore, #tpu.memory_space<semaphore_mem>>
      tpu.enqueue_dma source(%arg2 : memref<41472xi32, #tpu.memory_space<hbm>>) target(%arg5 : memref<41472xi32, #tpu.memory_space<vmem>>) target_semaphore(%run_scoped3A : memref<!tpu.dma_semaphore, #tpu.memory_space<semaphore_mem>>)
      tpu.wait_dma2 semaphore(%run_scoped3A : memref<!tpu.dma_semaphore, #tpu.memory_space<semaphore_mem>>) src(%arg2 : memref<41472xi32, #tpu.memory_space<hbm>>) dst(%arg5 : memref<41472xi32, #tpu.memory_space<vmem>>)
      tpu.yield
    }) : () -> ()
    "tpu.region"() ({
      %run_scoped3A = tpu.sem_alloc : memref<!tpu.dma_semaphore, #tpu.memory_space<semaphore_mem>>
      %dma_start3A = arith.constant 0 : i32
      %dma_start3A_65 = tpu.memref_slice %arg3[%dma_start3A, %mul3A_2] : memref<64x16384xi32, #tpu.memory_space<hbm>> -> memref<64x512xi32, #tpu.memory_space<hbm>>
      %dma_start3A_66 = arith.constant 0 : i32
      %dma_start3A_67 = tpu.memref_slice %arg3[%dma_start3A_66, %mul3A_2] : memref<64x16384xi32, #tpu.memory_space<hbm>> -> memref<64x512xi32, #tpu.memory_space<hbm>>
      tpu.enqueue_dma source(%dma_start3A_67 : memref<64x512xi32, #tpu.memory_space<hbm>>) target(%arg6 : memref<64x512xi32, #tpu.memory_space<vmem>>) target_semaphore(%run_scoped3A : memref<!tpu.dma_semaphore, #tpu.memory_space<semaphore_mem>>)
      %dma_wait3A = arith.constant 0 : i32
      %dma_wait3A_68 = tpu.memref_slice %arg3[%dma_wait3A, %mul3A_2] : memref<64x16384xi32, #tpu.memory_space<hbm>> -> memref<64x512xi32, #tpu.memory_space<hbm>>
      %dma_wait3A_69 = arith.constant 0 : i32
      %dma_wait3A_70 = tpu.memref_slice %arg3[%dma_wait3A_69, %mul3A_2] : memref<64x16384xi32, #tpu.memory_space<hbm>> -> memref<64x512xi32, #tpu.memory_space<hbm>>
      tpu.wait_dma2 semaphore(%run_scoped3A : memref<!tpu.dma_semaphore, #tpu.memory_space<semaphore_mem>>) src(%dma_wait3A_70 : memref<64x512xi32, #tpu.memory_space<hbm>>) dst(%arg6 : memref<64x512xi32, #tpu.memory_space<vmem>>)
      tpu.yield
    }) : () -> ()
    %iota3A = tpu.iota {dimensions = array<i32: 0>} : vector<16xi32>
    %add3A_3 = arith.constant 0 : i32
    %add3A_4 = vector.broadcast %add3A_3 : i32 to vector<16xi32>
    %add3A_5 = arith.addi %iota3A, %add3A_4 : vector<16xi32>
    %iota3A_6 = tpu.iota {dimensions = array<i32: 0>} : vector<16xi32>
    %add3A_7 = arith.constant 16 : i32
    %add3A_8 = vector.broadcast %add3A_7 : i32 to vector<16xi32>
    %add3A_9 = arith.addi %iota3A_6, %add3A_8 : vector<16xi32>
    %iota3A_10 = tpu.iota {dimensions = array<i32: 0>} : vector<16xi32>
    %add3A_11 = arith.constant 32 : i32
    %add3A_12 = vector.broadcast %add3A_11 : i32 to vector<16xi32>
    %add3A_13 = arith.addi %iota3A_10, %add3A_12 : vector<16xi32>
    %iota3A_14 = tpu.iota {dimensions = array<i32: 0>} : vector<16xi32>
    %add3A_15 = arith.constant 48 : i32
    %add3A_16 = vector.broadcast %add3A_15 : i32 to vector<16xi32>
    %add3A_17 = arith.addi %iota3A_14, %add3A_16 : vector<16xi32>
    %iota3A_18 = tpu.iota {dimensions = array<i32: 0>} : vector<16xi32>
    %add3A_19 = arith.constant 0 : i32
    %add3A_20 = vector.broadcast %add3A_19 : i32 to vector<16xi32>
    %add3A_21 = arith.addi %iota3A_18, %add3A_20 : vector<16xi32>
    %iota3A_22 = tpu.iota {dimensions = array<i32: 0>} : vector<16xi32>
    %add3A_23 = arith.constant 16 : i32
    %add3A_24 = vector.broadcast %add3A_23 : i32 to vector<16xi32>
    %add3A_25 = arith.addi %iota3A_22, %add3A_24 : vector<16xi32>
    %iota3A_26 = tpu.iota {dimensions = array<i32: 0>} : vector<16xi32>
    %add3A_27 = arith.constant 32 : i32
    %add3A_28 = vector.broadcast %add3A_27 : i32 to vector<16xi32>
    %add3A_29 = arith.addi %iota3A_26, %add3A_28 : vector<16xi32>
    %iota3A_30 = tpu.iota {dimensions = array<i32: 0>} : vector<16xi32>
    %add3A_31 = arith.constant 48 : i32
    %add3A_32 = vector.broadcast %add3A_31 : i32 to vector<16xi32>
    %add3A_33 = arith.addi %iota3A_30, %add3A_32 : vector<16xi32>
    %get3A = arith.constant 41024 : index
    %get3A_34 = tpu.vector_load %arg5[%get3A] {strides = array<i32>} : memref<41472xi32, #tpu.memory_space<vmem>>, vector<16xi32>,
    %get3A_35 = arith.constant 41040 : index
    %get3A_36 = tpu.vector_load %arg5[%get3A_35] {strides = array<i32>} : memref<41472xi32, #tpu.memory_space<vmem>>, vector<16xi32>,
    %get3A_37 = arith.constant 41056 : index
    %get3A_38 = tpu.vector_load %arg5[%get3A_37] {strides = array<i32>} : memref<41472xi32, #tpu.memory_space<vmem>>, vector<16xi32>,
    %get3A_39 = arith.constant 41072 : index
    %get3A_40 = tpu.vector_load %arg5[%get3A_39] {strides = array<i32>} : memref<41472xi32, #tpu.memory_space<vmem>>, vector<16xi32>,
    %get3A_41 = arith.constant 41088 : index
    %get3A_42 = tpu.vector_load %arg5[%get3A_41] {strides = array<i32>} : memref<41472xi32, #tpu.memory_space<vmem>>, vector<16xi32>,
    %bitcast3A = vector.bitcast %get3A_42 : vector<16xi32> to vector<32xbf16>
    %unpack3A = tpu.unpack_subelements %bitcast3A, 0 {pack_format = #tpu.pack_format<interleaved>} : vector<32xbf16> -> vector<16xf32>
    %unpack3A_43 = tpu.unpack_subelements %bitcast3A, 1 {pack_format = #tpu.pack_format<interleaved>} : vector<32xbf16> -> vector<16xf32>
    %add3A_44 = arith.addf %unpack3A, %unpack3A_43 : vector<16xf32>
    %reduce_sum3A = arith.constant true
    %reduce_sum3A_45 = vector.broadcast %reduce_sum3A : i1 to vector<16xi1>
    %reduce_sum3A_46 = tpu.scan <sum>, %add3A_44 masked %reduce_sum3A_45 : vector<16xf32>, vector<16xi1> -> vector<16xf32>
    %reduce_sum3A_47 = vector.extract %reduce_sum3A_46[15] : f32 from vector<16xf32>
    %broadcast_in_dim3A = vector.broadcast %reduce_sum3A_47 : f32 to vector<16xf32>
    %broadcast_in_dim3A_48 = arith.constant 0.000000e+00 : bf16
    %broadcast_in_dim3A_49 = vector.broadcast %broadcast_in_dim3A_48 : bf16 to vector<32xbf16>
    %scan3A = arith.constant 0 : i32
    %scan3A_50 = arith.constant 0 : i32
    %scan3A_51 = arith.constant 512 : i32
    %scan3A_52 = arith.addi %scan3A_50, %scan3A_51 : i32
    %scan3A_53 = arith.constant 1 : i32
    scf.for %scan3A_65 = %scan3A_50 to %scan3A_52 step %scan3A_53  : i32 {
      %broadcast_in_dim3A_66 = vector.broadcast %scan3A_65 : i32 to vector<16xi32>
      %scan3A_67 = arith.constant 0 : i32
      %scan3A_68 = arith.constant 4 : i32
      %scan3A_69 = arith.addi %scan3A_67, %scan3A_68 : i32
      %scan3A_70 = arith.constant 1 : i32
      %scan3A_71:4 = scf.for %scan3A_100 = %scan3A_67 to %scan3A_69 step %scan3A_70 iter_args(%scan3A_101 = %broadcast_in_dim3A_49, %scan3A_102 = %broadcast_in_dim3A_49, %scan3A_103 = %broadcast_in_dim3A_49, %scan3A_104 = %broadcast_in_dim3A_49) -> (vector<32xbf16>, vector<32xbf16>, vector<32xbf16>, vector<32xbf16>)  : i32 {
        %eq3A = arith.constant 0 : i32
        %eq3A_105 = arith.cmpi eq, %scan3A_100, %eq3A : i32
        %eq3A_106 = arith.constant 1 : i32
        %eq3A_107 = arith.cmpi eq, %scan3A_100, %eq3A_106 : i32
        %eq3A_108 = arith.constant 2 : i32
        %eq3A_109 = arith.cmpi eq, %scan3A_100, %eq3A_108 : i32
        %select_n3A = arith.select %eq3A_109, %add3A_29, %add3A_33 : vector<16xi32>
        %select_n3A_110 = arith.select %eq3A_107, %add3A_25, %select_n3A : vector<16xi32>
        %select_n3A_111 = arith.select %eq3A_105, %add3A_21, %select_n3A_110 : vector<16xi32>
        %gather3A = tpu.vector_load_idx %arg6[%select_n3A_111, %broadcast_in_dim3A_66] : memref<64x512xi32, #tpu.memory_space<vmem>>[vector<16xi32>, vector<16xi32>], vector<16xi32>,
        %slice3A = vector.extract_strided_slice %gather3A {offsets = [0], sizes = [1], strides = [1]} : vector<16xi32> to vector<1xi32>
        %squeeze3A = vector.extract %slice3A[0] : i32 from vector<1xi32>
        %broadcast_in_dim3A_112 = vector.broadcast %squeeze3A : i32 to vector<16xi32>
        %add3A_113 = arith.addi %broadcast_in_dim3A_112, %add3A_5 : vector<16xi32>
        %gather3A_114 = tpu.vector_load_idx %arg5[%add3A_113] : memref<41472xi32, #tpu.memory_space<vmem>>[vector<16xi32>], vector<16xi32>,
        %bitcast3A_115 = vector.bitcast %gather3A_114 : vector<16xi32> to vector<32xbf16>
        %add3A_116 = arith.addf %scan3A_101, %bitcast3A_115 : vector<32xbf16>
        %add3A_117 = arith.addi %broadcast_in_dim3A_112, %add3A_9 : vector<16xi32>
        %gather3A_118 = tpu.vector_load_idx %arg5[%add3A_117] : memref<41472xi32, #tpu.memory_space<vmem>>[vector<16xi32>], vector<16xi32>,
        %bitcast3A_119 = vector.bitcast %gather3A_118 : vector<16xi32> to vector<32xbf16>
        %add3A_120 = arith.addf %scan3A_102, %bitcast3A_119 : vector<32xbf16>
        %add3A_121 = arith.addi %broadcast_in_dim3A_112, %add3A_13 : vector<16xi32>
        %gather3A_122 = tpu.vector_load_idx %arg5[%add3A_121] : memref<41472xi32, #tpu.memory_space<vmem>>[vector<16xi32>], vector<16xi32>,
        %bitcast3A_123 = vector.bitcast %gather3A_122 : vector<16xi32> to vector<32xbf16>
        %add3A_124 = arith.addf %scan3A_103, %bitcast3A_123 : vector<32xbf16>
        %add3A_125 = arith.addi %broadcast_in_dim3A_112, %add3A_17 : vector<16xi32>
        %gather3A_126 = tpu.vector_load_idx %arg5[%add3A_125] : memref<41472xi32, #tpu.memory_space<vmem>>[vector<16xi32>], vector<16xi32>,
        %bitcast3A_127 = vector.bitcast %gather3A_126 : vector<16xi32> to vector<32xbf16>
        %add3A_128 = arith.addf %scan3A_104, %bitcast3A_127 : vector<32xbf16>
        %slice3A_129 = vector.extract_strided_slice %gather3A {offsets = [1], sizes = [1], strides = [1]} : vector<16xi32> to vector<1xi32>
        %squeeze3A_130 = vector.extract %slice3A_129[0] : i32 from vector<1xi32>
        %broadcast_in_dim3A_131 = vector.broadcast %squeeze3A_130 : i32 to vector<16xi32>
        %add3A_132 = arith.addi %broadcast_in_dim3A_131, %add3A_5 : vector<16xi32>
        %gather3A_133 = tpu.vector_load_idx %arg5[%add3A_132] : memref<41472xi32, #tpu.memory_space<vmem>>[vector<16xi32>], vector<16xi32>,
        %bitcast3A_134 = vector.bitcast %gather3A_133 : vector<16xi32> to vector<32xbf16>
        %add3A_135 = arith.addf %add3A_116, %bitcast3A_134 : vector<32xbf16>
        %add3A_136 = arith.addi %broadcast_in_dim3A_131, %add3A_9 : vector<16xi32>
        %gather3A_137 = tpu.vector_load_idx %arg5[%add3A_136] : memref<41472xi32, #tpu.memory_space<vmem>>[vector<16xi32>], vector<16xi32>,
        %bitcast3A_138 = vector.bitcast %gather3A_137 : vector<16xi32> to vector<32xbf16>
        %add3A_139 = arith.addf %add3A_120, %bitcast3A_138 : vector<32xbf16>
        %add3A_140 = arith.addi %broadcast_in_dim3A_131, %add3A_13 : vector<16xi32>
        %gather3A_141 = tpu.vector_load_idx %arg5[%add3A_140] : memref<41472xi32, #tpu.memory_space<vmem>>[vector<16xi32>], vector<16xi32>,
        %bitcast3A_142 = vector.bitcast %gather3A_141 : vector<16xi32> to vector<32xbf16>
        %add3A_143 = arith.addf %add3A_124, %bitcast3A_142 : vector<32xbf16>
        %add3A_144 = arith.addi %broadcast_in_dim3A_131, %add3A_17 : vector<16xi32>
        %gather3A_145 = tpu.vector_load_idx %arg5[%add3A_144] : memref<41472xi32, #tpu.memory_space<vmem>>[vector<16xi32>], vector<16xi32>,
        %bitcast3A_146 = vector.bitcast %gather3A_145 : vector<16xi32> to vector<32xbf16>
        %add3A_147 = arith.addf %add3A_128, %bitcast3A_146 : vector<32xbf16>
        %slice3A_148 = vector.extract_strided_slice %gather3A {offsets = [2], sizes = [1], strides = [1]} : vector<16xi32> to vector<1xi32>
        %squeeze3A_149 = vector.extract %slice3A_148[0] : i32 from vector<1xi32>
        %broadcast_in_dim3A_150 = vector.broadcast %squeeze3A_149 : i32 to vector<16xi32>
        %add3A_151 = arith.addi %broadcast_in_dim3A_150, %add3A_5 : vector<16xi32>
        %gather3A_152 = tpu.vector_load_idx %arg5[%add3A_151] : memref<41472xi32, #tpu.memory_space<vmem>>[vector<16xi32>], vector<16xi32>,
        %bitcast3A_153 = vector.bitcast %gather3A_152 : vector<16xi32> to vector<32xbf16>
        %add3A_154 = arith.addf %add3A_135, %bitcast3A_153 : vector<32xbf16>
        %add3A_155 = arith.addi %broadcast_in_dim3A_150, %add3A_9 : vector<16xi32>
        %gather3A_156 = tpu.vector_load_idx %arg5[%add3A_155] : memref<41472xi32, #tpu.memory_space<vmem>>[vector<16xi32>], vector<16xi32>,
        %bitcast3A_157 = vector.bitcast %gather3A_156 : vector<16xi32> to vector<32xbf16>
        %add3A_158 = arith.addf %add3A_139, %bitcast3A_157 : vector<32xbf16>
        %add3A_159 = arith.addi %broadcast_in_dim3A_150, %add3A_13 : vector<16xi32>
        %gather3A_160 = tpu.vector_load_idx %arg5[%add3A_159] : memref<41472xi32, #tpu.memory_space<vmem>>[vector<16xi32>], vector<16xi32>,
        %bitcast3A_161 = vector.bitcast %gather3A_160 : vector<16xi32> to vector<32xbf16>
        %add3A_162 = arith.addf %add3A_143, %bitcast3A_161 : vector<32xbf16>
        %add3A_163 = arith.addi %broadcast_in_dim3A_150, %add3A_17 : vector<16xi32>
        %gather3A_164 = tpu.vector_load_idx %arg5[%add3A_163] : memref<41472xi32, #tpu.memory_space<vmem>>[vector<16xi32>], vector<16xi32>,
        %bitcast3A_165 = vector.bitcast %gather3A_164 : vector<16xi32> to vector<32xbf16>
        %add3A_166 = arith.addf %add3A_147, %bitcast3A_165 : vector<32xbf16>
        %slice3A_167 = vector.extract_strided_slice %gather3A {offsets = [3], sizes = [1], strides = [1]} : vector<16xi32> to vector<1xi32>
        %squeeze3A_168 = vector.extract %slice3A_167[0] : i32 from vector<1xi32>
        %broadcast_in_dim3A_169 = vector.broadcast %squeeze3A_168 : i32 to vector<16xi32>
        %add3A_170 = arith.addi %broadcast_in_dim3A_169, %add3A_5 : vector<16xi32>
        %gather3A_171 = tpu.vector_load_idx %arg5[%add3A_170] : memref<41472xi32, #tpu.memory_space<vmem>>[vector<16xi32>], vector<16xi32>,
        %bitcast3A_172 = vector.bitcast %gather3A_171 : vector<16xi32> to vector<32xbf16>
        %add3A_173 = arith.addf %add3A_154, %bitcast3A_172 : vector<32xbf16>
        %add3A_174 = arith.addi %broadcast_in_dim3A_169, %add3A_9 : vector<16xi32>
        %gather3A_175 = tpu.vector_load_idx %arg5[%add3A_174] : memref<41472xi32, #tpu.memory_space<vmem>>[vector<16xi32>], vector<16xi32>,
        %bitcast3A_176 = vector.bitcast %gather3A_175 : vector<16xi32> to vector<32xbf16>
        %add3A_177 = arith.addf %add3A_158, %bitcast3A_176 : vector<32xbf16>
        %add3A_178 = arith.addi %broadcast_in_dim3A_169, %add3A_13 : vector<16xi32>
        %gather3A_179 = tpu.vector_load_idx %arg5[%add3A_178] : memref<41472xi32, #tpu.memory_space<vmem>>[vector<16xi32>], vector<16xi32>,
        %bitcast3A_180 = vector.bitcast %gather3A_179 : vector<16xi32> to vector<32xbf16>
        %add3A_181 = arith.addf %add3A_162, %bitcast3A_180 : vector<32xbf16>
        %add3A_182 = arith.addi %broadcast_in_dim3A_169, %add3A_17 : vector<16xi32>
        %gather3A_183 = tpu.vector_load_idx %arg5[%add3A_182] : memref<41472xi32, #tpu.memory_space<vmem>>[vector<16xi32>], vector<16xi32>,
        %bitcast3A_184 = vector.bitcast %gather3A_183 : vector<16xi32> to vector<32xbf16>
        %add3A_185 = arith.addf %add3A_166, %bitcast3A_184 : vector<32xbf16>
        %slice3A_186 = vector.extract_strided_slice %gather3A {offsets = [4], sizes = [1], strides = [1]} : vector<16xi32> to vector<1xi32>
        %squeeze3A_187 = vector.extract %slice3A_186[0] : i32 from vector<1xi32>
        %broadcast_in_dim3A_188 = vector.broadcast %squeeze3A_187 : i32 to vector<16xi32>
        %add3A_189 = arith.addi %broadcast_in_dim3A_188, %add3A_5 : vector<16xi32>
        %gather3A_190 = tpu.vector_load_idx %arg5[%add3A_189] : memref<41472xi32, #tpu.memory_space<vmem>>[vector<16xi32>], vector<16xi32>,
        %bitcast3A_191 = vector.bitcast %gather3A_190 : vector<16xi32> to vector<32xbf16>
        %add3A_192 = arith.addf %add3A_173, %bitcast3A_191 : vector<32xbf16>
        %add3A_193 = arith.addi %broadcast_in_dim3A_188, %add3A_9 : vector<16xi32>
        %gather3A_194 = tpu.vector_load_idx %arg5[%add3A_193] : memref<41472xi32, #tpu.memory_space<vmem>>[vector<16xi32>], vector<16xi32>,
        %bitcast3A_195 = vector.bitcast %gather3A_194 : vector<16xi32> to vector<32xbf16>
        %add3A_196 = arith.addf %add3A_177, %bitcast3A_195 : vector<32xbf16>
        %add3A_197 = arith.addi %broadcast_in_dim3A_188, %add3A_13 : vector<16xi32>
        %gather3A_198 = tpu.vector_load_idx %arg5[%add3A_197] : memref<41472xi32, #tpu.memory_space<vmem>>[vector<16xi32>], vector<16xi32>,
        %bitcast3A_199 = vector.bitcast %gather3A_198 : vector<16xi32> to vector<32xbf16>
        %add3A_200 = arith.addf %add3A_181, %bitcast3A_199 : vector<32xbf16>
        %add3A_201 = arith.addi %broadcast_in_dim3A_188, %add3A_17 : vector<16xi32>
        %gather3A_202 = tpu.vector_load_idx %arg5[%add3A_201] : memref<41472xi32, #tpu.memory_space<vmem>>[vector<16xi32>], vector<16xi32>,
        %bitcast3A_203 = vector.bitcast %gather3A_202 : vector<16xi32> to vector<32xbf16>
        %add3A_204 = arith.addf %add3A_185, %bitcast3A_203 : vector<32xbf16>
        %slice3A_205 = vector.extract_strided_slice %gather3A {offsets = [5], sizes = [1], strides = [1]} : vector<16xi32> to vector<1xi32>
        %squeeze3A_206 = vector.extract %slice3A_205[0] : i32 from vector<1xi32>
        %broadcast_in_dim3A_207 = vector.broadcast %squeeze3A_206 : i32 to vector<16xi32>
        %add3A_208 = arith.addi %broadcast_in_dim3A_207, %add3A_5 : vector<16xi32>
        %gather3A_209 = tpu.vector_load_idx %arg5[%add3A_208] : memref<41472xi32, #tpu.memory_space<vmem>>[vector<16xi32>], vector<16xi32>,
        %bitcast3A_210 = vector.bitcast %gather3A_209 : vector<16xi32> to vector<32xbf16>
        %add3A_211 = arith.addf %add3A_192, %bitcast3A_210 : vector<32xbf16>
        %add3A_212 = arith.addi %broadcast_in_dim3A_207, %add3A_9 : vector<16xi32>
        %gather3A_213 = tpu.vector_load_idx %arg5[%add3A_212] : memref<41472xi32, #tpu.memory_space<vmem>>[vector<16xi32>], vector<16xi32>,
        %bitcast3A_214 = vector.bitcast %gather3A_213 : vector<16xi32> to vector<32xbf16>
        %add3A_215 = arith.addf %add3A_196, %bitcast3A_214 : vector<32xbf16>
        %add3A_216 = arith.addi %broadcast_in_dim3A_207, %add3A_13 : vector<16xi32>
        %gather3A_217 = tpu.vector_load_idx %arg5[%add3A_216] : memref<41472xi32, #tpu.memory_space<vmem>>[vector<16xi32>], vector<16xi32>,
        %bitcast3A_218 = vector.bitcast %gather3A_217 : vector<16xi32> to vector<32xbf16>
        %add3A_219 = arith.addf %add3A_200, %bitcast3A_218 : vector<32xbf16>
        %add3A_220 = arith.addi %broadcast_in_dim3A_207, %add3A_17 : vector<16xi32>
        %gather3A_221 = tpu.vector_load_idx %arg5[%add3A_220] : memref<41472xi32, #tpu.memory_space<vmem>>[vector<16xi32>], vector<16xi32>,
        %bitcast3A_222 = vector.bitcast %gather3A_221 : vector<16xi32> to vector<32xbf16>
        %add3A_223 = arith.addf %add3A_204, %bitcast3A_222 : vector<32xbf16>
        %slice3A_224 = vector.extract_strided_slice %gather3A {offsets = [6], sizes = [1], strides = [1]} : vector<16xi32> to vector<1xi32>
        %squeeze3A_225 = vector.extract %slice3A_224[0] : i32 from vector<1xi32>
        %broadcast_in_dim3A_226 = vector.broadcast %squeeze3A_225 : i32 to vector<16xi32>
        %add3A_227 = arith.addi %broadcast_in_dim3A_226, %add3A_5 : vector<16xi32>
        %gather3A_228 = tpu.vector_load_idx %arg5[%add3A_227] : memref<41472xi32, #tpu.memory_space<vmem>>[vector<16xi32>], vector<16xi32>,
        %bitcast3A_229 = vector.bitcast %gather3A_228 : vector<16xi32> to vector<32xbf16>
        %add3A_230 = arith.addf %add3A_211, %bitcast3A_229 : vector<32xbf16>
        %add3A_231 = arith.addi %broadcast_in_dim3A_226, %add3A_9 : vector<16xi32>
        %gather3A_232 = tpu.vector_load_idx %arg5[%add3A_231] : memref<41472xi32, #tpu.memory_space<vmem>>[vector<16xi32>], vector<16xi32>,
        %bitcast3A_233 = vector.bitcast %gather3A_232 : vector<16xi32> to vector<32xbf16>
        %add3A_234 = arith.addf %add3A_215, %bitcast3A_233 : vector<32xbf16>
        %add3A_235 = arith.addi %broadcast_in_dim3A_226, %add3A_13 : vector<16xi32>
        %gather3A_236 = tpu.vector_load_idx %arg5[%add3A_235] : memref<41472xi32, #tpu.memory_space<vmem>>[vector<16xi32>], vector<16xi32>,
        %bitcast3A_237 = vector.bitcast %gather3A_236 : vector<16xi32> to vector<32xbf16>
        %add3A_238 = arith.addf %add3A_219, %bitcast3A_237 : vector<32xbf16>
        %add3A_239 = arith.addi %broadcast_in_dim3A_226, %add3A_17 : vector<16xi32>
        %gather3A_240 = tpu.vector_load_idx %arg5[%add3A_239] : memref<41472xi32, #tpu.memory_space<vmem>>[vector<16xi32>], vector<16xi32>,
        %bitcast3A_241 = vector.bitcast %gather3A_240 : vector<16xi32> to vector<32xbf16>
        %add3A_242 = arith.addf %add3A_223, %bitcast3A_241 : vector<32xbf16>
        %slice3A_243 = vector.extract_strided_slice %gather3A {offsets = [7], sizes = [1], strides = [1]} : vector<16xi32> to vector<1xi32>
        %squeeze3A_244 = vector.extract %slice3A_243[0] : i32 from vector<1xi32>
        %broadcast_in_dim3A_245 = vector.broadcast %squeeze3A_244 : i32 to vector<16xi32>
        %add3A_246 = arith.addi %broadcast_in_dim3A_245, %add3A_5 : vector<16xi32>
        %gather3A_247 = tpu.vector_load_idx %arg5[%add3A_246] : memref<41472xi32, #tpu.memory_space<vmem>>[vector<16xi32>], vector<16xi32>,
        %bitcast3A_248 = vector.bitcast %gather3A_247 : vector<16xi32> to vector<32xbf16>
        %add3A_249 = arith.addf %add3A_230, %bitcast3A_248 : vector<32xbf16>
        %add3A_250 = arith.addi %broadcast_in_dim3A_245, %add3A_9 : vector<16xi32>
        %gather3A_251 = tpu.vector_load_idx %arg5[%add3A_250] : memref<41472xi32, #tpu.memory_space<vmem>>[vector<16xi32>], vector<16xi32>,
        %bitcast3A_252 = vector.bitcast %gather3A_251 : vector<16xi32> to vector<32xbf16>
        %add3A_253 = arith.addf %add3A_234, %bitcast3A_252 : vector<32xbf16>
        %add3A_254 = arith.addi %broadcast_in_dim3A_245, %add3A_13 : vector<16xi32>
        %gather3A_255 = tpu.vector_load_idx %arg5[%add3A_254] : memref<41472xi32, #tpu.memory_space<vmem>>[vector<16xi32>], vector<16xi32>,
        %bitcast3A_256 = vector.bitcast %gather3A_255 : vector<16xi32> to vector<32xbf16>
        %add3A_257 = arith.addf %add3A_238, %bitcast3A_256 : vector<32xbf16>
        %add3A_258 = arith.addi %broadcast_in_dim3A_245, %add3A_17 : vector<16xi32>
        %gather3A_259 = tpu.vector_load_idx %arg5[%add3A_258] : memref<41472xi32, #tpu.memory_space<vmem>>[vector<16xi32>], vector<16xi32>,
        %bitcast3A_260 = vector.bitcast %gather3A_259 : vector<16xi32> to vector<32xbf16>
        %add3A_261 = arith.addf %add3A_242, %bitcast3A_260 : vector<32xbf16>
        %slice3A_262 = vector.extract_strided_slice %gather3A {offsets = [8], sizes = [1], strides = [1]} : vector<16xi32> to vector<1xi32>
        %squeeze3A_263 = vector.extract %slice3A_262[0] : i32 from vector<1xi32>
        %broadcast_in_dim3A_264 = vector.broadcast %squeeze3A_263 : i32 to vector<16xi32>
        %add3A_265 = arith.addi %broadcast_in_dim3A_264, %add3A_5 : vector<16xi32>
        %gather3A_266 = tpu.vector_load_idx %arg5[%add3A_265] : memref<41472xi32, #tpu.memory_space<vmem>>[vector<16xi32>], vector<16xi32>,
        %bitcast3A_267 = vector.bitcast %gather3A_266 : vector<16xi32> to vector<32xbf16>
        %add3A_268 = arith.addf %add3A_249, %bitcast3A_267 : vector<32xbf16>
        %add3A_269 = arith.addi %broadcast_in_dim3A_264, %add3A_9 : vector<16xi32>
        %gather3A_270 = tpu.vector_load_idx %arg5[%add3A_269] : memref<41472xi32, #tpu.memory_space<vmem>>[vector<16xi32>], vector<16xi32>,
        %bitcast3A_271 = vector.bitcast %gather3A_270 : vector<16xi32> to vector<32xbf16>
        %add3A_272 = arith.addf %add3A_253, %bitcast3A_271 : vector<32xbf16>
        %add3A_273 = arith.addi %broadcast_in_dim3A_264, %add3A_13 : vector<16xi32>
        %gather3A_274 = tpu.vector_load_idx %arg5[%add3A_273] : memref<41472xi32, #tpu.memory_space<vmem>>[vector<16xi32>], vector<16xi32>,
        %bitcast3A_275 = vector.bitcast %gather3A_274 : vector<16xi32> to vector<32xbf16>
        %add3A_276 = arith.addf %add3A_257, %bitcast3A_275 : vector<32xbf16>
        %add3A_277 = arith.addi %broadcast_in_dim3A_264, %add3A_17 : vector<16xi32>
        %gather3A_278 = tpu.vector_load_idx %arg5[%add3A_277] : memref<41472xi32, #tpu.memory_space<vmem>>[vector<16xi32>], vector<16xi32>,
        %bitcast3A_279 = vector.bitcast %gather3A_278 : vector<16xi32> to vector<32xbf16>
        %add3A_280 = arith.addf %add3A_261, %bitcast3A_279 : vector<32xbf16>
        %slice3A_281 = vector.extract_strided_slice %gather3A {offsets = [9], sizes = [1], strides = [1]} : vector<16xi32> to vector<1xi32>
        %squeeze3A_282 = vector.extract %slice3A_281[0] : i32 from vector<1xi32>
        %broadcast_in_dim3A_283 = vector.broadcast %squeeze3A_282 : i32 to vector<16xi32>
        %add3A_284 = arith.addi %broadcast_in_dim3A_283, %add3A_5 : vector<16xi32>
        %gather3A_285 = tpu.vector_load_idx %arg5[%add3A_284] : memref<41472xi32, #tpu.memory_space<vmem>>[vector<16xi32>], vector<16xi32>,
        %bitcast3A_286 = vector.bitcast %gather3A_285 : vector<16xi32> to vector<32xbf16>
        %add3A_287 = arith.addf %add3A_268, %bitcast3A_286 : vector<32xbf16>
        %add3A_288 = arith.addi %broadcast_in_dim3A_283, %add3A_9 : vector<16xi32>
        %gather3A_289 = tpu.vector_load_idx %arg5[%add3A_288] : memref<41472xi32, #tpu.memory_space<vmem>>[vector<16xi32>], vector<16xi32>,
        %bitcast3A_290 = vector.bitcast %gather3A_289 : vector<16xi32> to vector<32xbf16>
        %add3A_291 = arith.addf %add3A_272, %bitcast3A_290 : vector<32xbf16>
        %add3A_292 = arith.addi %broadcast_in_dim3A_283, %add3A_13 : vector<16xi32>
        %gather3A_293 = tpu.vector_load_idx %arg5[%add3A_292] : memref<41472xi32, #tpu.memory_space<vmem>>[vector<16xi32>], vector<16xi32>,
        %bitcast3A_294 = vector.bitcast %gather3A_293 : vector<16xi32> to vector<32xbf16>
        %add3A_295 = arith.addf %add3A_276, %bitcast3A_294 : vector<32xbf16>
        %add3A_296 = arith.addi %broadcast_in_dim3A_283, %add3A_17 : vector<16xi32>
        %gather3A_297 = tpu.vector_load_idx %arg5[%add3A_296] : memref<41472xi32, #tpu.memory_space<vmem>>[vector<16xi32>], vector<16xi32>,
        %bitcast3A_298 = vector.bitcast %gather3A_297 : vector<16xi32> to vector<32xbf16>
        %add3A_299 = arith.addf %add3A_280, %bitcast3A_298 : vector<32xbf16>
        %slice3A_300 = vector.extract_strided_slice %gather3A {offsets = [10], sizes = [1], strides = [1]} : vector<16xi32> to vector<1xi32>
        %squeeze3A_301 = vector.extract %slice3A_300[0] : i32 from vector<1xi32>
        %broadcast_in_dim3A_302 = vector.broadcast %squeeze3A_301 : i32 to vector<16xi32>
        %add3A_303 = arith.addi %broadcast_in_dim3A_302, %add3A_5 : vector<16xi32>
        %gather3A_304 = tpu.vector_load_idx %arg5[%add3A_303] : memref<41472xi32, #tpu.memory_space<vmem>>[vector<16xi32>], vector<16xi32>,
        %bitcast3A_305 = vector.bitcast %gather3A_304 : vector<16xi32> to vector<32xbf16>
        %add3A_306 = arith.addf %add3A_287, %bitcast3A_305 : vector<32xbf16>
        %add3A_307 = arith.addi %broadcast_in_dim3A_302, %add3A_9 : vector<16xi32>
        %gather3A_308 = tpu.vector_load_idx %arg5[%add3A_307] : memref<41472xi32, #tpu.memory_space<vmem>>[vector<16xi32>], vector<16xi32>,
        %bitcast3A_309 = vector.bitcast %gather3A_308 : vector<16xi32> to vector<32xbf16>
        %add3A_310 = arith.addf %add3A_291, %bitcast3A_309 : vector<32xbf16>
        %add3A_311 = arith.addi %broadcast_in_dim3A_302, %add3A_13 : vector<16xi32>
        %gather3A_312 = tpu.vector_load_idx %arg5[%add3A_311] : memref<41472xi32, #tpu.memory_space<vmem>>[vector<16xi32>], vector<16xi32>,
        %bitcast3A_313 = vector.bitcast %gather3A_312 : vector<16xi32> to vector<32xbf16>
        %add3A_314 = arith.addf %add3A_295, %bitcast3A_313 : vector<32xbf16>
        %add3A_315 = arith.addi %broadcast_in_dim3A_302, %add3A_17 : vector<16xi32>
        %gather3A_316 = tpu.vector_load_idx %arg5[%add3A_315] : memref<41472xi32, #tpu.memory_space<vmem>>[vector<16xi32>], vector<16xi32>,
        %bitcast3A_317 = vector.bitcast %gather3A_316 : vector<16xi32> to vector<32xbf16>
        %add3A_318 = arith.addf %add3A_299, %bitcast3A_317 : vector<32xbf16>
        %slice3A_319 = vector.extract_strided_slice %gather3A {offsets = [11], sizes = [1], strides = [1]} : vector<16xi32> to vector<1xi32>
        %squeeze3A_320 = vector.extract %slice3A_319[0] : i32 from vector<1xi32>
        %broadcast_in_dim3A_321 = vector.broadcast %squeeze3A_320 : i32 to vector<16xi32>
        %add3A_322 = arith.addi %broadcast_in_dim3A_321, %add3A_5 : vector<16xi32>
        %gather3A_323 = tpu.vector_load_idx %arg5[%add3A_322] : memref<41472xi32, #tpu.memory_space<vmem>>[vector<16xi32>], vector<16xi32>,
        %bitcast3A_324 = vector.bitcast %gather3A_323 : vector<16xi32> to vector<32xbf16>
        %add3A_325 = arith.addf %add3A_306, %bitcast3A_324 : vector<32xbf16>
        %add3A_326 = arith.addi %broadcast_in_dim3A_321, %add3A_9 : vector<16xi32>
        %gather3A_327 = tpu.vector_load_idx %arg5[%add3A_326] : memref<41472xi32, #tpu.memory_space<vmem>>[vector<16xi32>], vector<16xi32>,
        %bitcast3A_328 = vector.bitcast %gather3A_327 : vector<16xi32> to vector<32xbf16>
        %add3A_329 = arith.addf %add3A_310, %bitcast3A_328 : vector<32xbf16>
        %add3A_330 = arith.addi %broadcast_in_dim3A_321, %add3A_13 : vector<16xi32>
        %gather3A_331 = tpu.vector_load_idx %arg5[%add3A_330] : memref<41472xi32, #tpu.memory_space<vmem>>[vector<16xi32>], vector<16xi32>,
        %bitcast3A_332 = vector.bitcast %gather3A_331 : vector<16xi32> to vector<32xbf16>
        %add3A_333 = arith.addf %add3A_314, %bitcast3A_332 : vector<32xbf16>
        %add3A_334 = arith.addi %broadcast_in_dim3A_321, %add3A_17 : vector<16xi32>
        %gather3A_335 = tpu.vector_load_idx %arg5[%add3A_334] : memref<41472xi32, #tpu.memory_space<vmem>>[vector<16xi32>], vector<16xi32>,
        %bitcast3A_336 = vector.bitcast %gather3A_335 : vector<16xi32> to vector<32xbf16>
        %add3A_337 = arith.addf %add3A_318, %bitcast3A_336 : vector<32xbf16>
        %slice3A_338 = vector.extract_strided_slice %gather3A {offsets = [12], sizes = [1], strides = [1]} : vector<16xi32> to vector<1xi32>
        %squeeze3A_339 = vector.extract %slice3A_338[0] : i32 from vector<1xi32>
        %broadcast_in_dim3A_340 = vector.broadcast %squeeze3A_339 : i32 to vector<16xi32>
        %add3A_341 = arith.addi %broadcast_in_dim3A_340, %add3A_5 : vector<16xi32>
        %gather3A_342 = tpu.vector_load_idx %arg5[%add3A_341] : memref<41472xi32, #tpu.memory_space<vmem>>[vector<16xi32>], vector<16xi32>,
        %bitcast3A_343 = vector.bitcast %gather3A_342 : vector<16xi32> to vector<32xbf16>
        %add3A_344 = arith.addf %add3A_325, %bitcast3A_343 : vector<32xbf16>
        %add3A_345 = arith.addi %broadcast_in_dim3A_340, %add3A_9 : vector<16xi32>
        %gather3A_346 = tpu.vector_load_idx %arg5[%add3A_345] : memref<41472xi32, #tpu.memory_space<vmem>>[vector<16xi32>], vector<16xi32>,
        %bitcast3A_347 = vector.bitcast %gather3A_346 : vector<16xi32> to vector<32xbf16>
        %add3A_348 = arith.addf %add3A_329, %bitcast3A_347 : vector<32xbf16>
        %add3A_349 = arith.addi %broadcast_in_dim3A_340, %add3A_13 : vector<16xi32>
        %gather3A_350 = tpu.vector_load_idx %arg5[%add3A_349] : memref<41472xi32, #tpu.memory_space<vmem>>[vector<16xi32>], vector<16xi32>,
        %bitcast3A_351 = vector.bitcast %gather3A_350 : vector<16xi32> to vector<32xbf16>
        %add3A_352 = arith.addf %add3A_333, %bitcast3A_351 : vector<32xbf16>
        %add3A_353 = arith.addi %broadcast_in_dim3A_340, %add3A_17 : vector<16xi32>
        %gather3A_354 = tpu.vector_load_idx %arg5[%add3A_353] : memref<41472xi32, #tpu.memory_space<vmem>>[vector<16xi32>], vector<16xi32>,
        %bitcast3A_355 = vector.bitcast %gather3A_354 : vector<16xi32> to vector<32xbf16>
        %add3A_356 = arith.addf %add3A_337, %bitcast3A_355 : vector<32xbf16>
        %slice3A_357 = vector.extract_strided_slice %gather3A {offsets = [13], sizes = [1], strides = [1]} : vector<16xi32> to vector<1xi32>
        %squeeze3A_358 = vector.extract %slice3A_357[0] : i32 from vector<1xi32>
        %broadcast_in_dim3A_359 = vector.broadcast %squeeze3A_358 : i32 to vector<16xi32>
        %add3A_360 = arith.addi %broadcast_in_dim3A_359, %add3A_5 : vector<16xi32>
        %gather3A_361 = tpu.vector_load_idx %arg5[%add3A_360] : memref<41472xi32, #tpu.memory_space<vmem>>[vector<16xi32>], vector<16xi32>,
        %bitcast3A_362 = vector.bitcast %gather3A_361 : vector<16xi32> to vector<32xbf16>
        %add3A_363 = arith.addf %add3A_344, %bitcast3A_362 : vector<32xbf16>
        %add3A_364 = arith.addi %broadcast_in_dim3A_359, %add3A_9 : vector<16xi32>
        %gather3A_365 = tpu.vector_load_idx %arg5[%add3A_364] : memref<41472xi32, #tpu.memory_space<vmem>>[vector<16xi32>], vector<16xi32>,
        %bitcast3A_366 = vector.bitcast %gather3A_365 : vector<16xi32> to vector<32xbf16>
        %add3A_367 = arith.addf %add3A_348, %bitcast3A_366 : vector<32xbf16>
        %add3A_368 = arith.addi %broadcast_in_dim3A_359, %add3A_13 : vector<16xi32>
        %gather3A_369 = tpu.vector_load_idx %arg5[%add3A_368] : memref<41472xi32, #tpu.memory_space<vmem>>[vector<16xi32>], vector<16xi32>,
        %bitcast3A_370 = vector.bitcast %gather3A_369 : vector<16xi32> to vector<32xbf16>
        %add3A_371 = arith.addf %add3A_352, %bitcast3A_370 : vector<32xbf16>
        %add3A_372 = arith.addi %broadcast_in_dim3A_359, %add3A_17 : vector<16xi32>
        %gather3A_373 = tpu.vector_load_idx %arg5[%add3A_372] : memref<41472xi32, #tpu.memory_space<vmem>>[vector<16xi32>], vector<16xi32>,
        %bitcast3A_374 = vector.bitcast %gather3A_373 : vector<16xi32> to vector<32xbf16>
        %add3A_375 = arith.addf %add3A_356, %bitcast3A_374 : vector<32xbf16>
        %slice3A_376 = vector.extract_strided_slice %gather3A {offsets = [14], sizes = [1], strides = [1]} : vector<16xi32> to vector<1xi32>
        %squeeze3A_377 = vector.extract %slice3A_376[0] : i32 from vector<1xi32>
        %broadcast_in_dim3A_378 = vector.broadcast %squeeze3A_377 : i32 to vector<16xi32>
        %add3A_379 = arith.addi %broadcast_in_dim3A_378, %add3A_5 : vector<16xi32>
        %gather3A_380 = tpu.vector_load_idx %arg5[%add3A_379] : memref<41472xi32, #tpu.memory_space<vmem>>[vector<16xi32>], vector<16xi32>,
        %bitcast3A_381 = vector.bitcast %gather3A_380 : vector<16xi32> to vector<32xbf16>
        %add3A_382 = arith.addf %add3A_363, %bitcast3A_381 : vector<32xbf16>
        %add3A_383 = arith.addi %broadcast_in_dim3A_378, %add3A_9 : vector<16xi32>
        %gather3A_384 = tpu.vector_load_idx %arg5[%add3A_383] : memref<41472xi32, #tpu.memory_space<vmem>>[vector<16xi32>], vector<16xi32>,
        %bitcast3A_385 = vector.bitcast %gather3A_384 : vector<16xi32> to vector<32xbf16>
        %add3A_386 = arith.addf %add3A_367, %bitcast3A_385 : vector<32xbf16>
        %add3A_387 = arith.addi %broadcast_in_dim3A_378, %add3A_13 : vector<16xi32>
        %gather3A_388 = tpu.vector_load_idx %arg5[%add3A_387] : memref<41472xi32, #tpu.memory_space<vmem>>[vector<16xi32>], vector<16xi32>,
        %bitcast3A_389 = vector.bitcast %gather3A_388 : vector<16xi32> to vector<32xbf16>
        %add3A_390 = arith.addf %add3A_371, %bitcast3A_389 : vector<32xbf16>
        %add3A_391 = arith.addi %broadcast_in_dim3A_378, %add3A_17 : vector<16xi32>
        %gather3A_392 = tpu.vector_load_idx %arg5[%add3A_391] : memref<41472xi32, #tpu.memory_space<vmem>>[vector<16xi32>], vector<16xi32>,
        %bitcast3A_393 = vector.bitcast %gather3A_392 : vector<16xi32> to vector<32xbf16>
        %add3A_394 = arith.addf %add3A_375, %bitcast3A_393 : vector<32xbf16>
        %slice3A_395 = vector.extract_strided_slice %gather3A {offsets = [15], sizes = [1], strides = [1]} : vector<16xi32> to vector<1xi32>
        %squeeze3A_396 = vector.extract %slice3A_395[0] : i32 from vector<1xi32>
        %broadcast_in_dim3A_397 = vector.broadcast %squeeze3A_396 : i32 to vector<16xi32>
        %add3A_398 = arith.addi %broadcast_in_dim3A_397, %add3A_5 : vector<16xi32>
        %gather3A_399 = tpu.vector_load_idx %arg5[%add3A_398] : memref<41472xi32, #tpu.memory_space<vmem>>[vector<16xi32>], vector<16xi32>,
        %bitcast3A_400 = vector.bitcast %gather3A_399 : vector<16xi32> to vector<32xbf16>
        %add3A_401 = arith.addf %add3A_382, %bitcast3A_400 : vector<32xbf16>
        %add3A_402 = arith.addi %broadcast_in_dim3A_397, %add3A_9 : vector<16xi32>
        %gather3A_403 = tpu.vector_load_idx %arg5[%add3A_402] : memref<41472xi32, #tpu.memory_space<vmem>>[vector<16xi32>], vector<16xi32>,
        %bitcast3A_404 = vector.bitcast %gather3A_403 : vector<16xi32> to vector<32xbf16>
        %add3A_405 = arith.addf %add3A_386, %bitcast3A_404 : vector<32xbf16>
        %add3A_406 = arith.addi %broadcast_in_dim3A_397, %add3A_13 : vector<16xi32>
        %gather3A_407 = tpu.vector_load_idx %arg5[%add3A_406] : memref<41472xi32, #tpu.memory_space<vmem>>[vector<16xi32>], vector<16xi32>,
        %bitcast3A_408 = vector.bitcast %gather3A_407 : vector<16xi32> to vector<32xbf16>
        %add3A_409 = arith.addf %add3A_390, %bitcast3A_408 : vector<32xbf16>
        %add3A_410 = arith.addi %broadcast_in_dim3A_397, %add3A_17 : vector<16xi32>
        %gather3A_411 = tpu.vector_load_idx %arg5[%add3A_410] : memref<41472xi32, #tpu.memory_space<vmem>>[vector<16xi32>], vector<16xi32>,
        %bitcast3A_412 = vector.bitcast %gather3A_411 : vector<16xi32> to vector<32xbf16>
        %add3A_413 = arith.addf %add3A_394, %bitcast3A_412 : vector<32xbf16>
        scf.yield %add3A_401, %add3A_405, %add3A_409, %add3A_413 : vector<32xbf16>, vector<32xbf16>, vector<32xbf16>, vector<32xbf16>
      }
      %scan3A_72 = arith.constant 4 : i32
      %bitcast3A_73 = vector.bitcast %scan3A_71#0 : vector<32xbf16> to vector<16xi32>
      %mul3A_74 = arith.constant 64 : i32
      %mul3A_75 = arith.muli %scan3A_65, %mul3A_74 : i32
      %add3A_76 = arith.constant 0 : i32
      %add3A_77 = arith.addi %mul3A_75, %add3A_76 : i32
      %swap3A = arith.index_cast %add3A_77 : i32 to index
      %swap3A_78 = tpu.vector_load %arg7[%swap3A] {strides = array<i32>} : memref<32768xi32, #tpu.memory_space<vmem>>, vector<16xi32>,
      tpu.vector_store %arg7[%swap3A], %bitcast3A_73 {strides = array<i32>} : memref<32768xi32, #tpu.memory_space<vmem>>, vector<16xi32>,
      %bitcast3A_79 = vector.bitcast %scan3A_71#1 : vector<32xbf16> to vector<16xi32>
      %mul3A_80 = arith.constant 64 : i32
      %mul3A_81 = arith.muli %scan3A_65, %mul3A_80 : i32
      %add3A_82 = arith.constant 16 : i32
      %add3A_83 = arith.addi %mul3A_81, %add3A_82 : i32
      %swap3A_84 = arith.index_cast %add3A_83 : i32 to index
      %swap3A_85 = tpu.vector_load %arg7[%swap3A_84] {strides = array<i32>} : memref<32768xi32, #tpu.memory_space<vmem>>, vector<16xi32>,
      tpu.vector_store %arg7[%swap3A_84], %bitcast3A_79 {strides = array<i32>} : memref<32768xi32, #tpu.memory_space<vmem>>, vector<16xi32>,
      %bitcast3A_86 = vector.bitcast %scan3A_71#2 : vector<32xbf16> to vector<16xi32>
      %mul3A_87 = arith.constant 64 : i32
      %mul3A_88 = arith.muli %scan3A_65, %mul3A_87 : i32
      %add3A_89 = arith.constant 32 : i32
      %add3A_90 = arith.addi %mul3A_88, %add3A_89 : i32
      %swap3A_91 = arith.index_cast %add3A_90 : i32 to index
      %swap3A_92 = tpu.vector_load %arg7[%swap3A_91] {strides = array<i32>} : memref<32768xi32, #tpu.memory_space<vmem>>, vector<16xi32>,
      tpu.vector_store %arg7[%swap3A_91], %bitcast3A_86 {strides = array<i32>} : memref<32768xi32, #tpu.memory_space<vmem>>, vector<16xi32>,
      %bitcast3A_93 = vector.bitcast %scan3A_71#3 : vector<32xbf16> to vector<16xi32>
      %mul3A_94 = arith.constant 64 : i32
      %mul3A_95 = arith.muli %scan3A_65, %mul3A_94 : i32
      %add3A_96 = arith.constant 48 : i32
      %add3A_97 = arith.addi %mul3A_95, %add3A_96 : i32
      %swap3A_98 = arith.index_cast %add3A_97 : i32 to index
      %swap3A_99 = tpu.vector_load %arg7[%swap3A_98] {strides = array<i32>} : memref<32768xi32, #tpu.memory_space<vmem>>, vector<16xi32>,
      tpu.vector_store %arg7[%swap3A_98], %bitcast3A_93 {strides = array<i32>} : memref<32768xi32, #tpu.memory_space<vmem>>, vector<16xi32>,
    }
    %scan3A_54 = arith.constant 512 : i32
    %iota3A_55 = tpu.iota {dimensions = array<i32: 0>} : vector<16xi32>
    %mul3A_56 = arith.constant 64 : i32
    %mul3A_57 = vector.broadcast %mul3A_56 : i32 to vector<16xi32>
    %mul3A_58 = arith.muli %iota3A_55, %mul3A_57 : vector<16xi32>
    %scan3A_59 = arith.constant 0 : i32
    %scan3A_60 = arith.constant 0 : i32
    %scan3A_61 = arith.constant 32 : i32
    %scan3A_62 = arith.addi %scan3A_60, %scan3A_61 : i32
    %scan3A_63 = arith.constant 1 : i32
    scf.for %scan3A_65 = %scan3A_60 to %scan3A_62 step %scan3A_63  : i32 {
      %mul3A_66 = arith.constant 1024 : i32
      %mul3A_67 = arith.muli %scan3A_65, %mul3A_66 : i32
      %add3A_68 = arith.constant 0 : i32
      %add3A_69 = arith.addi %mul3A_67, %add3A_68 : i32
      %add3A_70 = vector.broadcast %add3A_69 : i32 to vector<16xi32>
      %add3A_71 = arith.addi %mul3A_58, %add3A_70 : vector<16xi32>
      %gather3A = tpu.vector_load_idx %arg7[%add3A_71] : memref<32768xi32, #tpu.memory_space<vmem>>[vector<16xi32>], vector<16xi32>,
      %bitcast3A_72 = vector.bitcast %gather3A : vector<16xi32> to vector<32xbf16>
      %slice3A = vector.extract_strided_slice %get3A_34 {offsets = [0], sizes = [1], strides = [1]} : vector<16xi32> to vector<1xi32>
      %squeeze3A = vector.extract %slice3A[0] : i32 from vector<1xi32>
      %broadcast_in_dim3A_73 = vector.broadcast %squeeze3A : i32 to vector<16xi32>
      %bitcast3A_74 = vector.bitcast %broadcast_in_dim3A_73 : vector<16xi32> to vector<32xbf16>
      %max3A = arith.constant 0.000000e+00 : bf16
      %max3A_75 = vector.broadcast %max3A : bf16 to vector<32xbf16>
      %max3A_76 = arith.maximumf %bitcast3A_72, %max3A_75 : vector<32xbf16>
      %mul3A_77 = arith.mulf %max3A_76, %bitcast3A_74 : vector<32xbf16>
      %add3A_78 = arith.addf %broadcast_in_dim3A_49, %mul3A_77 : vector<32xbf16>
      %add3A_79 = arith.constant 1 : i32
      %add3A_80 = arith.addi %mul3A_67, %add3A_79 : i32
      %add3A_81 = vector.broadcast %add3A_80 : i32 to vector<16xi32>
      %add3A_82 = arith.addi %mul3A_58, %add3A_81 : vector<16xi32>
      %gather3A_83 = tpu.vector_load_idx %arg7[%add3A_82] : memref<32768xi32, #tpu.memory_space<vmem>>[vector<16xi32>], vector<16xi32>,
      %bitcast3A_84 = vector.bitcast %gather3A_83 : vector<16xi32> to vector<32xbf16>
      %slice3A_85 = vector.extract_strided_slice %get3A_34 {offsets = [1], sizes = [1], strides = [1]} : vector<16xi32> to vector<1xi32>
      %squeeze3A_86 = vector.extract %slice3A_85[0] : i32 from vector<1xi32>
      %broadcast_in_dim3A_87 = vector.broadcast %squeeze3A_86 : i32 to vector<16xi32>
      %bitcast3A_88 = vector.bitcast %broadcast_in_dim3A_87 : vector<16xi32> to vector<32xbf16>
      %max3A_89 = arith.constant 0.000000e+00 : bf16
      %max3A_90 = vector.broadcast %max3A_89 : bf16 to vector<32xbf16>
      %max3A_91 = arith.maximumf %bitcast3A_84, %max3A_90 : vector<32xbf16>
      %mul3A_92 = arith.mulf %max3A_91, %bitcast3A_88 : vector<32xbf16>
      %add3A_93 = arith.addf %add3A_78, %mul3A_92 : vector<32xbf16>
      %add3A_94 = arith.constant 2 : i32
      %add3A_95 = arith.addi %mul3A_67, %add3A_94 : i32
      %add3A_96 = vector.broadcast %add3A_95 : i32 to vector<16xi32>
      %add3A_97 = arith.addi %mul3A_58, %add3A_96 : vector<16xi32>
      %gather3A_98 = tpu.vector_load_idx %arg7[%add3A_97] : memref<32768xi32, #tpu.memory_space<vmem>>[vector<16xi32>], vector<16xi32>,
      %bitcast3A_99 = vector.bitcast %gather3A_98 : vector<16xi32> to vector<32xbf16>
      %slice3A_100 = vector.extract_strided_slice %get3A_34 {offsets = [2], sizes = [1], strides = [1]} : vector<16xi32> to vector<1xi32>
      %squeeze3A_101 = vector.extract %slice3A_100[0] : i32 from vector<1xi32>
      %broadcast_in_dim3A_102 = vector.broadcast %squeeze3A_101 : i32 to vector<16xi32>
      %bitcast3A_103 = vector.bitcast %broadcast_in_dim3A_102 : vector<16xi32> to vector<32xbf16>
      %max3A_104 = arith.constant 0.000000e+00 : bf16
      %max3A_105 = vector.broadcast %max3A_104 : bf16 to vector<32xbf16>
      %max3A_106 = arith.maximumf %bitcast3A_99, %max3A_105 : vector<32xbf16>
      %mul3A_107 = arith.mulf %max3A_106, %bitcast3A_103 : vector<32xbf16>
      %add3A_108 = arith.addf %add3A_93, %mul3A_107 : vector<32xbf16>
      %add3A_109 = arith.constant 3 : i32
      %add3A_110 = arith.addi %mul3A_67, %add3A_109 : i32
      %add3A_111 = vector.broadcast %add3A_110 : i32 to vector<16xi32>
      %add3A_112 = arith.addi %mul3A_58, %add3A_111 : vector<16xi32>
      %gather3A_113 = tpu.vector_load_idx %arg7[%add3A_112] : memref<32768xi32, #tpu.memory_space<vmem>>[vector<16xi32>], vector<16xi32>,
      %bitcast3A_114 = vector.bitcast %gather3A_113 : vector<16xi32> to vector<32xbf16>
      %slice3A_115 = vector.extract_strided_slice %get3A_34 {offsets = [3], sizes = [1], strides = [1]} : vector<16xi32> to vector<1xi32>
      %squeeze3A_116 = vector.extract %slice3A_115[0] : i32 from vector<1xi32>
      %broadcast_in_dim3A_117 = vector.broadcast %squeeze3A_116 : i32 to vector<16xi32>
      %bitcast3A_118 = vector.bitcast %broadcast_in_dim3A_117 : vector<16xi32> to vector<32xbf16>
      %max3A_119 = arith.constant 0.000000e+00 : bf16
      %max3A_120 = vector.broadcast %max3A_119 : bf16 to vector<32xbf16>
      %max3A_121 = arith.maximumf %bitcast3A_114, %max3A_120 : vector<32xbf16>
      %mul3A_122 = arith.mulf %max3A_121, %bitcast3A_118 : vector<32xbf16>
      %add3A_123 = arith.addf %add3A_108, %mul3A_122 : vector<32xbf16>
      %add3A_124 = arith.constant 4 : i32
      %add3A_125 = arith.addi %mul3A_67, %add3A_124 : i32
      %add3A_126 = vector.broadcast %add3A_125 : i32 to vector<16xi32>
      %add3A_127 = arith.addi %mul3A_58, %add3A_126 : vector<16xi32>
      %gather3A_128 = tpu.vector_load_idx %arg7[%add3A_127] : memref<32768xi32, #tpu.memory_space<vmem>>[vector<16xi32>], vector<16xi32>,
      %bitcast3A_129 = vector.bitcast %gather3A_128 : vector<16xi32> to vector<32xbf16>
      %slice3A_130 = vector.extract_strided_slice %get3A_34 {offsets = [4], sizes = [1], strides = [1]} : vector<16xi32> to vector<1xi32>
      %squeeze3A_131 = vector.extract %slice3A_130[0] : i32 from vector<1xi32>
      %broadcast_in_dim3A_132 = vector.broadcast %squeeze3A_131 : i32 to vector<16xi32>
      %bitcast3A_133 = vector.bitcast %broadcast_in_dim3A_132 : vector<16xi32> to vector<32xbf16>
      %max3A_134 = arith.constant 0.000000e+00 : bf16
      %max3A_135 = vector.broadcast %max3A_134 : bf16 to vector<32xbf16>
      %max3A_136 = arith.maximumf %bitcast3A_129, %max3A_135 : vector<32xbf16>
      %mul3A_137 = arith.mulf %max3A_136, %bitcast3A_133 : vector<32xbf16>
      %add3A_138 = arith.addf %add3A_123, %mul3A_137 : vector<32xbf16>
      %add3A_139 = arith.constant 5 : i32
      %add3A_140 = arith.addi %mul3A_67, %add3A_139 : i32
      %add3A_141 = vector.broadcast %add3A_140 : i32 to vector<16xi32>
      %add3A_142 = arith.addi %mul3A_58, %add3A_141 : vector<16xi32>
      %gather3A_143 = tpu.vector_load_idx %arg7[%add3A_142] : memref<32768xi32, #tpu.memory_space<vmem>>[vector<16xi32>], vector<16xi32>,
      %bitcast3A_144 = vector.bitcast %gather3A_143 : vector<16xi32> to vector<32xbf16>
      %slice3A_145 = vector.extract_strided_slice %get3A_34 {offsets = [5], sizes = [1], strides = [1]} : vector<16xi32> to vector<1xi32>
      %squeeze3A_146 = vector.extract %slice3A_145[0] : i32 from vector<1xi32>
      %broadcast_in_dim3A_147 = vector.broadcast %squeeze3A_146 : i32 to vector<16xi32>
      %bitcast3A_148 = vector.bitcast %broadcast_in_dim3A_147 : vector<16xi32> to vector<32xbf16>
      %max3A_149 = arith.constant 0.000000e+00 : bf16
      %max3A_150 = vector.broadcast %max3A_149 : bf16 to vector<32xbf16>
      %max3A_151 = arith.maximumf %bitcast3A_144, %max3A_150 : vector<32xbf16>
      %mul3A_152 = arith.mulf %max3A_151, %bitcast3A_148 : vector<32xbf16>
      %add3A_153 = arith.addf %add3A_138, %mul3A_152 : vector<32xbf16>
      %add3A_154 = arith.constant 6 : i32
      %add3A_155 = arith.addi %mul3A_67, %add3A_154 : i32
      %add3A_156 = vector.broadcast %add3A_155 : i32 to vector<16xi32>
      %add3A_157 = arith.addi %mul3A_58, %add3A_156 : vector<16xi32>
      %gather3A_158 = tpu.vector_load_idx %arg7[%add3A_157] : memref<32768xi32, #tpu.memory_space<vmem>>[vector<16xi32>], vector<16xi32>,
      %bitcast3A_159 = vector.bitcast %gather3A_158 : vector<16xi32> to vector<32xbf16>
      %slice3A_160 = vector.extract_strided_slice %get3A_34 {offsets = [6], sizes = [1], strides = [1]} : vector<16xi32> to vector<1xi32>
      %squeeze3A_161 = vector.extract %slice3A_160[0] : i32 from vector<1xi32>
      %broadcast_in_dim3A_162 = vector.broadcast %squeeze3A_161 : i32 to vector<16xi32>
      %bitcast3A_163 = vector.bitcast %broadcast_in_dim3A_162 : vector<16xi32> to vector<32xbf16>
      %max3A_164 = arith.constant 0.000000e+00 : bf16
      %max3A_165 = vector.broadcast %max3A_164 : bf16 to vector<32xbf16>
      %max3A_166 = arith.maximumf %bitcast3A_159, %max3A_165 : vector<32xbf16>
      %mul3A_167 = arith.mulf %max3A_166, %bitcast3A_163 : vector<32xbf16>
      %add3A_168 = arith.addf %add3A_153, %mul3A_167 : vector<32xbf16>
      %add3A_169 = arith.constant 7 : i32
      %add3A_170 = arith.addi %mul3A_67, %add3A_169 : i32
      %add3A_171 = vector.broadcast %add3A_170 : i32 to vector<16xi32>
      %add3A_172 = arith.addi %mul3A_58, %add3A_171 : vector<16xi32>
      %gather3A_173 = tpu.vector_load_idx %arg7[%add3A_172] : memref<32768xi32, #tpu.memory_space<vmem>>[vector<16xi32>], vector<16xi32>,
      %bitcast3A_174 = vector.bitcast %gather3A_173 : vector<16xi32> to vector<32xbf16>
      %slice3A_175 = vector.extract_strided_slice %get3A_34 {offsets = [7], sizes = [1], strides = [1]} : vector<16xi32> to vector<1xi32>
      %squeeze3A_176 = vector.extract %slice3A_175[0] : i32 from vector<1xi32>
      %broadcast_in_dim3A_177 = vector.broadcast %squeeze3A_176 : i32 to vector<16xi32>
      %bitcast3A_178 = vector.bitcast %broadcast_in_dim3A_177 : vector<16xi32> to vector<32xbf16>
      %max3A_179 = arith.constant 0.000000e+00 : bf16
      %max3A_180 = vector.broadcast %max3A_179 : bf16 to vector<32xbf16>
      %max3A_181 = arith.maximumf %bitcast3A_174, %max3A_180 : vector<32xbf16>
      %mul3A_182 = arith.mulf %max3A_181, %bitcast3A_178 : vector<32xbf16>
      %add3A_183 = arith.addf %add3A_168, %mul3A_182 : vector<32xbf16>
      %add3A_184 = arith.constant 8 : i32
      %add3A_185 = arith.addi %mul3A_67, %add3A_184 : i32
      %add3A_186 = vector.broadcast %add3A_185 : i32 to vector<16xi32>
      %add3A_187 = arith.addi %mul3A_58, %add3A_186 : vector<16xi32>
      %gather3A_188 = tpu.vector_load_idx %arg7[%add3A_187] : memref<32768xi32, #tpu.memory_space<vmem>>[vector<16xi32>], vector<16xi32>,
      %bitcast3A_189 = vector.bitcast %gather3A_188 : vector<16xi32> to vector<32xbf16>
      %slice3A_190 = vector.extract_strided_slice %get3A_34 {offsets = [8], sizes = [1], strides = [1]} : vector<16xi32> to vector<1xi32>
      %squeeze3A_191 = vector.extract %slice3A_190[0] : i32 from vector<1xi32>
      %broadcast_in_dim3A_192 = vector.broadcast %squeeze3A_191 : i32 to vector<16xi32>
      %bitcast3A_193 = vector.bitcast %broadcast_in_dim3A_192 : vector<16xi32> to vector<32xbf16>
      %max3A_194 = arith.constant 0.000000e+00 : bf16
      %max3A_195 = vector.broadcast %max3A_194 : bf16 to vector<32xbf16>
      %max3A_196 = arith.maximumf %bitcast3A_189, %max3A_195 : vector<32xbf16>
      %mul3A_197 = arith.mulf %max3A_196, %bitcast3A_193 : vector<32xbf16>
      %add3A_198 = arith.addf %add3A_183, %mul3A_197 : vector<32xbf16>
      %add3A_199 = arith.constant 9 : i32
      %add3A_200 = arith.addi %mul3A_67, %add3A_199 : i32
      %add3A_201 = vector.broadcast %add3A_200 : i32 to vector<16xi32>
      %add3A_202 = arith.addi %mul3A_58, %add3A_201 : vector<16xi32>
      %gather3A_203 = tpu.vector_load_idx %arg7[%add3A_202] : memref<32768xi32, #tpu.memory_space<vmem>>[vector<16xi32>], vector<16xi32>,
      %bitcast3A_204 = vector.bitcast %gather3A_203 : vector<16xi32> to vector<32xbf16>
      %slice3A_205 = vector.extract_strided_slice %get3A_34 {offsets = [9], sizes = [1], strides = [1]} : vector<16xi32> to vector<1xi32>
      %squeeze3A_206 = vector.extract %slice3A_205[0] : i32 from vector<1xi32>
      %broadcast_in_dim3A_207 = vector.broadcast %squeeze3A_206 : i32 to vector<16xi32>
      %bitcast3A_208 = vector.bitcast %broadcast_in_dim3A_207 : vector<16xi32> to vector<32xbf16>
      %max3A_209 = arith.constant 0.000000e+00 : bf16
      %max3A_210 = vector.broadcast %max3A_209 : bf16 to vector<32xbf16>
      %max3A_211 = arith.maximumf %bitcast3A_204, %max3A_210 : vector<32xbf16>
      %mul3A_212 = arith.mulf %max3A_211, %bitcast3A_208 : vector<32xbf16>
      %add3A_213 = arith.addf %add3A_198, %mul3A_212 : vector<32xbf16>
      %add3A_214 = arith.constant 10 : i32
      %add3A_215 = arith.addi %mul3A_67, %add3A_214 : i32
      %add3A_216 = vector.broadcast %add3A_215 : i32 to vector<16xi32>
      %add3A_217 = arith.addi %mul3A_58, %add3A_216 : vector<16xi32>
      %gather3A_218 = tpu.vector_load_idx %arg7[%add3A_217] : memref<32768xi32, #tpu.memory_space<vmem>>[vector<16xi32>], vector<16xi32>,
      %bitcast3A_219 = vector.bitcast %gather3A_218 : vector<16xi32> to vector<32xbf16>
      %slice3A_220 = vector.extract_strided_slice %get3A_34 {offsets = [10], sizes = [1], strides = [1]} : vector<16xi32> to vector<1xi32>
      %squeeze3A_221 = vector.extract %slice3A_220[0] : i32 from vector<1xi32>
      %broadcast_in_dim3A_222 = vector.broadcast %squeeze3A_221 : i32 to vector<16xi32>
      %bitcast3A_223 = vector.bitcast %broadcast_in_dim3A_222 : vector<16xi32> to vector<32xbf16>
      %max3A_224 = arith.constant 0.000000e+00 : bf16
      %max3A_225 = vector.broadcast %max3A_224 : bf16 to vector<32xbf16>
      %max3A_226 = arith.maximumf %bitcast3A_219, %max3A_225 : vector<32xbf16>
      %mul3A_227 = arith.mulf %max3A_226, %bitcast3A_223 : vector<32xbf16>
      %add3A_228 = arith.addf %add3A_213, %mul3A_227 : vector<32xbf16>
      %add3A_229 = arith.constant 11 : i32
      %add3A_230 = arith.addi %mul3A_67, %add3A_229 : i32
      %add3A_231 = vector.broadcast %add3A_230 : i32 to vector<16xi32>
      %add3A_232 = arith.addi %mul3A_58, %add3A_231 : vector<16xi32>
      %gather3A_233 = tpu.vector_load_idx %arg7[%add3A_232] : memref<32768xi32, #tpu.memory_space<vmem>>[vector<16xi32>], vector<16xi32>,
      %bitcast3A_234 = vector.bitcast %gather3A_233 : vector<16xi32> to vector<32xbf16>
      %slice3A_235 = vector.extract_strided_slice %get3A_34 {offsets = [11], sizes = [1], strides = [1]} : vector<16xi32> to vector<1xi32>
      %squeeze3A_236 = vector.extract %slice3A_235[0] : i32 from vector<1xi32>
      %broadcast_in_dim3A_237 = vector.broadcast %squeeze3A_236 : i32 to vector<16xi32>
      %bitcast3A_238 = vector.bitcast %broadcast_in_dim3A_237 : vector<16xi32> to vector<32xbf16>
      %max3A_239 = arith.constant 0.000000e+00 : bf16
      %max3A_240 = vector.broadcast %max3A_239 : bf16 to vector<32xbf16>
      %max3A_241 = arith.maximumf %bitcast3A_234, %max3A_240 : vector<32xbf16>
      %mul3A_242 = arith.mulf %max3A_241, %bitcast3A_238 : vector<32xbf16>
      %add3A_243 = arith.addf %add3A_228, %mul3A_242 : vector<32xbf16>
      %add3A_244 = arith.constant 12 : i32
      %add3A_245 = arith.addi %mul3A_67, %add3A_244 : i32
      %add3A_246 = vector.broadcast %add3A_245 : i32 to vector<16xi32>
      %add3A_247 = arith.addi %mul3A_58, %add3A_246 : vector<16xi32>
      %gather3A_248 = tpu.vector_load_idx %arg7[%add3A_247] : memref<32768xi32, #tpu.memory_space<vmem>>[vector<16xi32>], vector<16xi32>,
      %bitcast3A_249 = vector.bitcast %gather3A_248 : vector<16xi32> to vector<32xbf16>
      %slice3A_250 = vector.extract_strided_slice %get3A_34 {offsets = [12], sizes = [1], strides = [1]} : vector<16xi32> to vector<1xi32>
      %squeeze3A_251 = vector.extract %slice3A_250[0] : i32 from vector<1xi32>
      %broadcast_in_dim3A_252 = vector.broadcast %squeeze3A_251 : i32 to vector<16xi32>
      %bitcast3A_253 = vector.bitcast %broadcast_in_dim3A_252 : vector<16xi32> to vector<32xbf16>
      %max3A_254 = arith.constant 0.000000e+00 : bf16
      %max3A_255 = vector.broadcast %max3A_254 : bf16 to vector<32xbf16>
      %max3A_256 = arith.maximumf %bitcast3A_249, %max3A_255 : vector<32xbf16>
      %mul3A_257 = arith.mulf %max3A_256, %bitcast3A_253 : vector<32xbf16>
      %add3A_258 = arith.addf %add3A_243, %mul3A_257 : vector<32xbf16>
      %add3A_259 = arith.constant 13 : i32
      %add3A_260 = arith.addi %mul3A_67, %add3A_259 : i32
      %add3A_261 = vector.broadcast %add3A_260 : i32 to vector<16xi32>
      %add3A_262 = arith.addi %mul3A_58, %add3A_261 : vector<16xi32>
      %gather3A_263 = tpu.vector_load_idx %arg7[%add3A_262] : memref<32768xi32, #tpu.memory_space<vmem>>[vector<16xi32>], vector<16xi32>,
      %bitcast3A_264 = vector.bitcast %gather3A_263 : vector<16xi32> to vector<32xbf16>
      %slice3A_265 = vector.extract_strided_slice %get3A_34 {offsets = [13], sizes = [1], strides = [1]} : vector<16xi32> to vector<1xi32>
      %squeeze3A_266 = vector.extract %slice3A_265[0] : i32 from vector<1xi32>
      %broadcast_in_dim3A_267 = vector.broadcast %squeeze3A_266 : i32 to vector<16xi32>
      %bitcast3A_268 = vector.bitcast %broadcast_in_dim3A_267 : vector<16xi32> to vector<32xbf16>
      %max3A_269 = arith.constant 0.000000e+00 : bf16
      %max3A_270 = vector.broadcast %max3A_269 : bf16 to vector<32xbf16>
      %max3A_271 = arith.maximumf %bitcast3A_264, %max3A_270 : vector<32xbf16>
      %mul3A_272 = arith.mulf %max3A_271, %bitcast3A_268 : vector<32xbf16>
      %add3A_273 = arith.addf %add3A_258, %mul3A_272 : vector<32xbf16>
      %add3A_274 = arith.constant 14 : i32
      %add3A_275 = arith.addi %mul3A_67, %add3A_274 : i32
      %add3A_276 = vector.broadcast %add3A_275 : i32 to vector<16xi32>
      %add3A_277 = arith.addi %mul3A_58, %add3A_276 : vector<16xi32>
      %gather3A_278 = tpu.vector_load_idx %arg7[%add3A_277] : memref<32768xi32, #tpu.memory_space<vmem>>[vector<16xi32>], vector<16xi32>,
      %bitcast3A_279 = vector.bitcast %gather3A_278 : vector<16xi32> to vector<32xbf16>
      %slice3A_280 = vector.extract_strided_slice %get3A_34 {offsets = [14], sizes = [1], strides = [1]} : vector<16xi32> to vector<1xi32>
      %squeeze3A_281 = vector.extract %slice3A_280[0] : i32 from vector<1xi32>
      %broadcast_in_dim3A_282 = vector.broadcast %squeeze3A_281 : i32 to vector<16xi32>
      %bitcast3A_283 = vector.bitcast %broadcast_in_dim3A_282 : vector<16xi32> to vector<32xbf16>
      %max3A_284 = arith.constant 0.000000e+00 : bf16
      %max3A_285 = vector.broadcast %max3A_284 : bf16 to vector<32xbf16>
      %max3A_286 = arith.maximumf %bitcast3A_279, %max3A_285 : vector<32xbf16>
      %mul3A_287 = arith.mulf %max3A_286, %bitcast3A_283 : vector<32xbf16>
      %add3A_288 = arith.addf %add3A_273, %mul3A_287 : vector<32xbf16>
      %add3A_289 = arith.constant 15 : i32
      %add3A_290 = arith.addi %mul3A_67, %add3A_289 : i32
      %add3A_291 = vector.broadcast %add3A_290 : i32 to vector<16xi32>
      %add3A_292 = arith.addi %mul3A_58, %add3A_291 : vector<16xi32>
      %gather3A_293 = tpu.vector_load_idx %arg7[%add3A_292] : memref<32768xi32, #tpu.memory_space<vmem>>[vector<16xi32>], vector<16xi32>,
      %bitcast3A_294 = vector.bitcast %gather3A_293 : vector<16xi32> to vector<32xbf16>
      %slice3A_295 = vector.extract_strided_slice %get3A_34 {offsets = [15], sizes = [1], strides = [1]} : vector<16xi32> to vector<1xi32>
      %squeeze3A_296 = vector.extract %slice3A_295[0] : i32 from vector<1xi32>
      %broadcast_in_dim3A_297 = vector.broadcast %squeeze3A_296 : i32 to vector<16xi32>
      %bitcast3A_298 = vector.bitcast %broadcast_in_dim3A_297 : vector<16xi32> to vector<32xbf16>
      %max3A_299 = arith.constant 0.000000e+00 : bf16
      %max3A_300 = vector.broadcast %max3A_299 : bf16 to vector<32xbf16>
      %max3A_301 = arith.maximumf %bitcast3A_294, %max3A_300 : vector<32xbf16>
      %mul3A_302 = arith.mulf %max3A_301, %bitcast3A_298 : vector<32xbf16>
      %add3A_303 = arith.addf %add3A_288, %mul3A_302 : vector<32xbf16>
      %add3A_304 = arith.constant 16 : i32
      %add3A_305 = arith.addi %mul3A_67, %add3A_304 : i32
      %add3A_306 = vector.broadcast %add3A_305 : i32 to vector<16xi32>
      %add3A_307 = arith.addi %mul3A_58, %add3A_306 : vector<16xi32>
      %gather3A_308 = tpu.vector_load_idx %arg7[%add3A_307] : memref<32768xi32, #tpu.memory_space<vmem>>[vector<16xi32>], vector<16xi32>,
      %bitcast3A_309 = vector.bitcast %gather3A_308 : vector<16xi32> to vector<32xbf16>
      %slice3A_310 = vector.extract_strided_slice %get3A_36 {offsets = [0], sizes = [1], strides = [1]} : vector<16xi32> to vector<1xi32>
      %squeeze3A_311 = vector.extract %slice3A_310[0] : i32 from vector<1xi32>
      %broadcast_in_dim3A_312 = vector.broadcast %squeeze3A_311 : i32 to vector<16xi32>
      %bitcast3A_313 = vector.bitcast %broadcast_in_dim3A_312 : vector<16xi32> to vector<32xbf16>
      %max3A_314 = arith.constant 0.000000e+00 : bf16
      %max3A_315 = vector.broadcast %max3A_314 : bf16 to vector<32xbf16>
      %max3A_316 = arith.maximumf %bitcast3A_309, %max3A_315 : vector<32xbf16>
      %mul3A_317 = arith.mulf %max3A_316, %bitcast3A_313 : vector<32xbf16>
      %add3A_318 = arith.addf %add3A_303, %mul3A_317 : vector<32xbf16>
      %add3A_319 = arith.constant 17 : i32
      %add3A_320 = arith.addi %mul3A_67, %add3A_319 : i32
      %add3A_321 = vector.broadcast %add3A_320 : i32 to vector<16xi32>
      %add3A_322 = arith.addi %mul3A_58, %add3A_321 : vector<16xi32>
      %gather3A_323 = tpu.vector_load_idx %arg7[%add3A_322] : memref<32768xi32, #tpu.memory_space<vmem>>[vector<16xi32>], vector<16xi32>,
      %bitcast3A_324 = vector.bitcast %gather3A_323 : vector<16xi32> to vector<32xbf16>
      %slice3A_325 = vector.extract_strided_slice %get3A_36 {offsets = [1], sizes = [1], strides = [1]} : vector<16xi32> to vector<1xi32>
      %squeeze3A_326 = vector.extract %slice3A_325[0] : i32 from vector<1xi32>
      %broadcast_in_dim3A_327 = vector.broadcast %squeeze3A_326 : i32 to vector<16xi32>
      %bitcast3A_328 = vector.bitcast %broadcast_in_dim3A_327 : vector<16xi32> to vector<32xbf16>
      %max3A_329 = arith.constant 0.000000e+00 : bf16
      %max3A_330 = vector.broadcast %max3A_329 : bf16 to vector<32xbf16>
      %max3A_331 = arith.maximumf %bitcast3A_324, %max3A_330 : vector<32xbf16>
      %mul3A_332 = arith.mulf %max3A_331, %bitcast3A_328 : vector<32xbf16>
      %add3A_333 = arith.addf %add3A_318, %mul3A_332 : vector<32xbf16>
      %add3A_334 = arith.constant 18 : i32
      %add3A_335 = arith.addi %mul3A_67, %add3A_334 : i32
      %add3A_336 = vector.broadcast %add3A_335 : i32 to vector<16xi32>
      %add3A_337 = arith.addi %mul3A_58, %add3A_336 : vector<16xi32>
      %gather3A_338 = tpu.vector_load_idx %arg7[%add3A_337] : memref<32768xi32, #tpu.memory_space<vmem>>[vector<16xi32>], vector<16xi32>,
      %bitcast3A_339 = vector.bitcast %gather3A_338 : vector<16xi32> to vector<32xbf16>
      %slice3A_340 = vector.extract_strided_slice %get3A_36 {offsets = [2], sizes = [1], strides = [1]} : vector<16xi32> to vector<1xi32>
      %squeeze3A_341 = vector.extract %slice3A_340[0] : i32 from vector<1xi32>
      %broadcast_in_dim3A_342 = vector.broadcast %squeeze3A_341 : i32 to vector<16xi32>
      %bitcast3A_343 = vector.bitcast %broadcast_in_dim3A_342 : vector<16xi32> to vector<32xbf16>
      %max3A_344 = arith.constant 0.000000e+00 : bf16
      %max3A_345 = vector.broadcast %max3A_344 : bf16 to vector<32xbf16>
      %max3A_346 = arith.maximumf %bitcast3A_339, %max3A_345 : vector<32xbf16>
      %mul3A_347 = arith.mulf %max3A_346, %bitcast3A_343 : vector<32xbf16>
      %add3A_348 = arith.addf %add3A_333, %mul3A_347 : vector<32xbf16>
      %add3A_349 = arith.constant 19 : i32
      %add3A_350 = arith.addi %mul3A_67, %add3A_349 : i32
      %add3A_351 = vector.broadcast %add3A_350 : i32 to vector<16xi32>
      %add3A_352 = arith.addi %mul3A_58, %add3A_351 : vector<16xi32>
      %gather3A_353 = tpu.vector_load_idx %arg7[%add3A_352] : memref<32768xi32, #tpu.memory_space<vmem>>[vector<16xi32>], vector<16xi32>,
      %bitcast3A_354 = vector.bitcast %gather3A_353 : vector<16xi32> to vector<32xbf16>
      %slice3A_355 = vector.extract_strided_slice %get3A_36 {offsets = [3], sizes = [1], strides = [1]} : vector<16xi32> to vector<1xi32>
      %squeeze3A_356 = vector.extract %slice3A_355[0] : i32 from vector<1xi32>
      %broadcast_in_dim3A_357 = vector.broadcast %squeeze3A_356 : i32 to vector<16xi32>
      %bitcast3A_358 = vector.bitcast %broadcast_in_dim3A_357 : vector<16xi32> to vector<32xbf16>
      %max3A_359 = arith.constant 0.000000e+00 : bf16
      %max3A_360 = vector.broadcast %max3A_359 : bf16 to vector<32xbf16>
      %max3A_361 = arith.maximumf %bitcast3A_354, %max3A_360 : vector<32xbf16>
      %mul3A_362 = arith.mulf %max3A_361, %bitcast3A_358 : vector<32xbf16>
      %add3A_363 = arith.addf %add3A_348, %mul3A_362 : vector<32xbf16>
      %add3A_364 = arith.constant 20 : i32
      %add3A_365 = arith.addi %mul3A_67, %add3A_364 : i32
      %add3A_366 = vector.broadcast %add3A_365 : i32 to vector<16xi32>
      %add3A_367 = arith.addi %mul3A_58, %add3A_366 : vector<16xi32>
      %gather3A_368 = tpu.vector_load_idx %arg7[%add3A_367] : memref<32768xi32, #tpu.memory_space<vmem>>[vector<16xi32>], vector<16xi32>,
      %bitcast3A_369 = vector.bitcast %gather3A_368 : vector<16xi32> to vector<32xbf16>
      %slice3A_370 = vector.extract_strided_slice %get3A_36 {offsets = [4], sizes = [1], strides = [1]} : vector<16xi32> to vector<1xi32>
      %squeeze3A_371 = vector.extract %slice3A_370[0] : i32 from vector<1xi32>
      %broadcast_in_dim3A_372 = vector.broadcast %squeeze3A_371 : i32 to vector<16xi32>
      %bitcast3A_373 = vector.bitcast %broadcast_in_dim3A_372 : vector<16xi32> to vector<32xbf16>
      %max3A_374 = arith.constant 0.000000e+00 : bf16
      %max3A_375 = vector.broadcast %max3A_374 : bf16 to vector<32xbf16>
      %max3A_376 = arith.maximumf %bitcast3A_369, %max3A_375 : vector<32xbf16>
      %mul3A_377 = arith.mulf %max3A_376, %bitcast3A_373 : vector<32xbf16>
      %add3A_378 = arith.addf %add3A_363, %mul3A_377 : vector<32xbf16>
      %add3A_379 = arith.constant 21 : i32
      %add3A_380 = arith.addi %mul3A_67, %add3A_379 : i32
      %add3A_381 = vector.broadcast %add3A_380 : i32 to vector<16xi32>
      %add3A_382 = arith.addi %mul3A_58, %add3A_381 : vector<16xi32>
      %gather3A_383 = tpu.vector_load_idx %arg7[%add3A_382] : memref<32768xi32, #tpu.memory_space<vmem>>[vector<16xi32>], vector<16xi32>,
      %bitcast3A_384 = vector.bitcast %gather3A_383 : vector<16xi32> to vector<32xbf16>
      %slice3A_385 = vector.extract_strided_slice %get3A_36 {offsets = [5], sizes = [1], strides = [1]} : vector<16xi32> to vector<1xi32>
      %squeeze3A_386 = vector.extract %slice3A_385[0] : i32 from vector<1xi32>
      %broadcast_in_dim3A_387 = vector.broadcast %squeeze3A_386 : i32 to vector<16xi32>
      %bitcast3A_388 = vector.bitcast %broadcast_in_dim3A_387 : vector<16xi32> to vector<32xbf16>
      %max3A_389 = arith.constant 0.000000e+00 : bf16
      %max3A_390 = vector.broadcast %max3A_389 : bf16 to vector<32xbf16>
      %max3A_391 = arith.maximumf %bitcast3A_384, %max3A_390 : vector<32xbf16>
      %mul3A_392 = arith.mulf %max3A_391, %bitcast3A_388 : vector<32xbf16>
      %add3A_393 = arith.addf %add3A_378, %mul3A_392 : vector<32xbf16>
      %add3A_394 = arith.constant 22 : i32
      %add3A_395 = arith.addi %mul3A_67, %add3A_394 : i32
      %add3A_396 = vector.broadcast %add3A_395 : i32 to vector<16xi32>
      %add3A_397 = arith.addi %mul3A_58, %add3A_396 : vector<16xi32>
      %gather3A_398 = tpu.vector_load_idx %arg7[%add3A_397] : memref<32768xi32, #tpu.memory_space<vmem>>[vector<16xi32>], vector<16xi32>,
      %bitcast3A_399 = vector.bitcast %gather3A_398 : vector<16xi32> to vector<32xbf16>
      %slice3A_400 = vector.extract_strided_slice %get3A_36 {offsets = [6], sizes = [1], strides = [1]} : vector<16xi32> to vector<1xi32>
      %squeeze3A_401 = vector.extract %slice3A_400[0] : i32 from vector<1xi32>
      %broadcast_in_dim3A_402 = vector.broadcast %squeeze3A_401 : i32 to vector<16xi32>
      %bitcast3A_403 = vector.bitcast %broadcast_in_dim3A_402 : vector<16xi32> to vector<32xbf16>
      %max3A_404 = arith.constant 0.000000e+00 : bf16
      %max3A_405 = vector.broadcast %max3A_404 : bf16 to vector<32xbf16>
      %max3A_406 = arith.maximumf %bitcast3A_399, %max3A_405 : vector<32xbf16>
      %mul3A_407 = arith.mulf %max3A_406, %bitcast3A_403 : vector<32xbf16>
      %add3A_408 = arith.addf %add3A_393, %mul3A_407 : vector<32xbf16>
      %add3A_409 = arith.constant 23 : i32
      %add3A_410 = arith.addi %mul3A_67, %add3A_409 : i32
      %add3A_411 = vector.broadcast %add3A_410 : i32 to vector<16xi32>
      %add3A_412 = arith.addi %mul3A_58, %add3A_411 : vector<16xi32>
      %gather3A_413 = tpu.vector_load_idx %arg7[%add3A_412] : memref<32768xi32, #tpu.memory_space<vmem>>[vector<16xi32>], vector<16xi32>,
      %bitcast3A_414 = vector.bitcast %gather3A_413 : vector<16xi32> to vector<32xbf16>
      %slice3A_415 = vector.extract_strided_slice %get3A_36 {offsets = [7], sizes = [1], strides = [1]} : vector<16xi32> to vector<1xi32>
      %squeeze3A_416 = vector.extract %slice3A_415[0] : i32 from vector<1xi32>
      %broadcast_in_dim3A_417 = vector.broadcast %squeeze3A_416 : i32 to vector<16xi32>
      %bitcast3A_418 = vector.bitcast %broadcast_in_dim3A_417 : vector<16xi32> to vector<32xbf16>
      %max3A_419 = arith.constant 0.000000e+00 : bf16
      %max3A_420 = vector.broadcast %max3A_419 : bf16 to vector<32xbf16>
      %max3A_421 = arith.maximumf %bitcast3A_414, %max3A_420 : vector<32xbf16>
      %mul3A_422 = arith.mulf %max3A_421, %bitcast3A_418 : vector<32xbf16>
      %add3A_423 = arith.addf %add3A_408, %mul3A_422 : vector<32xbf16>
      %add3A_424 = arith.constant 24 : i32
      %add3A_425 = arith.addi %mul3A_67, %add3A_424 : i32
      %add3A_426 = vector.broadcast %add3A_425 : i32 to vector<16xi32>
      %add3A_427 = arith.addi %mul3A_58, %add3A_426 : vector<16xi32>
      %gather3A_428 = tpu.vector_load_idx %arg7[%add3A_427] : memref<32768xi32, #tpu.memory_space<vmem>>[vector<16xi32>], vector<16xi32>,
      %bitcast3A_429 = vector.bitcast %gather3A_428 : vector<16xi32> to vector<32xbf16>
      %slice3A_430 = vector.extract_strided_slice %get3A_36 {offsets = [8], sizes = [1], strides = [1]} : vector<16xi32> to vector<1xi32>
      %squeeze3A_431 = vector.extract %slice3A_430[0] : i32 from vector<1xi32>
      %broadcast_in_dim3A_432 = vector.broadcast %squeeze3A_431 : i32 to vector<16xi32>
      %bitcast3A_433 = vector.bitcast %broadcast_in_dim3A_432 : vector<16xi32> to vector<32xbf16>
      %max3A_434 = arith.constant 0.000000e+00 : bf16
      %max3A_435 = vector.broadcast %max3A_434 : bf16 to vector<32xbf16>
      %max3A_436 = arith.maximumf %bitcast3A_429, %max3A_435 : vector<32xbf16>
      %mul3A_437 = arith.mulf %max3A_436, %bitcast3A_433 : vector<32xbf16>
      %add3A_438 = arith.addf %add3A_423, %mul3A_437 : vector<32xbf16>
      %add3A_439 = arith.constant 25 : i32
      %add3A_440 = arith.addi %mul3A_67, %add3A_439 : i32
      %add3A_441 = vector.broadcast %add3A_440 : i32 to vector<16xi32>
      %add3A_442 = arith.addi %mul3A_58, %add3A_441 : vector<16xi32>
      %gather3A_443 = tpu.vector_load_idx %arg7[%add3A_442] : memref<32768xi32, #tpu.memory_space<vmem>>[vector<16xi32>], vector<16xi32>,
      %bitcast3A_444 = vector.bitcast %gather3A_443 : vector<16xi32> to vector<32xbf16>
      %slice3A_445 = vector.extract_strided_slice %get3A_36 {offsets = [9], sizes = [1], strides = [1]} : vector<16xi32> to vector<1xi32>
      %squeeze3A_446 = vector.extract %slice3A_445[0] : i32 from vector<1xi32>
      %broadcast_in_dim3A_447 = vector.broadcast %squeeze3A_446 : i32 to vector<16xi32>
      %bitcast3A_448 = vector.bitcast %broadcast_in_dim3A_447 : vector<16xi32> to vector<32xbf16>
      %max3A_449 = arith.constant 0.000000e+00 : bf16
      %max3A_450 = vector.broadcast %max3A_449 : bf16 to vector<32xbf16>
      %max3A_451 = arith.maximumf %bitcast3A_444, %max3A_450 : vector<32xbf16>
      %mul3A_452 = arith.mulf %max3A_451, %bitcast3A_448 : vector<32xbf16>
      %add3A_453 = arith.addf %add3A_438, %mul3A_452 : vector<32xbf16>
      %add3A_454 = arith.constant 26 : i32
      %add3A_455 = arith.addi %mul3A_67, %add3A_454 : i32
      %add3A_456 = vector.broadcast %add3A_455 : i32 to vector<16xi32>
      %add3A_457 = arith.addi %mul3A_58, %add3A_456 : vector<16xi32>
      %gather3A_458 = tpu.vector_load_idx %arg7[%add3A_457] : memref<32768xi32, #tpu.memory_space<vmem>>[vector<16xi32>], vector<16xi32>,
      %bitcast3A_459 = vector.bitcast %gather3A_458 : vector<16xi32> to vector<32xbf16>
      %slice3A_460 = vector.extract_strided_slice %get3A_36 {offsets = [10], sizes = [1], strides = [1]} : vector<16xi32> to vector<1xi32>
      %squeeze3A_461 = vector.extract %slice3A_460[0] : i32 from vector<1xi32>
      %broadcast_in_dim3A_462 = vector.broadcast %squeeze3A_461 : i32 to vector<16xi32>
      %bitcast3A_463 = vector.bitcast %broadcast_in_dim3A_462 : vector<16xi32> to vector<32xbf16>
      %max3A_464 = arith.constant 0.000000e+00 : bf16
      %max3A_465 = vector.broadcast %max3A_464 : bf16 to vector<32xbf16>
      %max3A_466 = arith.maximumf %bitcast3A_459, %max3A_465 : vector<32xbf16>
      %mul3A_467 = arith.mulf %max3A_466, %bitcast3A_463 : vector<32xbf16>
      %add3A_468 = arith.addf %add3A_453, %mul3A_467 : vector<32xbf16>
      %add3A_469 = arith.constant 27 : i32
      %add3A_470 = arith.addi %mul3A_67, %add3A_469 : i32
      %add3A_471 = vector.broadcast %add3A_470 : i32 to vector<16xi32>
      %add3A_472 = arith.addi %mul3A_58, %add3A_471 : vector<16xi32>
      %gather3A_473 = tpu.vector_load_idx %arg7[%add3A_472] : memref<32768xi32, #tpu.memory_space<vmem>>[vector<16xi32>], vector<16xi32>,
      %bitcast3A_474 = vector.bitcast %gather3A_473 : vector<16xi32> to vector<32xbf16>
      %slice3A_475 = vector.extract_strided_slice %get3A_36 {offsets = [11], sizes = [1], strides = [1]} : vector<16xi32> to vector<1xi32>
      %squeeze3A_476 = vector.extract %slice3A_475[0] : i32 from vector<1xi32>
      %broadcast_in_dim3A_477 = vector.broadcast %squeeze3A_476 : i32 to vector<16xi32>
      %bitcast3A_478 = vector.bitcast %broadcast_in_dim3A_477 : vector<16xi32> to vector<32xbf16>
      %max3A_479 = arith.constant 0.000000e+00 : bf16
      %max3A_480 = vector.broadcast %max3A_479 : bf16 to vector<32xbf16>
      %max3A_481 = arith.maximumf %bitcast3A_474, %max3A_480 : vector<32xbf16>
      %mul3A_482 = arith.mulf %max3A_481, %bitcast3A_478 : vector<32xbf16>
      %add3A_483 = arith.addf %add3A_468, %mul3A_482 : vector<32xbf16>
      %add3A_484 = arith.constant 28 : i32
      %add3A_485 = arith.addi %mul3A_67, %add3A_484 : i32
      %add3A_486 = vector.broadcast %add3A_485 : i32 to vector<16xi32>
      %add3A_487 = arith.addi %mul3A_58, %add3A_486 : vector<16xi32>
      %gather3A_488 = tpu.vector_load_idx %arg7[%add3A_487] : memref<32768xi32, #tpu.memory_space<vmem>>[vector<16xi32>], vector<16xi32>,
      %bitcast3A_489 = vector.bitcast %gather3A_488 : vector<16xi32> to vector<32xbf16>
      %slice3A_490 = vector.extract_strided_slice %get3A_36 {offsets = [12], sizes = [1], strides = [1]} : vector<16xi32> to vector<1xi32>
      %squeeze3A_491 = vector.extract %slice3A_490[0] : i32 from vector<1xi32>
      %broadcast_in_dim3A_492 = vector.broadcast %squeeze3A_491 : i32 to vector<16xi32>
      %bitcast3A_493 = vector.bitcast %broadcast_in_dim3A_492 : vector<16xi32> to vector<32xbf16>
      %max3A_494 = arith.constant 0.000000e+00 : bf16
      %max3A_495 = vector.broadcast %max3A_494 : bf16 to vector<32xbf16>
      %max3A_496 = arith.maximumf %bitcast3A_489, %max3A_495 : vector<32xbf16>
      %mul3A_497 = arith.mulf %max3A_496, %bitcast3A_493 : vector<32xbf16>
      %add3A_498 = arith.addf %add3A_483, %mul3A_497 : vector<32xbf16>
      %add3A_499 = arith.constant 29 : i32
      %add3A_500 = arith.addi %mul3A_67, %add3A_499 : i32
      %add3A_501 = vector.broadcast %add3A_500 : i32 to vector<16xi32>
      %add3A_502 = arith.addi %mul3A_58, %add3A_501 : vector<16xi32>
      %gather3A_503 = tpu.vector_load_idx %arg7[%add3A_502] : memref<32768xi32, #tpu.memory_space<vmem>>[vector<16xi32>], vector<16xi32>,
      %bitcast3A_504 = vector.bitcast %gather3A_503 : vector<16xi32> to vector<32xbf16>
      %slice3A_505 = vector.extract_strided_slice %get3A_36 {offsets = [13], sizes = [1], strides = [1]} : vector<16xi32> to vector<1xi32>
      %squeeze3A_506 = vector.extract %slice3A_505[0] : i32 from vector<1xi32>
      %broadcast_in_dim3A_507 = vector.broadcast %squeeze3A_506 : i32 to vector<16xi32>
      %bitcast3A_508 = vector.bitcast %broadcast_in_dim3A_507 : vector<16xi32> to vector<32xbf16>
      %max3A_509 = arith.constant 0.000000e+00 : bf16
      %max3A_510 = vector.broadcast %max3A_509 : bf16 to vector<32xbf16>
      %max3A_511 = arith.maximumf %bitcast3A_504, %max3A_510 : vector<32xbf16>
      %mul3A_512 = arith.mulf %max3A_511, %bitcast3A_508 : vector<32xbf16>
      %add3A_513 = arith.addf %add3A_498, %mul3A_512 : vector<32xbf16>
      %add3A_514 = arith.constant 30 : i32
      %add3A_515 = arith.addi %mul3A_67, %add3A_514 : i32
      %add3A_516 = vector.broadcast %add3A_515 : i32 to vector<16xi32>
      %add3A_517 = arith.addi %mul3A_58, %add3A_516 : vector<16xi32>
      %gather3A_518 = tpu.vector_load_idx %arg7[%add3A_517] : memref<32768xi32, #tpu.memory_space<vmem>>[vector<16xi32>], vector<16xi32>,
      %bitcast3A_519 = vector.bitcast %gather3A_518 : vector<16xi32> to vector<32xbf16>
      %slice3A_520 = vector.extract_strided_slice %get3A_36 {offsets = [14], sizes = [1], strides = [1]} : vector<16xi32> to vector<1xi32>
      %squeeze3A_521 = vector.extract %slice3A_520[0] : i32 from vector<1xi32>
      %broadcast_in_dim3A_522 = vector.broadcast %squeeze3A_521 : i32 to vector<16xi32>
      %bitcast3A_523 = vector.bitcast %broadcast_in_dim3A_522 : vector<16xi32> to vector<32xbf16>
      %max3A_524 = arith.constant 0.000000e+00 : bf16
      %max3A_525 = vector.broadcast %max3A_524 : bf16 to vector<32xbf16>
      %max3A_526 = arith.maximumf %bitcast3A_519, %max3A_525 : vector<32xbf16>
      %mul3A_527 = arith.mulf %max3A_526, %bitcast3A_523 : vector<32xbf16>
      %add3A_528 = arith.addf %add3A_513, %mul3A_527 : vector<32xbf16>
      %add3A_529 = arith.constant 31 : i32
      %add3A_530 = arith.addi %mul3A_67, %add3A_529 : i32
      %add3A_531 = vector.broadcast %add3A_530 : i32 to vector<16xi32>
      %add3A_532 = arith.addi %mul3A_58, %add3A_531 : vector<16xi32>
      %gather3A_533 = tpu.vector_load_idx %arg7[%add3A_532] : memref<32768xi32, #tpu.memory_space<vmem>>[vector<16xi32>], vector<16xi32>,
      %bitcast3A_534 = vector.bitcast %gather3A_533 : vector<16xi32> to vector<32xbf16>
      %slice3A_535 = vector.extract_strided_slice %get3A_36 {offsets = [15], sizes = [1], strides = [1]} : vector<16xi32> to vector<1xi32>
      %squeeze3A_536 = vector.extract %slice3A_535[0] : i32 from vector<1xi32>
      %broadcast_in_dim3A_537 = vector.broadcast %squeeze3A_536 : i32 to vector<16xi32>
      %bitcast3A_538 = vector.bitcast %broadcast_in_dim3A_537 : vector<16xi32> to vector<32xbf16>
      %max3A_539 = arith.constant 0.000000e+00 : bf16
      %max3A_540 = vector.broadcast %max3A_539 : bf16 to vector<32xbf16>
      %max3A_541 = arith.maximumf %bitcast3A_534, %max3A_540 : vector<32xbf16>
      %mul3A_542 = arith.mulf %max3A_541, %bitcast3A_538 : vector<32xbf16>
      %add3A_543 = arith.addf %add3A_528, %mul3A_542 : vector<32xbf16>
      %add3A_544 = arith.constant 32 : i32
      %add3A_545 = arith.addi %mul3A_67, %add3A_544 : i32
      %add3A_546 = vector.broadcast %add3A_545 : i32 to vector<16xi32>
      %add3A_547 = arith.addi %mul3A_58, %add3A_546 : vector<16xi32>
      %gather3A_548 = tpu.vector_load_idx %arg7[%add3A_547] : memref<32768xi32, #tpu.memory_space<vmem>>[vector<16xi32>], vector<16xi32>,
      %bitcast3A_549 = vector.bitcast %gather3A_548 : vector<16xi32> to vector<32xbf16>
      %slice3A_550 = vector.extract_strided_slice %get3A_38 {offsets = [0], sizes = [1], strides = [1]} : vector<16xi32> to vector<1xi32>
      %squeeze3A_551 = vector.extract %slice3A_550[0] : i32 from vector<1xi32>
      %broadcast_in_dim3A_552 = vector.broadcast %squeeze3A_551 : i32 to vector<16xi32>
      %bitcast3A_553 = vector.bitcast %broadcast_in_dim3A_552 : vector<16xi32> to vector<32xbf16>
      %max3A_554 = arith.constant 0.000000e+00 : bf16
      %max3A_555 = vector.broadcast %max3A_554 : bf16 to vector<32xbf16>
      %max3A_556 = arith.maximumf %bitcast3A_549, %max3A_555 : vector<32xbf16>
      %mul3A_557 = arith.mulf %max3A_556, %bitcast3A_553 : vector<32xbf16>
      %add3A_558 = arith.addf %add3A_543, %mul3A_557 : vector<32xbf16>
      %add3A_559 = arith.constant 33 : i32
      %add3A_560 = arith.addi %mul3A_67, %add3A_559 : i32
      %add3A_561 = vector.broadcast %add3A_560 : i32 to vector<16xi32>
      %add3A_562 = arith.addi %mul3A_58, %add3A_561 : vector<16xi32>
      %gather3A_563 = tpu.vector_load_idx %arg7[%add3A_562] : memref<32768xi32, #tpu.memory_space<vmem>>[vector<16xi32>], vector<16xi32>,
      %bitcast3A_564 = vector.bitcast %gather3A_563 : vector<16xi32> to vector<32xbf16>
      %slice3A_565 = vector.extract_strided_slice %get3A_38 {offsets = [1], sizes = [1], strides = [1]} : vector<16xi32> to vector<1xi32>
      %squeeze3A_566 = vector.extract %slice3A_565[0] : i32 from vector<1xi32>
      %broadcast_in_dim3A_567 = vector.broadcast %squeeze3A_566 : i32 to vector<16xi32>
      %bitcast3A_568 = vector.bitcast %broadcast_in_dim3A_567 : vector<16xi32> to vector<32xbf16>
      %max3A_569 = arith.constant 0.000000e+00 : bf16
      %max3A_570 = vector.broadcast %max3A_569 : bf16 to vector<32xbf16>
      %max3A_571 = arith.maximumf %bitcast3A_564, %max3A_570 : vector<32xbf16>
      %mul3A_572 = arith.mulf %max3A_571, %bitcast3A_568 : vector<32xbf16>
      %add3A_573 = arith.addf %add3A_558, %mul3A_572 : vector<32xbf16>
      %add3A_574 = arith.constant 34 : i32
      %add3A_575 = arith.addi %mul3A_67, %add3A_574 : i32
      %add3A_576 = vector.broadcast %add3A_575 : i32 to vector<16xi32>
      %add3A_577 = arith.addi %mul3A_58, %add3A_576 : vector<16xi32>
      %gather3A_578 = tpu.vector_load_idx %arg7[%add3A_577] : memref<32768xi32, #tpu.memory_space<vmem>>[vector<16xi32>], vector<16xi32>,
      %bitcast3A_579 = vector.bitcast %gather3A_578 : vector<16xi32> to vector<32xbf16>
      %slice3A_580 = vector.extract_strided_slice %get3A_38 {offsets = [2], sizes = [1], strides = [1]} : vector<16xi32> to vector<1xi32>
      %squeeze3A_581 = vector.extract %slice3A_580[0] : i32 from vector<1xi32>
      %broadcast_in_dim3A_582 = vector.broadcast %squeeze3A_581 : i32 to vector<16xi32>
      %bitcast3A_583 = vector.bitcast %broadcast_in_dim3A_582 : vector<16xi32> to vector<32xbf16>
      %max3A_584 = arith.constant 0.000000e+00 : bf16
      %max3A_585 = vector.broadcast %max3A_584 : bf16 to vector<32xbf16>
      %max3A_586 = arith.maximumf %bitcast3A_579, %max3A_585 : vector<32xbf16>
      %mul3A_587 = arith.mulf %max3A_586, %bitcast3A_583 : vector<32xbf16>
      %add3A_588 = arith.addf %add3A_573, %mul3A_587 : vector<32xbf16>
      %add3A_589 = arith.constant 35 : i32
      %add3A_590 = arith.addi %mul3A_67, %add3A_589 : i32
      %add3A_591 = vector.broadcast %add3A_590 : i32 to vector<16xi32>
      %add3A_592 = arith.addi %mul3A_58, %add3A_591 : vector<16xi32>
      %gather3A_593 = tpu.vector_load_idx %arg7[%add3A_592] : memref<32768xi32, #tpu.memory_space<vmem>>[vector<16xi32>], vector<16xi32>,
      %bitcast3A_594 = vector.bitcast %gather3A_593 : vector<16xi32> to vector<32xbf16>
      %slice3A_595 = vector.extract_strided_slice %get3A_38 {offsets = [3], sizes = [1], strides = [1]} : vector<16xi32> to vector<1xi32>
      %squeeze3A_596 = vector.extract %slice3A_595[0] : i32 from vector<1xi32>
      %broadcast_in_dim3A_597 = vector.broadcast %squeeze3A_596 : i32 to vector<16xi32>
      %bitcast3A_598 = vector.bitcast %broadcast_in_dim3A_597 : vector<16xi32> to vector<32xbf16>
      %max3A_599 = arith.constant 0.000000e+00 : bf16
      %max3A_600 = vector.broadcast %max3A_599 : bf16 to vector<32xbf16>
      %max3A_601 = arith.maximumf %bitcast3A_594, %max3A_600 : vector<32xbf16>
      %mul3A_602 = arith.mulf %max3A_601, %bitcast3A_598 : vector<32xbf16>
      %add3A_603 = arith.addf %add3A_588, %mul3A_602 : vector<32xbf16>
      %add3A_604 = arith.constant 36 : i32
      %add3A_605 = arith.addi %mul3A_67, %add3A_604 : i32
      %add3A_606 = vector.broadcast %add3A_605 : i32 to vector<16xi32>
      %add3A_607 = arith.addi %mul3A_58, %add3A_606 : vector<16xi32>
      %gather3A_608 = tpu.vector_load_idx %arg7[%add3A_607] : memref<32768xi32, #tpu.memory_space<vmem>>[vector<16xi32>], vector<16xi32>,
      %bitcast3A_609 = vector.bitcast %gather3A_608 : vector<16xi32> to vector<32xbf16>
      %slice3A_610 = vector.extract_strided_slice %get3A_38 {offsets = [4], sizes = [1], strides = [1]} : vector<16xi32> to vector<1xi32>
      %squeeze3A_611 = vector.extract %slice3A_610[0] : i32 from vector<1xi32>
      %broadcast_in_dim3A_612 = vector.broadcast %squeeze3A_611 : i32 to vector<16xi32>
      %bitcast3A_613 = vector.bitcast %broadcast_in_dim3A_612 : vector<16xi32> to vector<32xbf16>
      %max3A_614 = arith.constant 0.000000e+00 : bf16
      %max3A_615 = vector.broadcast %max3A_614 : bf16 to vector<32xbf16>
      %max3A_616 = arith.maximumf %bitcast3A_609, %max3A_615 : vector<32xbf16>
      %mul3A_617 = arith.mulf %max3A_616, %bitcast3A_613 : vector<32xbf16>
      %add3A_618 = arith.addf %add3A_603, %mul3A_617 : vector<32xbf16>
      %add3A_619 = arith.constant 37 : i32
      %add3A_620 = arith.addi %mul3A_67, %add3A_619 : i32
      %add3A_621 = vector.broadcast %add3A_620 : i32 to vector<16xi32>
      %add3A_622 = arith.addi %mul3A_58, %add3A_621 : vector<16xi32>
      %gather3A_623 = tpu.vector_load_idx %arg7[%add3A_622] : memref<32768xi32, #tpu.memory_space<vmem>>[vector<16xi32>], vector<16xi32>,
      %bitcast3A_624 = vector.bitcast %gather3A_623 : vector<16xi32> to vector<32xbf16>
      %slice3A_625 = vector.extract_strided_slice %get3A_38 {offsets = [5], sizes = [1], strides = [1]} : vector<16xi32> to vector<1xi32>
      %squeeze3A_626 = vector.extract %slice3A_625[0] : i32 from vector<1xi32>
      %broadcast_in_dim3A_627 = vector.broadcast %squeeze3A_626 : i32 to vector<16xi32>
      %bitcast3A_628 = vector.bitcast %broadcast_in_dim3A_627 : vector<16xi32> to vector<32xbf16>
      %max3A_629 = arith.constant 0.000000e+00 : bf16
      %max3A_630 = vector.broadcast %max3A_629 : bf16 to vector<32xbf16>
      %max3A_631 = arith.maximumf %bitcast3A_624, %max3A_630 : vector<32xbf16>
      %mul3A_632 = arith.mulf %max3A_631, %bitcast3A_628 : vector<32xbf16>
      %add3A_633 = arith.addf %add3A_618, %mul3A_632 : vector<32xbf16>
      %add3A_634 = arith.constant 38 : i32
      %add3A_635 = arith.addi %mul3A_67, %add3A_634 : i32
      %add3A_636 = vector.broadcast %add3A_635 : i32 to vector<16xi32>
      %add3A_637 = arith.addi %mul3A_58, %add3A_636 : vector<16xi32>
      %gather3A_638 = tpu.vector_load_idx %arg7[%add3A_637] : memref<32768xi32, #tpu.memory_space<vmem>>[vector<16xi32>], vector<16xi32>,
      %bitcast3A_639 = vector.bitcast %gather3A_638 : vector<16xi32> to vector<32xbf16>
      %slice3A_640 = vector.extract_strided_slice %get3A_38 {offsets = [6], sizes = [1], strides = [1]} : vector<16xi32> to vector<1xi32>
      %squeeze3A_641 = vector.extract %slice3A_640[0] : i32 from vector<1xi32>
      %broadcast_in_dim3A_642 = vector.broadcast %squeeze3A_641 : i32 to vector<16xi32>
      %bitcast3A_643 = vector.bitcast %broadcast_in_dim3A_642 : vector<16xi32> to vector<32xbf16>
      %max3A_644 = arith.constant 0.000000e+00 : bf16
      %max3A_645 = vector.broadcast %max3A_644 : bf16 to vector<32xbf16>
      %max3A_646 = arith.maximumf %bitcast3A_639, %max3A_645 : vector<32xbf16>
      %mul3A_647 = arith.mulf %max3A_646, %bitcast3A_643 : vector<32xbf16>
      %add3A_648 = arith.addf %add3A_633, %mul3A_647 : vector<32xbf16>
      %add3A_649 = arith.constant 39 : i32
      %add3A_650 = arith.addi %mul3A_67, %add3A_649 : i32
      %add3A_651 = vector.broadcast %add3A_650 : i32 to vector<16xi32>
      %add3A_652 = arith.addi %mul3A_58, %add3A_651 : vector<16xi32>
      %gather3A_653 = tpu.vector_load_idx %arg7[%add3A_652] : memref<32768xi32, #tpu.memory_space<vmem>>[vector<16xi32>], vector<16xi32>,
      %bitcast3A_654 = vector.bitcast %gather3A_653 : vector<16xi32> to vector<32xbf16>
      %slice3A_655 = vector.extract_strided_slice %get3A_38 {offsets = [7], sizes = [1], strides = [1]} : vector<16xi32> to vector<1xi32>
      %squeeze3A_656 = vector.extract %slice3A_655[0] : i32 from vector<1xi32>
      %broadcast_in_dim3A_657 = vector.broadcast %squeeze3A_656 : i32 to vector<16xi32>
      %bitcast3A_658 = vector.bitcast %broadcast_in_dim3A_657 : vector<16xi32> to vector<32xbf16>
      %max3A_659 = arith.constant 0.000000e+00 : bf16
      %max3A_660 = vector.broadcast %max3A_659 : bf16 to vector<32xbf16>
      %max3A_661 = arith.maximumf %bitcast3A_654, %max3A_660 : vector<32xbf16>
      %mul3A_662 = arith.mulf %max3A_661, %bitcast3A_658 : vector<32xbf16>
      %add3A_663 = arith.addf %add3A_648, %mul3A_662 : vector<32xbf16>
      %add3A_664 = arith.constant 40 : i32
      %add3A_665 = arith.addi %mul3A_67, %add3A_664 : i32
      %add3A_666 = vector.broadcast %add3A_665 : i32 to vector<16xi32>
      %add3A_667 = arith.addi %mul3A_58, %add3A_666 : vector<16xi32>
      %gather3A_668 = tpu.vector_load_idx %arg7[%add3A_667] : memref<32768xi32, #tpu.memory_space<vmem>>[vector<16xi32>], vector<16xi32>,
      %bitcast3A_669 = vector.bitcast %gather3A_668 : vector<16xi32> to vector<32xbf16>
      %slice3A_670 = vector.extract_strided_slice %get3A_38 {offsets = [8], sizes = [1], strides = [1]} : vector<16xi32> to vector<1xi32>
      %squeeze3A_671 = vector.extract %slice3A_670[0] : i32 from vector<1xi32>
      %broadcast_in_dim3A_672 = vector.broadcast %squeeze3A_671 : i32 to vector<16xi32>
      %bitcast3A_673 = vector.bitcast %broadcast_in_dim3A_672 : vector<16xi32> to vector<32xbf16>
      %max3A_674 = arith.constant 0.000000e+00 : bf16
      %max3A_675 = vector.broadcast %max3A_674 : bf16 to vector<32xbf16>
      %max3A_676 = arith.maximumf %bitcast3A_669, %max3A_675 : vector<32xbf16>
      %mul3A_677 = arith.mulf %max3A_676, %bitcast3A_673 : vector<32xbf16>
      %add3A_678 = arith.addf %add3A_663, %mul3A_677 : vector<32xbf16>
      %add3A_679 = arith.constant 41 : i32
      %add3A_680 = arith.addi %mul3A_67, %add3A_679 : i32
      %add3A_681 = vector.broadcast %add3A_680 : i32 to vector<16xi32>
      %add3A_682 = arith.addi %mul3A_58, %add3A_681 : vector<16xi32>
      %gather3A_683 = tpu.vector_load_idx %arg7[%add3A_682] : memref<32768xi32, #tpu.memory_space<vmem>>[vector<16xi32>], vector<16xi32>,
      %bitcast3A_684 = vector.bitcast %gather3A_683 : vector<16xi32> to vector<32xbf16>
      %slice3A_685 = vector.extract_strided_slice %get3A_38 {offsets = [9], sizes = [1], strides = [1]} : vector<16xi32> to vector<1xi32>
      %squeeze3A_686 = vector.extract %slice3A_685[0] : i32 from vector<1xi32>
      %broadcast_in_dim3A_687 = vector.broadcast %squeeze3A_686 : i32 to vector<16xi32>
      %bitcast3A_688 = vector.bitcast %broadcast_in_dim3A_687 : vector<16xi32> to vector<32xbf16>
      %max3A_689 = arith.constant 0.000000e+00 : bf16
      %max3A_690 = vector.broadcast %max3A_689 : bf16 to vector<32xbf16>
      %max3A_691 = arith.maximumf %bitcast3A_684, %max3A_690 : vector<32xbf16>
      %mul3A_692 = arith.mulf %max3A_691, %bitcast3A_688 : vector<32xbf16>
      %add3A_693 = arith.addf %add3A_678, %mul3A_692 : vector<32xbf16>
      %add3A_694 = arith.constant 42 : i32
      %add3A_695 = arith.addi %mul3A_67, %add3A_694 : i32
      %add3A_696 = vector.broadcast %add3A_695 : i32 to vector<16xi32>
      %add3A_697 = arith.addi %mul3A_58, %add3A_696 : vector<16xi32>
      %gather3A_698 = tpu.vector_load_idx %arg7[%add3A_697] : memref<32768xi32, #tpu.memory_space<vmem>>[vector<16xi32>], vector<16xi32>,
      %bitcast3A_699 = vector.bitcast %gather3A_698 : vector<16xi32> to vector<32xbf16>
      %slice3A_700 = vector.extract_strided_slice %get3A_38 {offsets = [10], sizes = [1], strides = [1]} : vector<16xi32> to vector<1xi32>
      %squeeze3A_701 = vector.extract %slice3A_700[0] : i32 from vector<1xi32>
      %broadcast_in_dim3A_702 = vector.broadcast %squeeze3A_701 : i32 to vector<16xi32>
      %bitcast3A_703 = vector.bitcast %broadcast_in_dim3A_702 : vector<16xi32> to vector<32xbf16>
      %max3A_704 = arith.constant 0.000000e+00 : bf16
      %max3A_705 = vector.broadcast %max3A_704 : bf16 to vector<32xbf16>
      %max3A_706 = arith.maximumf %bitcast3A_699, %max3A_705 : vector<32xbf16>
      %mul3A_707 = arith.mulf %max3A_706, %bitcast3A_703 : vector<32xbf16>
      %add3A_708 = arith.addf %add3A_693, %mul3A_707 : vector<32xbf16>
      %add3A_709 = arith.constant 43 : i32
      %add3A_710 = arith.addi %mul3A_67, %add3A_709 : i32
      %add3A_711 = vector.broadcast %add3A_710 : i32 to vector<16xi32>
      %add3A_712 = arith.addi %mul3A_58, %add3A_711 : vector<16xi32>
      %gather3A_713 = tpu.vector_load_idx %arg7[%add3A_712] : memref<32768xi32, #tpu.memory_space<vmem>>[vector<16xi32>], vector<16xi32>,
      %bitcast3A_714 = vector.bitcast %gather3A_713 : vector<16xi32> to vector<32xbf16>
      %slice3A_715 = vector.extract_strided_slice %get3A_38 {offsets = [11], sizes = [1], strides = [1]} : vector<16xi32> to vector<1xi32>
      %squeeze3A_716 = vector.extract %slice3A_715[0] : i32 from vector<1xi32>
      %broadcast_in_dim3A_717 = vector.broadcast %squeeze3A_716 : i32 to vector<16xi32>
      %bitcast3A_718 = vector.bitcast %broadcast_in_dim3A_717 : vector<16xi32> to vector<32xbf16>
      %max3A_719 = arith.constant 0.000000e+00 : bf16
      %max3A_720 = vector.broadcast %max3A_719 : bf16 to vector<32xbf16>
      %max3A_721 = arith.maximumf %bitcast3A_714, %max3A_720 : vector<32xbf16>
      %mul3A_722 = arith.mulf %max3A_721, %bitcast3A_718 : vector<32xbf16>
      %add3A_723 = arith.addf %add3A_708, %mul3A_722 : vector<32xbf16>
      %add3A_724 = arith.constant 44 : i32
      %add3A_725 = arith.addi %mul3A_67, %add3A_724 : i32
      %add3A_726 = vector.broadcast %add3A_725 : i32 to vector<16xi32>
      %add3A_727 = arith.addi %mul3A_58, %add3A_726 : vector<16xi32>
      %gather3A_728 = tpu.vector_load_idx %arg7[%add3A_727] : memref<32768xi32, #tpu.memory_space<vmem>>[vector<16xi32>], vector<16xi32>,
      %bitcast3A_729 = vector.bitcast %gather3A_728 : vector<16xi32> to vector<32xbf16>
      %slice3A_730 = vector.extract_strided_slice %get3A_38 {offsets = [12], sizes = [1], strides = [1]} : vector<16xi32> to vector<1xi32>
      %squeeze3A_731 = vector.extract %slice3A_730[0] : i32 from vector<1xi32>
      %broadcast_in_dim3A_732 = vector.broadcast %squeeze3A_731 : i32 to vector<16xi32>
      %bitcast3A_733 = vector.bitcast %broadcast_in_dim3A_732 : vector<16xi32> to vector<32xbf16>
      %max3A_734 = arith.constant 0.000000e+00 : bf16
      %max3A_735 = vector.broadcast %max3A_734 : bf16 to vector<32xbf16>
      %max3A_736 = arith.maximumf %bitcast3A_729, %max3A_735 : vector<32xbf16>
      %mul3A_737 = arith.mulf %max3A_736, %bitcast3A_733 : vector<32xbf16>
      %add3A_738 = arith.addf %add3A_723, %mul3A_737 : vector<32xbf16>
      %add3A_739 = arith.constant 45 : i32
      %add3A_740 = arith.addi %mul3A_67, %add3A_739 : i32
      %add3A_741 = vector.broadcast %add3A_740 : i32 to vector<16xi32>
      %add3A_742 = arith.addi %mul3A_58, %add3A_741 : vector<16xi32>
      %gather3A_743 = tpu.vector_load_idx %arg7[%add3A_742] : memref<32768xi32, #tpu.memory_space<vmem>>[vector<16xi32>], vector<16xi32>,
      %bitcast3A_744 = vector.bitcast %gather3A_743 : vector<16xi32> to vector<32xbf16>
      %slice3A_745 = vector.extract_strided_slice %get3A_38 {offsets = [13], sizes = [1], strides = [1]} : vector<16xi32> to vector<1xi32>
      %squeeze3A_746 = vector.extract %slice3A_745[0] : i32 from vector<1xi32>
      %broadcast_in_dim3A_747 = vector.broadcast %squeeze3A_746 : i32 to vector<16xi32>
      %bitcast3A_748 = vector.bitcast %broadcast_in_dim3A_747 : vector<16xi32> to vector<32xbf16>
      %max3A_749 = arith.constant 0.000000e+00 : bf16
      %max3A_750 = vector.broadcast %max3A_749 : bf16 to vector<32xbf16>
      %max3A_751 = arith.maximumf %bitcast3A_744, %max3A_750 : vector<32xbf16>
      %mul3A_752 = arith.mulf %max3A_751, %bitcast3A_748 : vector<32xbf16>
      %add3A_753 = arith.addf %add3A_738, %mul3A_752 : vector<32xbf16>
      %add3A_754 = arith.constant 46 : i32
      %add3A_755 = arith.addi %mul3A_67, %add3A_754 : i32
      %add3A_756 = vector.broadcast %add3A_755 : i32 to vector<16xi32>
      %add3A_757 = arith.addi %mul3A_58, %add3A_756 : vector<16xi32>
      %gather3A_758 = tpu.vector_load_idx %arg7[%add3A_757] : memref<32768xi32, #tpu.memory_space<vmem>>[vector<16xi32>], vector<16xi32>,
      %bitcast3A_759 = vector.bitcast %gather3A_758 : vector<16xi32> to vector<32xbf16>
      %slice3A_760 = vector.extract_strided_slice %get3A_38 {offsets = [14], sizes = [1], strides = [1]} : vector<16xi32> to vector<1xi32>
      %squeeze3A_761 = vector.extract %slice3A_760[0] : i32 from vector<1xi32>
      %broadcast_in_dim3A_762 = vector.broadcast %squeeze3A_761 : i32 to vector<16xi32>
      %bitcast3A_763 = vector.bitcast %broadcast_in_dim3A_762 : vector<16xi32> to vector<32xbf16>
      %max3A_764 = arith.constant 0.000000e+00 : bf16
      %max3A_765 = vector.broadcast %max3A_764 : bf16 to vector<32xbf16>
      %max3A_766 = arith.maximumf %bitcast3A_759, %max3A_765 : vector<32xbf16>
      %mul3A_767 = arith.mulf %max3A_766, %bitcast3A_763 : vector<32xbf16>
      %add3A_768 = arith.addf %add3A_753, %mul3A_767 : vector<32xbf16>
      %add3A_769 = arith.constant 47 : i32
      %add3A_770 = arith.addi %mul3A_67, %add3A_769 : i32
      %add3A_771 = vector.broadcast %add3A_770 : i32 to vector<16xi32>
      %add3A_772 = arith.addi %mul3A_58, %add3A_771 : vector<16xi32>
      %gather3A_773 = tpu.vector_load_idx %arg7[%add3A_772] : memref<32768xi32, #tpu.memory_space<vmem>>[vector<16xi32>], vector<16xi32>,
      %bitcast3A_774 = vector.bitcast %gather3A_773 : vector<16xi32> to vector<32xbf16>
      %slice3A_775 = vector.extract_strided_slice %get3A_38 {offsets = [15], sizes = [1], strides = [1]} : vector<16xi32> to vector<1xi32>
      %squeeze3A_776 = vector.extract %slice3A_775[0] : i32 from vector<1xi32>
      %broadcast_in_dim3A_777 = vector.broadcast %squeeze3A_776 : i32 to vector<16xi32>
      %bitcast3A_778 = vector.bitcast %broadcast_in_dim3A_777 : vector<16xi32> to vector<32xbf16>
      %max3A_779 = arith.constant 0.000000e+00 : bf16
      %max3A_780 = vector.broadcast %max3A_779 : bf16 to vector<32xbf16>
      %max3A_781 = arith.maximumf %bitcast3A_774, %max3A_780 : vector<32xbf16>
      %mul3A_782 = arith.mulf %max3A_781, %bitcast3A_778 : vector<32xbf16>
      %add3A_783 = arith.addf %add3A_768, %mul3A_782 : vector<32xbf16>
      %add3A_784 = arith.constant 48 : i32
      %add3A_785 = arith.addi %mul3A_67, %add3A_784 : i32
      %add3A_786 = vector.broadcast %add3A_785 : i32 to vector<16xi32>
      %add3A_787 = arith.addi %mul3A_58, %add3A_786 : vector<16xi32>
      %gather3A_788 = tpu.vector_load_idx %arg7[%add3A_787] : memref<32768xi32, #tpu.memory_space<vmem>>[vector<16xi32>], vector<16xi32>,
      %bitcast3A_789 = vector.bitcast %gather3A_788 : vector<16xi32> to vector<32xbf16>
      %slice3A_790 = vector.extract_strided_slice %get3A_40 {offsets = [0], sizes = [1], strides = [1]} : vector<16xi32> to vector<1xi32>
      %squeeze3A_791 = vector.extract %slice3A_790[0] : i32 from vector<1xi32>
      %broadcast_in_dim3A_792 = vector.broadcast %squeeze3A_791 : i32 to vector<16xi32>
      %bitcast3A_793 = vector.bitcast %broadcast_in_dim3A_792 : vector<16xi32> to vector<32xbf16>
      %max3A_794 = arith.constant 0.000000e+00 : bf16
      %max3A_795 = vector.broadcast %max3A_794 : bf16 to vector<32xbf16>
      %max3A_796 = arith.maximumf %bitcast3A_789, %max3A_795 : vector<32xbf16>
      %mul3A_797 = arith.mulf %max3A_796, %bitcast3A_793 : vector<32xbf16>
      %add3A_798 = arith.addf %add3A_783, %mul3A_797 : vector<32xbf16>
      %add3A_799 = arith.constant 49 : i32
      %add3A_800 = arith.addi %mul3A_67, %add3A_799 : i32
      %add3A_801 = vector.broadcast %add3A_800 : i32 to vector<16xi32>
      %add3A_802 = arith.addi %mul3A_58, %add3A_801 : vector<16xi32>
      %gather3A_803 = tpu.vector_load_idx %arg7[%add3A_802] : memref<32768xi32, #tpu.memory_space<vmem>>[vector<16xi32>], vector<16xi32>,
      %bitcast3A_804 = vector.bitcast %gather3A_803 : vector<16xi32> to vector<32xbf16>
      %slice3A_805 = vector.extract_strided_slice %get3A_40 {offsets = [1], sizes = [1], strides = [1]} : vector<16xi32> to vector<1xi32>
      %squeeze3A_806 = vector.extract %slice3A_805[0] : i32 from vector<1xi32>
      %broadcast_in_dim3A_807 = vector.broadcast %squeeze3A_806 : i32 to vector<16xi32>
      %bitcast3A_808 = vector.bitcast %broadcast_in_dim3A_807 : vector<16xi32> to vector<32xbf16>
      %max3A_809 = arith.constant 0.000000e+00 : bf16
      %max3A_810 = vector.broadcast %max3A_809 : bf16 to vector<32xbf16>
      %max3A_811 = arith.maximumf %bitcast3A_804, %max3A_810 : vector<32xbf16>
      %mul3A_812 = arith.mulf %max3A_811, %bitcast3A_808 : vector<32xbf16>
      %add3A_813 = arith.addf %add3A_798, %mul3A_812 : vector<32xbf16>
      %add3A_814 = arith.constant 50 : i32
      %add3A_815 = arith.addi %mul3A_67, %add3A_814 : i32
      %add3A_816 = vector.broadcast %add3A_815 : i32 to vector<16xi32>
      %add3A_817 = arith.addi %mul3A_58, %add3A_816 : vector<16xi32>
      %gather3A_818 = tpu.vector_load_idx %arg7[%add3A_817] : memref<32768xi32, #tpu.memory_space<vmem>>[vector<16xi32>], vector<16xi32>,
      %bitcast3A_819 = vector.bitcast %gather3A_818 : vector<16xi32> to vector<32xbf16>
      %slice3A_820 = vector.extract_strided_slice %get3A_40 {offsets = [2], sizes = [1], strides = [1]} : vector<16xi32> to vector<1xi32>
      %squeeze3A_821 = vector.extract %slice3A_820[0] : i32 from vector<1xi32>
      %broadcast_in_dim3A_822 = vector.broadcast %squeeze3A_821 : i32 to vector<16xi32>
      %bitcast3A_823 = vector.bitcast %broadcast_in_dim3A_822 : vector<16xi32> to vector<32xbf16>
      %max3A_824 = arith.constant 0.000000e+00 : bf16
      %max3A_825 = vector.broadcast %max3A_824 : bf16 to vector<32xbf16>
      %max3A_826 = arith.maximumf %bitcast3A_819, %max3A_825 : vector<32xbf16>
      %mul3A_827 = arith.mulf %max3A_826, %bitcast3A_823 : vector<32xbf16>
      %add3A_828 = arith.addf %add3A_813, %mul3A_827 : vector<32xbf16>
      %add3A_829 = arith.constant 51 : i32
      %add3A_830 = arith.addi %mul3A_67, %add3A_829 : i32
      %add3A_831 = vector.broadcast %add3A_830 : i32 to vector<16xi32>
      %add3A_832 = arith.addi %mul3A_58, %add3A_831 : vector<16xi32>
      %gather3A_833 = tpu.vector_load_idx %arg7[%add3A_832] : memref<32768xi32, #tpu.memory_space<vmem>>[vector<16xi32>], vector<16xi32>,
      %bitcast3A_834 = vector.bitcast %gather3A_833 : vector<16xi32> to vector<32xbf16>
      %slice3A_835 = vector.extract_strided_slice %get3A_40 {offsets = [3], sizes = [1], strides = [1]} : vector<16xi32> to vector<1xi32>
      %squeeze3A_836 = vector.extract %slice3A_835[0] : i32 from vector<1xi32>
      %broadcast_in_dim3A_837 = vector.broadcast %squeeze3A_836 : i32 to vector<16xi32>
      %bitcast3A_838 = vector.bitcast %broadcast_in_dim3A_837 : vector<16xi32> to vector<32xbf16>
      %max3A_839 = arith.constant 0.000000e+00 : bf16
      %max3A_840 = vector.broadcast %max3A_839 : bf16 to vector<32xbf16>
      %max3A_841 = arith.maximumf %bitcast3A_834, %max3A_840 : vector<32xbf16>
      %mul3A_842 = arith.mulf %max3A_841, %bitcast3A_838 : vector<32xbf16>
      %add3A_843 = arith.addf %add3A_828, %mul3A_842 : vector<32xbf16>
      %add3A_844 = arith.constant 52 : i32
      %add3A_845 = arith.addi %mul3A_67, %add3A_844 : i32
      %add3A_846 = vector.broadcast %add3A_845 : i32 to vector<16xi32>
      %add3A_847 = arith.addi %mul3A_58, %add3A_846 : vector<16xi32>
      %gather3A_848 = tpu.vector_load_idx %arg7[%add3A_847] : memref<32768xi32, #tpu.memory_space<vmem>>[vector<16xi32>], vector<16xi32>,
      %bitcast3A_849 = vector.bitcast %gather3A_848 : vector<16xi32> to vector<32xbf16>
      %slice3A_850 = vector.extract_strided_slice %get3A_40 {offsets = [4], sizes = [1], strides = [1]} : vector<16xi32> to vector<1xi32>
      %squeeze3A_851 = vector.extract %slice3A_850[0] : i32 from vector<1xi32>
      %broadcast_in_dim3A_852 = vector.broadcast %squeeze3A_851 : i32 to vector<16xi32>
      %bitcast3A_853 = vector.bitcast %broadcast_in_dim3A_852 : vector<16xi32> to vector<32xbf16>
      %max3A_854 = arith.constant 0.000000e+00 : bf16
      %max3A_855 = vector.broadcast %max3A_854 : bf16 to vector<32xbf16>
      %max3A_856 = arith.maximumf %bitcast3A_849, %max3A_855 : vector<32xbf16>
      %mul3A_857 = arith.mulf %max3A_856, %bitcast3A_853 : vector<32xbf16>
      %add3A_858 = arith.addf %add3A_843, %mul3A_857 : vector<32xbf16>
      %add3A_859 = arith.constant 53 : i32
      %add3A_860 = arith.addi %mul3A_67, %add3A_859 : i32
      %add3A_861 = vector.broadcast %add3A_860 : i32 to vector<16xi32>
      %add3A_862 = arith.addi %mul3A_58, %add3A_861 : vector<16xi32>
      %gather3A_863 = tpu.vector_load_idx %arg7[%add3A_862] : memref<32768xi32, #tpu.memory_space<vmem>>[vector<16xi32>], vector<16xi32>,
      %bitcast3A_864 = vector.bitcast %gather3A_863 : vector<16xi32> to vector<32xbf16>
      %slice3A_865 = vector.extract_strided_slice %get3A_40 {offsets = [5], sizes = [1], strides = [1]} : vector<16xi32> to vector<1xi32>
      %squeeze3A_866 = vector.extract %slice3A_865[0] : i32 from vector<1xi32>
      %broadcast_in_dim3A_867 = vector.broadcast %squeeze3A_866 : i32 to vector<16xi32>
      %bitcast3A_868 = vector.bitcast %broadcast_in_dim3A_867 : vector<16xi32> to vector<32xbf16>
      %max3A_869 = arith.constant 0.000000e+00 : bf16
      %max3A_870 = vector.broadcast %max3A_869 : bf16 to vector<32xbf16>
      %max3A_871 = arith.maximumf %bitcast3A_864, %max3A_870 : vector<32xbf16>
      %mul3A_872 = arith.mulf %max3A_871, %bitcast3A_868 : vector<32xbf16>
      %add3A_873 = arith.addf %add3A_858, %mul3A_872 : vector<32xbf16>
      %add3A_874 = arith.constant 54 : i32
      %add3A_875 = arith.addi %mul3A_67, %add3A_874 : i32
      %add3A_876 = vector.broadcast %add3A_875 : i32 to vector<16xi32>
      %add3A_877 = arith.addi %mul3A_58, %add3A_876 : vector<16xi32>
      %gather3A_878 = tpu.vector_load_idx %arg7[%add3A_877] : memref<32768xi32, #tpu.memory_space<vmem>>[vector<16xi32>], vector<16xi32>,
      %bitcast3A_879 = vector.bitcast %gather3A_878 : vector<16xi32> to vector<32xbf16>
      %slice3A_880 = vector.extract_strided_slice %get3A_40 {offsets = [6], sizes = [1], strides = [1]} : vector<16xi32> to vector<1xi32>
      %squeeze3A_881 = vector.extract %slice3A_880[0] : i32 from vector<1xi32>
      %broadcast_in_dim3A_882 = vector.broadcast %squeeze3A_881 : i32 to vector<16xi32>
      %bitcast3A_883 = vector.bitcast %broadcast_in_dim3A_882 : vector<16xi32> to vector<32xbf16>
      %max3A_884 = arith.constant 0.000000e+00 : bf16
      %max3A_885 = vector.broadcast %max3A_884 : bf16 to vector<32xbf16>
      %max3A_886 = arith.maximumf %bitcast3A_879, %max3A_885 : vector<32xbf16>
      %mul3A_887 = arith.mulf %max3A_886, %bitcast3A_883 : vector<32xbf16>
      %add3A_888 = arith.addf %add3A_873, %mul3A_887 : vector<32xbf16>
      %add3A_889 = arith.constant 55 : i32
      %add3A_890 = arith.addi %mul3A_67, %add3A_889 : i32
      %add3A_891 = vector.broadcast %add3A_890 : i32 to vector<16xi32>
      %add3A_892 = arith.addi %mul3A_58, %add3A_891 : vector<16xi32>
      %gather3A_893 = tpu.vector_load_idx %arg7[%add3A_892] : memref<32768xi32, #tpu.memory_space<vmem>>[vector<16xi32>], vector<16xi32>,
      %bitcast3A_894 = vector.bitcast %gather3A_893 : vector<16xi32> to vector<32xbf16>
      %slice3A_895 = vector.extract_strided_slice %get3A_40 {offsets = [7], sizes = [1], strides = [1]} : vector<16xi32> to vector<1xi32>
      %squeeze3A_896 = vector.extract %slice3A_895[0] : i32 from vector<1xi32>
      %broadcast_in_dim3A_897 = vector.broadcast %squeeze3A_896 : i32 to vector<16xi32>
      %bitcast3A_898 = vector.bitcast %broadcast_in_dim3A_897 : vector<16xi32> to vector<32xbf16>
      %max3A_899 = arith.constant 0.000000e+00 : bf16
      %max3A_900 = vector.broadcast %max3A_899 : bf16 to vector<32xbf16>
      %max3A_901 = arith.maximumf %bitcast3A_894, %max3A_900 : vector<32xbf16>
      %mul3A_902 = arith.mulf %max3A_901, %bitcast3A_898 : vector<32xbf16>
      %add3A_903 = arith.addf %add3A_888, %mul3A_902 : vector<32xbf16>
      %add3A_904 = arith.constant 56 : i32
      %add3A_905 = arith.addi %mul3A_67, %add3A_904 : i32
      %add3A_906 = vector.broadcast %add3A_905 : i32 to vector<16xi32>
      %add3A_907 = arith.addi %mul3A_58, %add3A_906 : vector<16xi32>
      %gather3A_908 = tpu.vector_load_idx %arg7[%add3A_907] : memref<32768xi32, #tpu.memory_space<vmem>>[vector<16xi32>], vector<16xi32>,
      %bitcast3A_909 = vector.bitcast %gather3A_908 : vector<16xi32> to vector<32xbf16>
      %slice3A_910 = vector.extract_strided_slice %get3A_40 {offsets = [8], sizes = [1], strides = [1]} : vector<16xi32> to vector<1xi32>
      %squeeze3A_911 = vector.extract %slice3A_910[0] : i32 from vector<1xi32>
      %broadcast_in_dim3A_912 = vector.broadcast %squeeze3A_911 : i32 to vector<16xi32>
      %bitcast3A_913 = vector.bitcast %broadcast_in_dim3A_912 : vector<16xi32> to vector<32xbf16>
      %max3A_914 = arith.constant 0.000000e+00 : bf16
      %max3A_915 = vector.broadcast %max3A_914 : bf16 to vector<32xbf16>
      %max3A_916 = arith.maximumf %bitcast3A_909, %max3A_915 : vector<32xbf16>
      %mul3A_917 = arith.mulf %max3A_916, %bitcast3A_913 : vector<32xbf16>
      %add3A_918 = arith.addf %add3A_903, %mul3A_917 : vector<32xbf16>
      %add3A_919 = arith.constant 57 : i32
      %add3A_920 = arith.addi %mul3A_67, %add3A_919 : i32
      %add3A_921 = vector.broadcast %add3A_920 : i32 to vector<16xi32>
      %add3A_922 = arith.addi %mul3A_58, %add3A_921 : vector<16xi32>
      %gather3A_923 = tpu.vector_load_idx %arg7[%add3A_922] : memref<32768xi32, #tpu.memory_space<vmem>>[vector<16xi32>], vector<16xi32>,
      %bitcast3A_924 = vector.bitcast %gather3A_923 : vector<16xi32> to vector<32xbf16>
      %slice3A_925 = vector.extract_strided_slice %get3A_40 {offsets = [9], sizes = [1], strides = [1]} : vector<16xi32> to vector<1xi32>
      %squeeze3A_926 = vector.extract %slice3A_925[0] : i32 from vector<1xi32>
      %broadcast_in_dim3A_927 = vector.broadcast %squeeze3A_926 : i32 to vector<16xi32>
      %bitcast3A_928 = vector.bitcast %broadcast_in_dim3A_927 : vector<16xi32> to vector<32xbf16>
      %max3A_929 = arith.constant 0.000000e+00 : bf16
      %max3A_930 = vector.broadcast %max3A_929 : bf16 to vector<32xbf16>
      %max3A_931 = arith.maximumf %bitcast3A_924, %max3A_930 : vector<32xbf16>
      %mul3A_932 = arith.mulf %max3A_931, %bitcast3A_928 : vector<32xbf16>
      %add3A_933 = arith.addf %add3A_918, %mul3A_932 : vector<32xbf16>
      %add3A_934 = arith.constant 58 : i32
      %add3A_935 = arith.addi %mul3A_67, %add3A_934 : i32
      %add3A_936 = vector.broadcast %add3A_935 : i32 to vector<16xi32>
      %add3A_937 = arith.addi %mul3A_58, %add3A_936 : vector<16xi32>
      %gather3A_938 = tpu.vector_load_idx %arg7[%add3A_937] : memref<32768xi32, #tpu.memory_space<vmem>>[vector<16xi32>], vector<16xi32>,
      %bitcast3A_939 = vector.bitcast %gather3A_938 : vector<16xi32> to vector<32xbf16>
      %slice3A_940 = vector.extract_strided_slice %get3A_40 {offsets = [10], sizes = [1], strides = [1]} : vector<16xi32> to vector<1xi32>
      %squeeze3A_941 = vector.extract %slice3A_940[0] : i32 from vector<1xi32>
      %broadcast_in_dim3A_942 = vector.broadcast %squeeze3A_941 : i32 to vector<16xi32>
      %bitcast3A_943 = vector.bitcast %broadcast_in_dim3A_942 : vector<16xi32> to vector<32xbf16>
      %max3A_944 = arith.constant 0.000000e+00 : bf16
      %max3A_945 = vector.broadcast %max3A_944 : bf16 to vector<32xbf16>
      %max3A_946 = arith.maximumf %bitcast3A_939, %max3A_945 : vector<32xbf16>
      %mul3A_947 = arith.mulf %max3A_946, %bitcast3A_943 : vector<32xbf16>
      %add3A_948 = arith.addf %add3A_933, %mul3A_947 : vector<32xbf16>
      %add3A_949 = arith.constant 59 : i32
      %add3A_950 = arith.addi %mul3A_67, %add3A_949 : i32
      %add3A_951 = vector.broadcast %add3A_950 : i32 to vector<16xi32>
      %add3A_952 = arith.addi %mul3A_58, %add3A_951 : vector<16xi32>
      %gather3A_953 = tpu.vector_load_idx %arg7[%add3A_952] : memref<32768xi32, #tpu.memory_space<vmem>>[vector<16xi32>], vector<16xi32>,
      %bitcast3A_954 = vector.bitcast %gather3A_953 : vector<16xi32> to vector<32xbf16>
      %slice3A_955 = vector.extract_strided_slice %get3A_40 {offsets = [11], sizes = [1], strides = [1]} : vector<16xi32> to vector<1xi32>
      %squeeze3A_956 = vector.extract %slice3A_955[0] : i32 from vector<1xi32>
      %broadcast_in_dim3A_957 = vector.broadcast %squeeze3A_956 : i32 to vector<16xi32>
      %bitcast3A_958 = vector.bitcast %broadcast_in_dim3A_957 : vector<16xi32> to vector<32xbf16>
      %max3A_959 = arith.constant 0.000000e+00 : bf16
      %max3A_960 = vector.broadcast %max3A_959 : bf16 to vector<32xbf16>
      %max3A_961 = arith.maximumf %bitcast3A_954, %max3A_960 : vector<32xbf16>
      %mul3A_962 = arith.mulf %max3A_961, %bitcast3A_958 : vector<32xbf16>
      %add3A_963 = arith.addf %add3A_948, %mul3A_962 : vector<32xbf16>
      %add3A_964 = arith.constant 60 : i32
      %add3A_965 = arith.addi %mul3A_67, %add3A_964 : i32
      %add3A_966 = vector.broadcast %add3A_965 : i32 to vector<16xi32>
      %add3A_967 = arith.addi %mul3A_58, %add3A_966 : vector<16xi32>
      %gather3A_968 = tpu.vector_load_idx %arg7[%add3A_967] : memref<32768xi32, #tpu.memory_space<vmem>>[vector<16xi32>], vector<16xi32>,
      %bitcast3A_969 = vector.bitcast %gather3A_968 : vector<16xi32> to vector<32xbf16>
      %slice3A_970 = vector.extract_strided_slice %get3A_40 {offsets = [12], sizes = [1], strides = [1]} : vector<16xi32> to vector<1xi32>
      %squeeze3A_971 = vector.extract %slice3A_970[0] : i32 from vector<1xi32>
      %broadcast_in_dim3A_972 = vector.broadcast %squeeze3A_971 : i32 to vector<16xi32>
      %bitcast3A_973 = vector.bitcast %broadcast_in_dim3A_972 : vector<16xi32> to vector<32xbf16>
      %max3A_974 = arith.constant 0.000000e+00 : bf16
      %max3A_975 = vector.broadcast %max3A_974 : bf16 to vector<32xbf16>
      %max3A_976 = arith.maximumf %bitcast3A_969, %max3A_975 : vector<32xbf16>
      %mul3A_977 = arith.mulf %max3A_976, %bitcast3A_973 : vector<32xbf16>
      %add3A_978 = arith.addf %add3A_963, %mul3A_977 : vector<32xbf16>
      %add3A_979 = arith.constant 61 : i32
      %add3A_980 = arith.addi %mul3A_67, %add3A_979 : i32
      %add3A_981 = vector.broadcast %add3A_980 : i32 to vector<16xi32>
      %add3A_982 = arith.addi %mul3A_58, %add3A_981 : vector<16xi32>
      %gather3A_983 = tpu.vector_load_idx %arg7[%add3A_982] : memref<32768xi32, #tpu.memory_space<vmem>>[vector<16xi32>], vector<16xi32>,
      %bitcast3A_984 = vector.bitcast %gather3A_983 : vector<16xi32> to vector<32xbf16>
      %slice3A_985 = vector.extract_strided_slice %get3A_40 {offsets = [13], sizes = [1], strides = [1]} : vector<16xi32> to vector<1xi32>
      %squeeze3A_986 = vector.extract %slice3A_985[0] : i32 from vector<1xi32>
      %broadcast_in_dim3A_987 = vector.broadcast %squeeze3A_986 : i32 to vector<16xi32>
      %bitcast3A_988 = vector.bitcast %broadcast_in_dim3A_987 : vector<16xi32> to vector<32xbf16>
      %max3A_989 = arith.constant 0.000000e+00 : bf16
      %max3A_990 = vector.broadcast %max3A_989 : bf16 to vector<32xbf16>
      %max3A_991 = arith.maximumf %bitcast3A_984, %max3A_990 : vector<32xbf16>
      %mul3A_992 = arith.mulf %max3A_991, %bitcast3A_988 : vector<32xbf16>
      %add3A_993 = arith.addf %add3A_978, %mul3A_992 : vector<32xbf16>
      %add3A_994 = arith.constant 62 : i32
      %add3A_995 = arith.addi %mul3A_67, %add3A_994 : i32
      %add3A_996 = vector.broadcast %add3A_995 : i32 to vector<16xi32>
      %add3A_997 = arith.addi %mul3A_58, %add3A_996 : vector<16xi32>
      %gather3A_998 = tpu.vector_load_idx %arg7[%add3A_997] : memref<32768xi32, #tpu.memory_space<vmem>>[vector<16xi32>], vector<16xi32>,
      %bitcast3A_999 = vector.bitcast %gather3A_998 : vector<16xi32> to vector<32xbf16>
      %slice3A_1000 = vector.extract_strided_slice %get3A_40 {offsets = [14], sizes = [1], strides = [1]} : vector<16xi32> to vector<1xi32>
      %squeeze3A_1001 = vector.extract %slice3A_1000[0] : i32 from vector<1xi32>
      %broadcast_in_dim3A_1002 = vector.broadcast %squeeze3A_1001 : i32 to vector<16xi32>
      %bitcast3A_1003 = vector.bitcast %broadcast_in_dim3A_1002 : vector<16xi32> to vector<32xbf16>
      %max3A_1004 = arith.constant 0.000000e+00 : bf16
      %max3A_1005 = vector.broadcast %max3A_1004 : bf16 to vector<32xbf16>
      %max3A_1006 = arith.maximumf %bitcast3A_999, %max3A_1005 : vector<32xbf16>
      %mul3A_1007 = arith.mulf %max3A_1006, %bitcast3A_1003 : vector<32xbf16>
      %add3A_1008 = arith.addf %add3A_993, %mul3A_1007 : vector<32xbf16>
      %add3A_1009 = arith.constant 63 : i32
      %add3A_1010 = arith.addi %mul3A_67, %add3A_1009 : i32
      %add3A_1011 = vector.broadcast %add3A_1010 : i32 to vector<16xi32>
      %add3A_1012 = arith.addi %mul3A_58, %add3A_1011 : vector<16xi32>
      %gather3A_1013 = tpu.vector_load_idx %arg7[%add3A_1012] : memref<32768xi32, #tpu.memory_space<vmem>>[vector<16xi32>], vector<16xi32>,
      %bitcast3A_1014 = vector.bitcast %gather3A_1013 : vector<16xi32> to vector<32xbf16>
      %slice3A_1015 = vector.extract_strided_slice %get3A_40 {offsets = [15], sizes = [1], strides = [1]} : vector<16xi32> to vector<1xi32>
      %squeeze3A_1016 = vector.extract %slice3A_1015[0] : i32 from vector<1xi32>
      %broadcast_in_dim3A_1017 = vector.broadcast %squeeze3A_1016 : i32 to vector<16xi32>
      %bitcast3A_1018 = vector.bitcast %broadcast_in_dim3A_1017 : vector<16xi32> to vector<32xbf16>
      %max3A_1019 = arith.constant 0.000000e+00 : bf16
      %max3A_1020 = vector.broadcast %max3A_1019 : bf16 to vector<32xbf16>
      %max3A_1021 = arith.maximumf %bitcast3A_1014, %max3A_1020 : vector<32xbf16>
      %mul3A_1022 = arith.mulf %max3A_1021, %bitcast3A_1018 : vector<32xbf16>
      %add3A_1023 = arith.addf %add3A_1008, %mul3A_1022 : vector<32xbf16>
      %unpack3A_1024 = tpu.unpack_subelements %add3A_1023, 0 {pack_format = #tpu.pack_format<interleaved>} : vector<32xbf16> -> vector<16xf32>
      %unpack3A_1025 = tpu.unpack_subelements %add3A_1023, 1 {pack_format = #tpu.pack_format<interleaved>} : vector<32xbf16> -> vector<16xf32>
      %add3A_1026 = arith.addf %unpack3A_1024, %unpack3A_1025 : vector<16xf32>
      %add3A_1027 = arith.addf %add3A_1026, %broadcast_in_dim3A : vector<16xf32>
      %neg3A = arith.constant 0.000000e+00 : f32
      %neg3A_1028 = vector.broadcast %neg3A : f32 to vector<16xf32>
      %neg3A_1029 = arith.subf %neg3A_1028, %add3A_1027 : vector<16xf32>
      %exp3A = math.exp %neg3A_1029 : vector<16xf32>
      %add3A_1030 = arith.constant 1.000000e+00 : f32
      %add3A_1031 = vector.broadcast %add3A_1030 : f32 to vector<16xf32>
      %add3A_1032 = arith.addf %add3A_1031, %exp3A : vector<16xf32>
      %div3A = arith.constant 1.000000e+00 : f32
      %div3A_1033 = vector.broadcast %div3A : f32 to vector<16xf32>
      %div3A_1034 = arith.divf %div3A_1033, %add3A_1032 : vector<16xf32>
      %mul3A_1035 = arith.constant 16 : i32
      %mul3A_1036 = arith.muli %scan3A_65, %mul3A_1035 : i32
      %swap3A = arith.index_cast %mul3A_1036 : i32 to index
      %swap3A_1037 = tpu.vector_load %arg8[%swap3A] {strides = array<i32>} : memref<512xf32, #tpu.memory_space<vmem>>, vector<16xf32>,
      tpu.vector_store %arg8[%swap3A], %div3A_1034 {strides = array<i32>} : memref<512xf32, #tpu.memory_space<vmem>>, vector<16xf32>,
    }
    %scan3A_64 = arith.constant 32 : i32
    "tpu.region"() ({
      %run_scoped3A = tpu.sem_alloc : memref<!tpu.dma_semaphore, #tpu.memory_space<semaphore_mem>>
      %dma_start3A = tpu.memref_slice %arg4[%mul3A_2] : memref<16384xf32, #tpu.memory_space<hbm>> -> memref<512xf32, #tpu.memory_space<hbm>>
      %dma_start3A_65 = tpu.memref_slice %arg4[%mul3A_2] : memref<16384xf32, #tpu.memory_space<hbm>> -> memref<512xf32, #tpu.memory_space<hbm>>
      tpu.enqueue_dma source(%arg8 : memref<512xf32, #tpu.memory_space<vmem>>) target(%dma_start3A_65 : memref<512xf32, #tpu.memory_space<hbm>>) target_semaphore(%run_scoped3A : memref<!tpu.dma_semaphore, #tpu.memory_space<semaphore_mem>>)
      %dma_wait3A = tpu.memref_slice %arg4[%mul3A_2] : memref<16384xf32, #tpu.memory_space<hbm>> -> memref<512xf32, #tpu.memory_space<hbm>>
      %dma_wait3A_66 = tpu.memref_slice %arg4[%mul3A_2] : memref<16384xf32, #tpu.memory_space<hbm>> -> memref<512xf32, #tpu.memory_space<hbm>>
      tpu.wait_dma2 semaphore(%run_scoped3A : memref<!tpu.dma_semaphore, #tpu.memory_space<semaphore_mem>>) src(%arg8 : memref<512xf32, #tpu.memory_space<vmem>>) dst(%dma_wait3A_66 : memref<512xf32, #tpu.memory_space<hbm>>)
      tpu.yield
    }) : () -> ()
    return
  }
}

module attributes {stable_mosaic.version = 14 : i64} {
  func.func @_fold_body(%arg0: memref<64x128xf32, #tpu.memory_space<vmem>>, %arg1: memref<128x128xf32, #tpu.memory_space<vmem>>, %arg2: memref<768x128xf32, #tpu.memory_space<vmem>>, %arg3: memref<128xf32, #tpu.memory_space<vmem>>, %arg4: memref<128x1xf32, #tpu.memory_space<vmem>>, %arg5: memref<1xf32, #tpu.memory_space<vmem>>, %arg6: memref<648x128xf32, #tpu.memory_space<vmem>>) attributes {dimension_semantics = [], scalar_prefetch = 0 : i64, scratch_operands = 0 : i64, tpu.core_type = #tpu.core_type<tc>} {
    %get3A = arith.constant 0 : index
    %get3A_0 = arith.constant 0 : index
    %get3A_1 = vector.load %arg0[%get3A, %get3A_0] : memref<64x128xf32, #tpu.memory_space<vmem>>, vector<64x128xf32>
    %get3A_2 = arith.constant 0 : index
    %get3A_3 = arith.constant 0 : index
    %get3A_4 = vector.load %arg1[%get3A_2, %get3A_3] : memref<128x128xf32, #tpu.memory_space<vmem>>, vector<128x128xf32>
    %get3A_5 = arith.constant 0 : index
    %get3A_6 = arith.constant 0 : index
    %get3A_7 = vector.load %arg2[%get3A_5, %get3A_6] : memref<768x128xf32, #tpu.memory_space<vmem>>, vector<768x128xf32>
    %iota3A = tpu.iota {dimensions = array<i32: 1>} : vector<1x128xi32>
    %eq3A = arith.constant 0 : i32
    %eq3A_8 = vector.broadcast %eq3A : i32 to vector<1x128xi32>
    %eq3A_9 = arith.cmpi eq, %iota3A, %eq3A_8 : vector<1x128xi32>
    %get3A_10 = arith.constant 0 : index
    %get3A_11 = vector.load %arg5[%get3A_10] : memref<1xf32, #tpu.memory_space<vmem>>, vector<1xf32>
    %squeeze3A = vector.extract %get3A_11[0] : f32 from vector<1xf32>
    %jit3A = arith.constant 0.000000e+00 : f32
    %broadcast_in_dim3A = vector.broadcast %squeeze3A : f32 to vector<1x128xf32>
    %broadcast_in_dim3A_12 = vector.broadcast %jit3A : f32 to vector<1x128xf32>
    %select_n3A = arith.select %eq3A_9, %broadcast_in_dim3A, %broadcast_in_dim3A_12 : vector<1x128xi1>, vector<1x128xf32>
    %slice3A = vector.extract_strided_slice %get3A_7 {offsets = [0, 0], sizes = [128, 128], strides = [1, 1]} : vector<768x128xf32> to vector<128x128xf32>
    %dot_general3A = arith.constant dense<0.000000e+00> : vector<64x128xf32>
    %dot_general3A_13 = tpu.matmul %get3A_1, %slice3A, %dot_general3A {dimension_numbers = #tpu.dot_dimension_numbers<[1], [0], [0], [1], [0, 0, 1, 1], [], []>, transpose_lhs_hint = false} : vector<64x128xf32>, vector<128x128xf32>, vector<64x128xf32> -> vector<64x128xf32>
    %mul3A = arith.constant 5.000000e-02 : f32
    %mul3A_14 = vector.broadcast %mul3A : f32 to vector<64x128xf32>
    %mul3A_15 = arith.mulf %dot_general3A_13, %mul3A_14 : vector<64x128xf32>
    %slice3A_16 = vector.extract_strided_slice %get3A_7 {offsets = [128, 0], sizes = [128, 128], strides = [1, 1]} : vector<768x128xf32> to vector<128x128xf32>
    %dot_general3A_17 = arith.constant dense<0.000000e+00> : vector<128x128xf32>
    %dot_general3A_18 = tpu.matmul %get3A_4, %slice3A_16, %dot_general3A_17 {dimension_numbers = #tpu.dot_dimension_numbers<[1], [0], [0], [1], [0, 0, 1, 1], [], []>, transpose_lhs_hint = false} : vector<128x128xf32>, vector<128x128xf32>, vector<128x128xf32> -> vector<128x128xf32>
    %mul3A_19 = arith.constant 5.000000e-02 : f32
    %mul3A_20 = vector.broadcast %mul3A_19 : f32 to vector<128x128xf32>
    %mul3A_21 = arith.mulf %dot_general3A_18, %mul3A_20 : vector<128x128xf32>
    %slice3A_22 = vector.extract_strided_slice %get3A_7 {offsets = [256, 0], sizes = [128, 128], strides = [1, 1]} : vector<768x128xf32> to vector<128x128xf32>
    %dot_general3A_23 = arith.constant dense<0.000000e+00> : vector<128x128xf32>
    %dot_general3A_24 = tpu.matmul %get3A_4, %slice3A_22, %dot_general3A_23 {dimension_numbers = #tpu.dot_dimension_numbers<[1], [0], [0], [1], [0, 0, 1, 1], [], []>, transpose_lhs_hint = false} : vector<128x128xf32>, vector<128x128xf32>, vector<128x128xf32> -> vector<128x128xf32>
    %mul3A_25 = arith.constant 5.000000e-02 : f32
    %mul3A_26 = vector.broadcast %mul3A_25 : f32 to vector<128x128xf32>
    %mul3A_27 = arith.mulf %dot_general3A_24, %mul3A_26 : vector<128x128xf32>
    %slice3A_28 = vector.extract_strided_slice %get3A_7 {offsets = [384, 0], sizes = [128, 128], strides = [1, 1]} : vector<768x128xf32> to vector<128x128xf32>
    %dot_general3A_29 = arith.constant dense<0.000000e+00> : vector<64x128xf32>
    %dot_general3A_30 = tpu.matmul %get3A_1, %slice3A_28, %dot_general3A_29 {dimension_numbers = #tpu.dot_dimension_numbers<[1], [0], [0], [1], [0, 0, 1, 1], [], []>, transpose_lhs_hint = false} : vector<64x128xf32>, vector<128x128xf32>, vector<64x128xf32> -> vector<64x128xf32>
    %slice3A_31 = vector.extract_strided_slice %get3A_7 {offsets = [512, 0], sizes = [128, 128], strides = [1, 1]} : vector<768x128xf32> to vector<128x128xf32>
    %dot_general3A_32 = arith.constant dense<0.000000e+00> : vector<128x128xf32>
    %dot_general3A_33 = tpu.matmul %get3A_4, %slice3A_31, %dot_general3A_32 {dimension_numbers = #tpu.dot_dimension_numbers<[1], [0], [0], [1], [0, 0, 1, 1], [], []>, transpose_lhs_hint = false} : vector<128x128xf32>, vector<128x128xf32>, vector<128x128xf32> -> vector<128x128xf32>
    %slice3A_34 = vector.extract_strided_slice %get3A_7 {offsets = [640, 0], sizes = [128, 128], strides = [1, 1]} : vector<768x128xf32> to vector<128x128xf32>
    %dot_general3A_35 = arith.constant dense<0.000000e+00> : vector<128x128xf32>
    %dot_general3A_36 = tpu.matmul %get3A_4, %slice3A_34, %dot_general3A_35 {dimension_numbers = #tpu.dot_dimension_numbers<[1], [0], [0], [1], [0, 0, 1, 1], [], []>, transpose_lhs_hint = false} : vector<128x128xf32>, vector<128x128xf32>, vector<128x128xf32> -> vector<128x128xf32>
    %get3A_37 = arith.constant 0 : index
    %get3A_38 = vector.load %arg3[%get3A_37] : memref<128xf32, #tpu.memory_space<vmem>>, vector<128xf32>
    %broadcast_in_dim3A_39 = vector.shape_cast %get3A_38 : vector<128xf32> to vector<1x128xf32>
    %get3A_40 = arith.constant 0 : index
    %get3A_41 = arith.constant 0 : index
    %get3A_42 = vector.load %arg4[%get3A_40, %get3A_41] : memref<128x1xf32, #tpu.memory_space<vmem>>, vector<128x1xf32>
    %squeeze3A_43 = vector.shape_cast %get3A_42 : vector<128x1xf32> to vector<128xf32>
    %broadcast_in_dim3A_44 = vector.shape_cast %squeeze3A_43 : vector<128xf32> to vector<1x128xf32>
    %broadcast_in_dim3A_45 = arith.constant 0.000000e+00 : f32
    %broadcast_in_dim3A_46 = vector.broadcast %broadcast_in_dim3A_45 : f32 to vector<5x128xf32>
    %concatenate3A = tpu.concatenate %mul3A_15, %mul3A_21, %mul3A_27, %dot_general3A_30, %dot_general3A_33, %dot_general3A_36, %broadcast_in_dim3A_39, %broadcast_in_dim3A_44, %select_n3A, %broadcast_in_dim3A_46 in 0 : vector<64x128xf32>, vector<128x128xf32>, vector<128x128xf32>, vector<64x128xf32>, vector<128x128xf32>, vector<128x128xf32>, vector<1x128xf32>, vector<1x128xf32>, vector<1x128xf32>, vector<5x128xf32> -> vector<648x128xf32>
    %swap3A = arith.constant 0 : index
    %swap3A_47 = arith.constant 0 : index
    %swap3A_48 = vector.load %arg6[%swap3A, %swap3A_47] : memref<648x128xf32, #tpu.memory_space<vmem>>, vector<648x128xf32>
    tpu.vector_store %arg6[%swap3A, %swap3A_47], %concatenate3A {strides = array<i32>} : memref<648x128xf32, #tpu.memory_space<vmem>>, vector<648x128xf32>,
    return
  }
}

</mosaic_0001>

<sc_bundles>
// kernel: kernel.4.cloned.1.call-start
scs
__scs_entry_jumppad:
0x0: {  	(pc) =	sbr.rel $0x88, $3  }
0x1: {  	(tag) =	ssettag $0x0;
	lr =	simm.s32 $0x1  }
0x2: {  	[smem:$0x3F97] =	sst lr;
	_ =	strace $0xD0000000  }
0x3: {  	_ = 	snop  }
0x4: {  	_ = 	snop  }
0x5: {  	_ = 	snop  }
0x6: {  	_ = 	snop  }
0x7: {  	_ = 	snop  }
__scs_overlays_trampoline_lowered:
0x8: {  	[smem:$0x3FA6] =	sst s0  }
0x9: {  	[smem:$0x3FA7] =	sst s1  }
0xa: {  	[smem:$0x3FA8] =	sst s2  }
0xb: {  	[smem:$0x3FA9] =	sst s3  }
0xc: {  	[smem:$0x3FAA] =	sst s4  }
0xd: {  	[smem:$0x3FAB] =	sst s5  }
0xe: {  	[smem:$0x3FAC] =	sst s6  }
0xf: {  	[smem:$0x3FAD] =	sst s7  }
0x10: {  	[smem:$0x3FAE] =	sst s8  }
0x11: {  	[smem:$0x3FAF] =	sst s9;
	s0 =	simm.s32 @!p0 $0x0  }
0x12: {  	s1 =	sld [smem:$0x3F95];
	s0 =	simm.s32 @p0 $0x1  }
0x13: {  	[smem:$0x3FB0] =	sst s0;
	s0 =	simm.s32 @!p1 $0x0  }
0x14: {  	s2 =	sld [smem:$0x3F94];
	s0 =	simm.s32 @p1 $0x1  }
0x15: {  	[smem:$0x3FB1] =	sst s0;
	s0 =	simm.s32 @!p2 $0x0  }
0x16: {  	s3 =	sld [smem:$0x3FDB];
	s0 =	simm.s32 @p2 $0x1  }
0x17: {  	s4 =	simm.s32 $0x1BF5;
	[smem:$0x3FB3] =	sst s0  }
0x18: {  	s0 =	sld [smem:$0x3F96];
	_ =	swait.ge [sflag:s4], $0x0  }
0x19: {  	s7 =	sld [smem:$0x3F97]  }
0x1a: {  	s8 =	sadd.s32 $0xFFFFE003, lr  }
0x1b: {  	s9 =	sadd.s32 $0xFFFFFEF7, lr;
	s5 =	simm.s32 $0xFFFFFFFF;
	p2 =	slt.u32 s8, $0xFFFFF086  }
0x1c: {  	p1 =	slt.u32 s9, $0xF7A;
	s5 =	simm.s32 @!p2 $0x0  }
0x1d: {  	s5 =	simm.s32 @p1 $0x1;
	p0 =	seq.s32 s7, s2  }
0x1e: {  	s7 =	smul.u32 @!p0 $0xF7A, s2;
	p2 =	seq.s32 @!p0 s5, $0x0  }
0x1f: {  	s9 =	smul.u32 $0xF7A, s1;
	s8 =	simm.s32 @!p0 $0x1BF5;
	p2 =	por !p2, p0  }
0x20: {  	[sflag:s8] =	ssyncset.s32 @!p0 $0xFFFFF086;
	s6 =	sadd.s32 @!p0 s3, s7;
	s7 =	simm.s32 @!p0 $0x108  }
0x21: {  	s3 =	sadd.s32 s3, s9;
	s6 =	sadd.s32 @!p0 $0x88, s6;
	s7 =	simm.s32 @p2 $0x1082  }
0x22: {  	[simem:s7], [sflag:s8] =	dma.local @!p0 [hbm:s6], $0xF7A  }
0x23: {  	s9 =	sor.u32 $0xD0000000, s2;
	s6 =	simm.s32 $0x108;
	_ =	swait.ge @!p0 [sflag:s8], $0x0  }
0x24: {  	s3 =	sadd.s32 $0x88, s3;
	s6 =	simm.s32 @!p1 $0x1082;
	[sflag:s4] =	ssyncset.s32 $0xFFFFF086  }
0x25: {  	[simem:s6], [sflag:s4] =	dma.local [hbm:s3], $0xF7A  }
0x26: {  	[smem:$0x3F97] =	sst s1;
	(tag) =	ssettag s2;
	_ =	strace s9  }
0x27: {  	s1 =	sld [smem:$0x3FA7]  }
0x28: {  	s2 =	sld [smem:$0x3FA8]  }
0x29: {  	s4 =	sld [smem:$0x3FAA]  }
0x2a: {  	p0 =	seq.s32 s5, $0x0;
	s5 =	sld [smem:$0x3FAB]  }
0x2b: {  	s6 =	sld [smem:$0x3FAC]  }
0x2c: {  	s7 =	sld [smem:$0x3FAD]  }
0x2d: {  	s3 =	simm.s32 $0x108;
	s8 =	sld [smem:$0x3FAE]  }
0x2e: {  	s3 =	simm.s32 @!p0 $0x1082;
	s9 =	sld [smem:$0x3FAF]  }
0x2f: {  	lr =	sadd.s32 s0, s3;
	s0 =	sld [smem:$0x3FA6]  }
0x30: {  	s3 =	sld [smem:$0x3FA9]  }
0x31: {  	[smem:$0x3FB2] =	sst s10  }
0x32: {  	s10 =	sld [smem:$0x3FB0];
	_ =	sdelay $0x3  }
0x33: {  	p0 =	seq.s32 s10, $0x1;
	s10 =	sld [smem:$0x3FB2];
	_ =	sdelay $0x3  }
0x34: {  	[smem:$0x3FB2] =	sst s10  }
0x35: {  	s10 =	sld [smem:$0x3FB1];
	_ =	sdelay $0x3  }
0x36: {  	p1 =	seq.s32 s10, $0x1;
	s10 =	sld [smem:$0x3FB2];
	_ =	sdelay $0x3  }
0x37: {  	[smem:$0x3FB2] =	sst s10  }
0x38: {  	s10 =	sld [smem:$0x3FB3]  }
0x39: {  	_ = 	snop;
	(pc) =	sbr.ind lr, $3  }
0x3a: {  	_ = 	snop  }
0x3b: {  	_ = 	snop  }
0x3c: {  	p2 =	seq.s32 s10, $0x1;
	s10 =	sld [smem:$0x3FB2]  }
0x3d: {  	_ =	shalt  }
0x3e: {  	_ =	shalt  }
0x3f: {  	_ =	shalt  }
0x40: {  	_ =	shalt  }
0x41: {  	_ =	shalt  }
0x42: {  	_ =	shalt  }
0x43: {  	_ =	shalt  }
0x44: {  	_ =	shalt  }
0x45: {  	_ =	shalt  }
0x46: {  	_ =	shalt  }
0x47: {  	_ =	shalt  }
0x48: {  	_ =	shalt  }
0x49: {  	_ =	shalt  }
0x4a: {  	_ =	shalt  }
0x4b: {  	_ =	shalt  }
0x4c: {  	_ =	shalt  }
0x4d: {  	_ =	shalt  }
0x4e: {  	_ =	shalt  }
0x4f: {  	_ =	shalt  }
0x50: {  	_ =	shalt  }
0x51: {  	_ =	shalt  }
0x52: {  	_ =	shalt  }
0x53: {  	_ =	shalt  }
0x54: {  	_ =	shalt  }
0x55: {  	_ =	shalt  }
0x56: {  	_ =	shalt  }
0x57: {  	_ =	shalt  }
0x58: {  	_ =	shalt  }
0x59: {  	_ =	shalt  }
0x5a: {  	_ =	shalt  }
0x5b: {  	_ =	shalt  }
0x5c: {  	_ =	shalt  }
0x5d: {  	_ =	shalt  }
0x5e: {  	_ =	shalt  }
0x5f: {  	_ =	shalt  }
0x60: {  	_ =	shalt  }
0x61: {  	_ =	shalt  }
0x62: {  	_ =	shalt  }
0x63: {  	_ =	shalt  }
0x64: {  	_ =	shalt  }
0x65: {  	_ =	shalt  }
0x66: {  	_ =	shalt  }
0x67: {  	_ =	shalt  }
0x68: {  	_ =	shalt  }
0x69: {  	_ =	shalt  }
0x6a: {  	_ =	shalt  }
0x6b: {  	_ =	shalt  }
0x6c: {  	_ =	shalt  }
0x6d: {  	_ =	shalt  }
0x6e: {  	_ =	shalt  }
0x6f: {  	_ =	shalt  }
0x70: {  	_ =	shalt  }
0x71: {  	_ =	shalt  }
0x72: {  	_ =	shalt  }
0x73: {  	_ =	shalt  }
0x74: {  	_ =	shalt  }
0x75: {  	_ =	shalt  }
0x76: {  	_ =	shalt  }
0x77: {  	_ =	shalt  }
0x78: {  	_ =	shalt  }
0x79: {  	_ =	shalt  }
0x7a: {  	_ =	shalt  }
0x7b: {  	_ =	shalt  }
0x7c: {  	_ =	shalt  }
0x7d: {  	_ =	shalt  }
0x7e: {  	_ =	shalt  }
0x7f: {  	_ =	shalt  }
0x80: {  	_ =	shalt  }
0x81: {  	_ =	shalt  }
0x82: {  	_ =	shalt  }
0x83: {  	_ =	shalt  }
0x84: {  	_ =	shalt  }
0x85: {  	_ =	shalt  }
0x86: {  	_ =	shalt  }
0x87: {  	_ =	shalt  }
.Lfunc_end0:
.L_simem_size_0:
called_computation_lowered:
.L_overlay_start_0:
0x88: {  	s2 =	sld [smem:$0x3FD9]  }
0x89: {  	s3 =	sld [smem:$0x3FFE];
	_ =	sdelay $0x1  }
0x8a: {  	s1 =	srdreg.scid  }
0x8b: {  	s0 =	sand.u32 $0x1, s1  }
0x8c: {  	s17 =	sshll.u32 s0, $0xA;
	s2 =	sadd.s32 s3, s2  }
0x8d: {  	s2 =	sadd.s32 s2, s17  }
0x8e: {  	[smem:$0x3FBE] =	sst s2  }
0x8f: {  	_ = 	snop  }
0x90: {  	s2 =	sld [smem:$0x3FD0];
	(tm) =	ssettm $0x1  }
0x91: {  	s18 =	sld [smem:$0x3FFB];
	_ =	sdelay $0x3  }
0x92: {  	_ =	strace s18  }
0x93: {  	s3 =	sld [smem:$0x3FFC];
	_ =	sdelay $0x3  }
0x94: {  	_ =	strace s3  }
0x95: {  	s3 =	sld [smem:$0x3FFD];
	_ =	sdelay $0x3  }
0x96: {  	_ =	strace s3  }
0x97: {  	_ =	strace $0x8FFFFFFF  }
0x98: {  	s19 =	sld [smem:$0x3FDB];
	_ =	sdelay $0x1  }
0x99: {  	s4 =	simm.s32 $_scs_section_size  }
0x9a: {  	s5 =	simm.s32 $_size__tile_overlayer_lowered;
	s6 =	simm.s32 $_tile_overlayer_lowered  }
0x9b: {  	s22 =	simm.s32 $0x1BFF;
	s21 =	sshll.u32 s6, $0x1;
	s3 =	sadd.s32 s4, s19  }
0x9c: {  	s7 =	simm.s32 $0x0;
	s20 =	sshll.u32 s5, $0x1;
	s5 =	sadd.s32 s21, s3  }
0x9d: {  	[timem:s7], [sflag:s22] =	dma.local [hbm:s5], s20  }
0x9e: {  	_ =	swait.ge [sflag:s22], s20  }
0x9f: {  	s4 =	ssub.s32 $0x0, s20;
	[sflag:s22] =	ssyncset.done $0x0  }
0xa0: {  	[sflag:s22] =	ssyncadd.s32 s4;
	_ =	sdelay $0x1  }
0xa1: {  	s23 =	simm.s32 $0x1B8B  }
0xa2: {  	_ =	swait.ge [sflag:s23], $0x1  }
0xa3: {  	[sflag:s23] =	ssyncset.done $0x0  }
0xa4: {  	s25 =	simm.s32 $0x1B8E;
	s24 =	sld [smem:$0x3FFE];
	[sflag:s23] =	ssyncadd.s32 $0xFFFFFFFF  }
0xa5: {  	s26 =	simm.s32 $execute0_lowered;
	[smem:$0x3FD2] =	sst s25  }
0xa6: {  	s5 =	sshll.u32 s26, $0x1;
	_ =	strace $0x80000046;
	[dreg:$0x1] =	wrdreg $0xFFFFFFFF  }
0xa7: {  	s28 =	simm.s32 $_size_execute0_lowered;
	s3 =	sadd.s32 s3, s5;
	[dreg:$0x0] =	wrdreg $0x0  }
0xa8: {  	s5 =	sshll.u32 s28, $0x1;
	[dreg:$0x2] =	wrdreg s3  }
0xa9: {  	[dreg:$0x3] =	wrdreg s5  }
0xaa: {  	[dreg:$0x4] =	wrdreg $0xC0  }
0xab: {  	_ =	task [dreg:s7], $0x5FFFF  }
0xac: {  	[dreg:$0x1] =	wrdreg $0xFFFFFFFF  }
0xad: {  	[dreg:$0x0] =	wrdreg $0x60  }
0xae: {  	[dreg:$0x2] =	wrdreg s24  }
0xaf: {  	[dreg:$0x3] =	wrdreg s2  }
0xb0: {  	[dreg:$0x4] =	wrdreg $0x9  }
0xb1: {  	_ =	task.clear_ibuf [dreg:s7], $0x5FFFF;
	_ =	strace $0x90000046  }
0xb2: {  	s29 =	simm.s32 $0x9;
	_ =	strace $0x80000048  }
0xb3: {  	_ =	swait.ge [sflag:s29], $0x1  }
0xb4: {  	[sflag:s29] =	ssyncadd.s32 $0xFFFFFFFF  }
0xb5: {  	_ =	strace $0x90000048  }
0xb6: {  	_ =	sfence  }
0xb7: {  	s30 =	sld [smem:$0x0];
	_ =	sdelay $0x2  }
0xb8: {  	s31 =	sshll.u32 s1, $0xD;
	s1 =	sshrl.u32 s1, $0x2  }
0xb9: {  	s3 =	sand.u32 $0x4000, s31;
	s1 =	sadd.s32 s1, s30  }
0xba: {  	s0 =	sor.u32 s3, s0;
	s1 =	sshll.u32 s1, $0x11  }
0xbb: {  	s0 =	sor.u32 s1, s0  }
0xbc: {  	s0 =	sadd.s32 $0x8F2B, s0  }
0xbd: {  	[sflag:s0] =	ssyncadd.remote.s32 $0x1  }
0xbe: {  	_ =	sfence.sel $0xFFFF  }
0xbf: {  	[dreg:$0x0] =	wrdreg $0xFFFFFFFF;
	(pc) =	sbr.abs _section_cstart, $3  }
0xc0: {  	[dreg:$0x1] =	wrdreg $0xFFFFFFFF  }
0xc1: {  	_ =	task.clear_ibuf [dreg:s7], $0x2FFFF;
	_ =	strace $0x9FFFFFFF  }
0xc2: {  	(tm) =	ssettm $0x7FFFFFFF  }
0xc3: {  	_ =	shalt  }
tec
execute0_lowered:
.L_overlay_start_1:
0x0: {  	(tag) =	ssettag $0x1  }
0x1: {  	s4 =	rddreg [dreg:$0x0]  }
0x2: {  	s5 =	rddreg [dreg:$0x1];
	v0 =	vlaneseq.u32  }
0x3: {  	s0 =	rddreg [dreg:$0x2];
	s3 =	srdreg.scid;
	v1 =	vand.u32 $0x7, v0  }
0x4: {  	s2 =	simm.s32 $0x0;
	s1 =	stileid.u32;
	s9 =	simm.s32 $0x20000;
	v1 =	vmul.u32 $0x80, v1  }
0x5: {  	s10 =	simm.s32 $0xA200;
	s11 =	simm.s32 $0x12200;
	[smem:$0x7FF] =	sst s2;
	v2 =	vshrl.u32 v0, $0x3  }
0x6: {  	s12 =	simm.s32 $0x1A200;
	s3 =	sand.u32 $0x1, s3;
	_ =	strace $0x80000047;
	[tilespmem:$0x1FFB0] =	vst v1;
	v1 =	vmul.u32 $0x1000, v2  }
0x7: {  	s6 =	sshll.u32 s1, $0xA;
	s7 =	sshll.u32 s3, $0x9;
	s31 =	ssub.s32 $0x2, s3  }
0x8: {  	s13 =	simm.s32 $0x0;
	s6 =	sor.u32 s7, s6;
	s8 =	sshrl.u32 s31, $0x1;
	v2 =	vor.u32 $0x2000, v1;
	[tilespmem:$0x1FFE0] =	vst v1  }
0x9: {  	s3 =	sadd.s32 $0x21A00, s4;
	s4 =	sadd.s32 s6, s4;
	s7 =	ssub.s32 s31, s8;
	[tilespmem:$0x1FFC0] =	vst v2;
	v2 =	vor.u32 $0x6000, v1  }
0xa: {  	v6 =	vimm.bf16 $0.0e+00;
	s6 =	sshrl.u32 s6, $0x3;
	s8 =	simm.s32 $0x1000;
	s4 =	sadd.s32 $0x1A00, s4;
	v1 =	vor.u32 $0x4000, v1;
	[tilespmem:$0x1FFD0] =	vst v2  }
0xb: {  	v3 =	vor.u32 $0x10, v0;
	v4 =	vor.u32 $0x20, v0;
	v5 =	vor.u32 $0x30, v0;
	s5 =	sadd.s32 s5, s6;
	s6 =	smax.u32 s7, $0x1;
	s7 =	simm.s32 $0x1;
	[tilespmem:$0x1FFF0] =	vst v1  }
.LBB2_1:
0xc: {  	[tilespmem:s2], [sflag:$0x1] =	stream.linear.gather [hbm4b:s3+s2], $0xA200, $0x38;
	[tilespmem:$0x1A400] =	vst v63  }
0xd: {  	_ =	swait.ge [sflag:s7], $0xA200  }
0xe: {  	[sflag:s7] =	ssyncset.done $0x0  }
0xf: {  	[sflag:s7] =	ssyncadd.s32 $0xFFFF5E00  }
0x10: {  	[tilespmem:s10], [sflag:$0x1] =	stream.strided.gather [hbm4b:s4+s8], $0x8000, s9, s8, $0x38;
	[tilespmem:$0x1A400] =	vst v63  }
0x11: {  	_ =	swait.ge [sflag:s7], $0x8000  }
0x12: {  	[sflag:s7] =	ssyncset.done $0x0  }
0x13: {  	[sflag:s7] =	ssyncadd.s32 $0xFFFF8000  }
0x14: {  	v2 =	vld [tilespmem:$0xA040];
	_ =	sdelay $0x4  }
0x15: {  	[tilespmem:$0x1FF50] =	vst v2;
	v2 =	vld [tilespmem:$0xA050];
	_ =	sdelay $0x4  }
0x16: {  	[tilespmem:$0x1FF60] =	vst v2;
	v2 =	vld [tilespmem:$0xA060];
	_ =	sdelay $0x3  }
0x17: {  	v1 =	vld [tilespmem:$0xA080]  }
0x18: {  	[tilespmem:$0x1FF70] =	vst v2;
	v2 =	vld [tilespmem:$0xA070];
	_ =	sdelay $0x4  }
0x19: {  	[tilespmem:$0x1FF80] =	vst v2;
	v2 =	vunpack.i.u.bf16.f32 v1  }
0x1a: {  	v1 =	vunpack.i.l.bf16.f32 v1;
	[tilespmem:$0x1FF90] =	vst v2  }
0x1b: {  	s14 =	simm.s32 $0x0;
	[tilespmem:$0x1FFA0] =	vst v1  }
.LBB2_2:
0x1c: {  	v1 =	vmov s14  }
0x1d: {  	v2 =	vshll.u32 v1, $0x3  }
0x1e: {  	v1 =	vand.u32 $0x7F, v1;
	v2 =	vand.u32 $0xC00, v2  }
0x1f: {  	v1 =	vor.u32 v2, v1;
	v2 =	vld [tilespmem:$0x1FFB0];
	_ =	sdelay $0x4  }
0x20: {  	v48 =	vor.u32 v2, v1;
	v1 =	vld [tilespmem:$0x1FFE0];
	_ =	sdelay $0x4  }
0x21: {  	v1 =	vor.u32 v1, v48;
	_ =	sdelay $0x4  }
0x22: {  	v52 =	vld.idx.msk [tilespmem:v1+s10+$0x0], $0xffff;
	_ =	sdelay $0x4  }
0x23: {  	v1 =	vbroadcast v52, $0x0;
	_ =	sdelay $0x1  }
0x24: {  	v8 =	vadd.s32 v3, v1;
	_ =	sdelay $0x2  }
0x25: {  	v12 =	vbroadcast v52, $0x1;
	v2 =	vadd.s32 v0, v1  }
0x26: {  	v11 =	vadd.s32 v4, v1;
	v1 =	vadd.s32 v5, v1  }
0x27: {  	v32 =	vld.idx.msk [tilespmem:v8+s2+$0x0], $0xffff;
	v8 =	vadd.s32 v4, v12;
	_ =	sdelay $0x2  }
0x28: {  	v14 =	vbroadcast v52, $0x2;
	v36 =	vld.idx.msk [tilespmem:v2+s2+$0x0], $0xffff  }
0x29: {  	v2 =	vadd.s32 v3, v12;
	v10 =	vld.idx.msk [tilespmem:v1+s2+$0x0], $0xffff  }
0x2a: {  	v15 =	vadd.s32 v0, v14;
	v1 =	vld.idx.msk [tilespmem:v8+s2+$0x0], $0xffff;
	_ =	sdelay $0x3  }
0x2b: {  	v38 =	vld.idx.msk [tilespmem:v2+s2+$0x0], $0xffff  }
0x2c: {  	v2 =	vadd.s32 v4, v14;
	[tilespmem:$0x1FD60] =	vst v1;
	v1 =	vld.idx.msk [tilespmem:v15+s2+$0x0], $0xffff;
	_ =	sdelay $0x2  }
0x2d: {  	v21 =	vbroadcast v52, $0x3;
	_ =	sdelay $0x1  }
0x2e: {  	v22 =	vadd.s32 v0, v21;
	[tilespmem:$0x1FD80] =	vst v1;
	v1 =	vld.idx.msk [tilespmem:v2+s2+$0x0], $0xffff;
	_ =	sdelay $0x4  }
0x2f: {  	v50 =	vadd.s32 v3, v21;
	[tilespmem:$0x1FD70] =	vst v1;
	v1 =	vld.idx.msk [tilespmem:v22+s2+$0x0], $0xffff;
	_ =	sdelay $0x3  }
0x30: {  	v8 =	vadd.s32 v5, v14  }
0x31: {  	v51 =	vadd.s32 v4, v21;
	[tilespmem:$0x1FDA0] =	vst v1;
	v1 =	vld.idx.msk [tilespmem:v50+s2+$0x0], $0xffff;
	_ =	sdelay $0x2  }
0x32: {  	v23 =	vbroadcast v52, $0x4  }
0x33: {  	v56 =	vld.idx.msk [tilespmem:v8+s2+$0x0], $0xffff  }
0x34: {  	v8 =	vadd.s32 v0, v23;
	[tilespmem:$0x1FDB0] =	vst v1;
	v1 =	vld.idx.msk [tilespmem:v51+s2+$0x0], $0xffff;
	_ =	sdelay $0x4  }
0x35: {  	v24 =	vadd.s32 v3, v23;
	[tilespmem:$0x1FD90] =	vst v1;
	v1 =	vld.idx.msk [tilespmem:v8+s2+$0x0], $0xffff;
	_ =	sdelay $0x4  }
0x36: {  	v25 =	vadd.s32 v4, v23;
	[tilespmem:$0x1FDD0] =	vst v1;
	v1 =	vld.idx.msk [tilespmem:v24+s2+$0x0], $0xffff;
	_ =	sdelay $0x2  }
0x37: {  	v27 =	vbroadcast v52, $0x5;
	_ =	sdelay $0x1  }
0x38: {  	v28 =	vadd.s32 v0, v27;
	[tilespmem:$0x1FDE0] =	vst v1;
	v1 =	vld.idx.msk [tilespmem:v25+s2+$0x0], $0xffff;
	_ =	sdelay $0x4  }
0x39: {  	v8 =	vadd.s32 v3, v27;
	[tilespmem:$0x1FDC0] =	vst v1;
	v1 =	vld.idx.msk [tilespmem:v28+s2+$0x0], $0xffff;
	_ =	sdelay $0x1  }
0x3a: {  	v33 =	vbroadcast v52, $0x7;
	v13 =	vadd.s32 v0, v12  }
0x3b: {  	v29 =	vbroadcast v52, $0x6;
	v53 =	vadd.s32 v4, v27  }
0x3c: {  	v37 =	vadd.s32 v4, v33;
	v7 =	vld.idx.msk [tilespmem:v11+s2+$0x0], $0xffff  }
0x3d: {  	v39 =	vbroadcast v52, $0x8;
	v31 =	vadd.s32 v0, v29;
	[tilespmem:$0x1FDF0] =	vst v1;
	v1 =	vld.idx.msk [tilespmem:v8+s2+$0x0], $0xffff  }
0x3e: {  	v12 =	vadd.s32 v5, v12  }
0x3f: {  	v40 =	vbroadcast v52, $0x9;
	v63 =	vadd.s32 v5, v39;
	v44 =	vld.idx.msk [tilespmem:v13+s2+$0x0], $0xffff  }
0x40: {  	v16 =	vadd.s32 v3, v14;
	v42 =	vld.idx.msk [tilespmem:v53+s2+$0x0], $0xffff  }
0x41: {  	v46 =	vld.idx.msk [tilespmem:v37+s2+$0x0], $0xffff;
	v13 =	vadd.s32 v5, v40;
	[tilespmem:$0x1FD50] =	vst v7;
	v7 =	vbroadcast v52, $0xE  }
0x42: {  	v54 =	vadd.s32 v3, v29;
	[tilespmem:$0x1FE00] =	vst v1;
	v1 =	vld.idx.msk [tilespmem:v31+s2+$0x0], $0xffff  }
0x43: {  	v55 =	vld.idx.msk [tilespmem:v12+s2+$0x0], $0xffff;
	v30 =	vadd.s32 v0, v7  }
0x44: {  	v17 =	vld.idx.msk [tilespmem:v63+s2+$0x0], $0xffff;
	v23 =	vadd.s32 v5, v23  }
0x45: {  	v14 =	vld.idx.msk [tilespmem:v16+s2+$0x0], $0xffff;
	v2 =	vadd.s32 v5, v21  }
0x46: {  	v43 =	vbroadcast v52, $0xA;
	v18 =	vld.idx.msk [tilespmem:v13+s2+$0x0], $0xffff;
	v10 =	vadd.bf16 v6, v10;
	v8 =	vadd.s32 v4, v29  }
0x47: {  	v34 =	vadd.s32 v0, v33;
	[tilespmem:$0x1FE10] =	vst v1;
	v1 =	vld.idx.msk [tilespmem:v54+s2+$0x0], $0xffff  }
0x48: {  	v16 =	vadd.bf16 v55, v10;
	v55 =	vld.idx.msk [tilespmem:v30+s2+$0x0], $0xffff;
	v21 =	vadd.s32 v0, v43  }
0x49: {  	v41 =	vadd.s32 v4, v40;
	v57 =	vld.idx.msk [tilespmem:v23+s2+$0x0], $0xffff  }
0x4a: {  	v9 =	vld.idx.msk [tilespmem:v2+s2+$0x0], $0xffff;
	v22 =	vadd.s32 v5, v43  }
0x4b: {  	v31 =	vld.idx.msk [tilespmem:v8+s2+$0x0], $0xffff;
	v8 =	vadd.s32 v5, v33  }
0x4c: {  	v49 =	vbroadcast v52, $0xC;
	v35 =	vadd.s32 v3, v33;
	v58 =	vadd.s32 v0, v39;
	[tilespmem:$0x1FE20] =	vst v1;
	v1 =	vld.idx.msk [tilespmem:v34+s2+$0x0], $0xffff  }
0x4d: {  	v60 =	vadd.s32 v3, v39;
	v61 =	vadd.s32 v4, v39;
	v39 =	vld.idx.msk [tilespmem:v21+s2+$0x0], $0xffff;
	v27 =	vadd.s32 v5, v27  }
0x4e: {  	v45 =	vadd.s32 v4, v43;
	v50 =	vld.idx.msk [tilespmem:v41+s2+$0x0], $0xffff  }
0x4f: {  	v26 =	vadd.s32 v0, v49;
	v19 =	vld.idx.msk [tilespmem:v22+s2+$0x0], $0xffff  }
0x50: {  	v20 =	vld.idx.msk [tilespmem:v8+s2+$0x0], $0xffff;
	v8 =	vadd.s32 v0, v40  }
0x51: {  	v47 =	vbroadcast v52, $0xB;
	[tilespmem:$0x1FE30] =	vst v1;
	v1 =	vld.idx.msk [tilespmem:v35+s2+$0x0], $0xffff  }
0x52: {  	v59 =	vld.idx.msk [tilespmem:v27+s2+$0x0], $0xffff;
	v27 =	vadd.s32 v3, v49  }
0x53: {  	v51 =	vld.idx.msk [tilespmem:v45+s2+$0x0], $0xffff;
	v25 =	vadd.s32 v5, v47  }
0x54: {  	v45 =	vld.idx.msk [tilespmem:v26+s2+$0x0], $0xffff  }
0x55: {  	v37 =	vld.idx.msk [tilespmem:v8+s2+$0x0], $0xffff;
	v8 =	vadd.s32 v3, v43  }
0x56: {  	[tilespmem:$0x1FE40] =	vst v1;
	v1 =	vld.idx.msk [tilespmem:v60+s2+$0x0], $0xffff  }
0x57: {  	v41 =	vld.idx.msk [tilespmem:v27+s2+$0x0], $0xffff;
	v29 =	vadd.s32 v5, v29  }
0x58: {  	v13 =	vld.idx.msk [tilespmem:v25+s2+$0x0], $0xffff  }
0x59: {  	v24 =	vadd.s32 v3, v47;
	v33 =	vld.idx.msk [tilespmem:v58+s2+$0x0], $0xffff  }
0x5a: {  	v35 =	vld.idx.msk [tilespmem:v8+s2+$0x0], $0xffff;
	v8 =	vadd.s32 v4, v47  }
0x5b: {  	v12 =	vadd.s32 v3, v40;
	v58 =	vbroadcast v52, $0xD;
	[tilespmem:$0x1FE50] =	vst v1;
	v1 =	vld [tilespmem:$0x1FFC0]  }
0x5c: {  	v23 =	vadd.s32 v0, v47;
	v62 =	vld.idx.msk [tilespmem:v29+s2+$0x0], $0xffff  }
0x5d: {  	v29 =	vld.idx.msk [tilespmem:v61+s2+$0x0], $0xffff;
	v28 =	vadd.s32 v0, v58  }
0x5e: {  	v2 =	vadd.s32 v3, v7;
	v40 =	vld.idx.msk [tilespmem:v24+s2+$0x0], $0xffff  }
0x5f: {  	v53 =	vld.idx.msk [tilespmem:v8+s2+$0x0], $0xffff;
	v8 =	vadd.s32 v5, v49  }
0x60: {  	v15 =	vbroadcast v52, $0xF;
	v34 =	vld.idx.msk [tilespmem:v12+s2+$0x0], $0xffff;
	v60 =	vor.u32 v1, v48  }
0x61: {  	v61 =	vadd.s32 v3, v58;
	v43 =	vld.idx.msk [tilespmem:v23+s2+$0x0], $0xffff  }
0x62: {  	v52 =	vadd.s32 v0, v15;
	v47 =	vld.idx.msk [tilespmem:v28+s2+$0x0], $0xffff  }
0x63: {  	v63 =	vadd.s32 v4, v58;
	v28 =	vld.idx.msk [tilespmem:v2+s2+$0x0], $0xffff  }
0x64: {  	v12 =	vadd.s32 v4, v7;
	v21 =	vld.idx.msk [tilespmem:v8+s2+$0x0], $0xffff  }
0x65: {  	v23 =	vadd.s32 v4, v15;
	v2 =	vadd.bf16 v56, v16;
	v8 =	vld.idx.msk [tilespmem:v60+s10+$0x0], $0xffff  }
0x66: {  	v54 =	vadd.s32 v4, v49;
	v49 =	vld.idx.msk [tilespmem:v61+s2+$0x0], $0xffff;
	v61 =	vadd.s32 v5, v15  }
0x67: {  	v22 =	vadd.s32 v3, v15;
	v27 =	vld.idx.msk [tilespmem:v52+s2+$0x0], $0xffff;
	v2 =	vadd.bf16 v9, v2  }
0x68: {  	v25 =	vld.idx.msk [tilespmem:v63+s2+$0x0], $0xffff;
	v1 =	vadd.s32 v5, v58  }
0x69: {  	v7 =	vadd.s32 v5, v7;
	v63 =	vld.idx.msk [tilespmem:v12+s2+$0x0], $0xffff;
	v57 =	vadd.bf16 v57, v2  }
0x6a: {  	v56 =	vld.idx.msk [tilespmem:v23+s2+$0x0], $0xffff;
	v26 =	vbroadcast v8, $0x0  }
0x6b: {  	v57 =	vadd.bf16 v59, v57;
	v59 =	vld.idx.msk [tilespmem:v61+s2+$0x0], $0xffff;
	v2 =	vbroadcast v8, $0x1  }
0x6c: {  	v58 =	vld.idx.msk [tilespmem:v22+s2+$0x0], $0xffff;
	v30 =	vadd.s32 v3, v26  }
0x6d: {  	v24 =	vld.idx.msk [tilespmem:v1+s2+$0x0], $0xffff;
	v9 =	vadd.s32 v0, v2  }
0x6e: {  	v60 =	vld.idx.msk [tilespmem:v7+s2+$0x0], $0xffff  }
0x6f: {  	v1 =	vld [tilespmem:$0x1FD50];
	v7 =	vadd.s32 v0, v26;
	v10 =	vadd.s32 v4, v26  }
0x70: {  	v11 =	vadd.s32 v3, v2;
	v52 =	vadd.s32 v4, v2;
	v12 =	vadd.s32 v5, v2;
	v2 =	vld [tilespmem:$0x1FD60]  }
0x71: {  	v57 =	vadd.bf16 v62, v57;
	v62 =	vld.idx.msk [tilespmem:v30+s2+$0x0], $0xffff  }
0x72: {  	v30 =	vbroadcast v8, $0x2;
	v22 =	vld.idx.msk [tilespmem:v9+s2+$0x0], $0xffff  }
0x73: {  	v9 =	vld [tilespmem:$0x1FD70]  }
0x74: {  	v1 =	vadd.bf16 v6, v1;
	v23 =	vld.idx.msk [tilespmem:v10+s2+$0x0], $0xffff;
	v10 =	vadd.s32 v0, v30  }
0x75: {  	v61 =	vld.idx.msk [tilespmem:v7+s2+$0x0], $0xffff;
	v7 =	vadd.bf16 v6, v36;
	v36 =	vadd.bf16 v6, v32  }
0x76: {  	v1 =	vadd.bf16 v2, v1  }
0x77: {  	v57 =	vadd.bf16 v20, v57;
	v20 =	vadd.bf16 v38, v36  }
0x78: {  	v1 =	vadd.bf16 v9, v1;
	v9 =	vld [tilespmem:$0x1FD80]  }
0x79: {  	v20 =	vadd.bf16 v14, v20;
	v14 =	vld.idx.msk [tilespmem:v10+s2+$0x0], $0xffff  }
0x7a: {  	v10 =	vld [tilespmem:$0x1FDB0]  }
0x7b: {  	v7 =	vadd.bf16 v44, v7;
	_ =	sdelay $0x1  }
0x7c: {  	v7 =	vadd.bf16 v9, v7;
	v9 =	vld [tilespmem:$0x1FD90];
	_ =	sdelay $0x1  }
0x7d: {  	v20 =	vadd.bf16 v10, v20;
	v10 =	vld [tilespmem:$0x1FDC0];
	_ =	sdelay $0x2  }
0x7e: {  	v1 =	vadd.bf16 v9, v1;
	v9 =	vld [tilespmem:$0x1FDA0];
	_ =	sdelay $0x1  }
0x7f: {  	v1 =	vadd.bf16 v10, v1;
	v10 =	vld [tilespmem:$0x1FDD0]  }
0x80: {  	v26 =	vadd.s32 v5, v26  }
0x81: {  	v17 =	vadd.bf16 v17, v57  }
0x82: {  	v1 =	vadd.bf16 v42, v1;
	v7 =	vadd.bf16 v9, v7  }
0x83: {  	v54 =	vld.idx.msk [tilespmem:v54+s2+$0x0], $0xffff;
	v17 =	vadd.bf16 v18, v17  }
0x84: {  	v32 =	vbroadcast v8, $0x3;
	v1 =	vadd.bf16 v31, v1;
	v7 =	vadd.bf16 v10, v7;
	v10 =	vld [tilespmem:$0x1FDE0]  }
0x85: {  	v26 =	vld.idx.msk [tilespmem:v26+s2+$0x0], $0xffff;
	v2 =	vadd.s32 v3, v30  }
0x86: {  	v17 =	vadd.bf16 v19, v17;
	v16 =	vld.idx.msk [tilespmem:v11+s2+$0x0], $0xffff;
	v44 =	vadd.s32 v0, v32;
	v1 =	vadd.bf16 v46, v1  }
0x87: {  	v52 =	vld.idx.msk [tilespmem:v52+s2+$0x0], $0xffff  }
0x88: {  	v13 =	vadd.bf16 v13, v17;
	v15 =	vld.idx.msk [tilespmem:v12+s2+$0x0], $0xffff;
	v1 =	vadd.bf16 v29, v1  }
0x89: {  	v38 =	vadd.bf16 v10, v20;
	v10 =	vld [tilespmem:$0x1FDF0]  }
0x8a: {  	v13 =	vadd.bf16 v21, v13;
	v11 =	vadd.s32 v4, v30;
	v12 =	vld.idx.msk [tilespmem:v2+s2+$0x0], $0xffff;
	v1 =	vadd.bf16 v50, v1  }
0x8b: {  	v30 =	vadd.s32 v5, v30;
	v42 =	vld.idx.msk [tilespmem:v44+s2+$0x0], $0xffff  }
0x8c: {  	v13 =	vadd.bf16 v24, v13;
	v44 =	vld [tilespmem:$0x1FE10];
	v1 =	vadd.bf16 v51, v1  }
0x8d: {  	v36 =	vbroadcast v8, $0x4;
	v2 =	vadd.s32 v4, v32;
	v9 =	vadd.s32 v3, v32;
	v46 =	vld [tilespmem:$0x1FE30]  }
0x8e: {  	v32 =	vadd.s32 v5, v32;
	v1 =	vadd.bf16 v53, v1;
	v7 =	vadd.bf16 v10, v7;
	v10 =	vld [tilespmem:$0x1FE00]  }
0x8f: {  	v11 =	vld.idx.msk [tilespmem:v11+s2+$0x0], $0xffff  }
0x90: {  	v13 =	vadd.bf16 v60, v13;
	v20 =	vld.idx.msk [tilespmem:v30+s2+$0x0], $0xffff;
	v30 =	vadd.s32 v0, v36;
	v1 =	vadd.bf16 v54, v1  }
0x91: {  	v60 =	vbroadcast v8, $0xA;
	v7 =	vadd.bf16 v44, v7;
	v44 =	vld [tilespmem:$0x1FE20]  }
0x92: {  	v13 =	vadd.bf16 v59, v13;
	v57 =	vadd.s32 v3, v36;
	v2 =	vld.idx.msk [tilespmem:v2+s2+$0x0], $0xffff;
	v1 =	vadd.bf16 v25, v1  }
0x93: {  	v19 =	vld.idx.msk [tilespmem:v32+s2+$0x0], $0xffff;
	v7 =	vadd.bf16 v46, v7;
	v18 =	vadd.bf16 v10, v38;
	v38 =	vbroadcast v8, $0x5  }
0x94: {  	v13 =	vadd.bf16 v26, v13;
	v10 =	vld.idx.msk [tilespmem:v9+s2+$0x0], $0xffff;
	v9 =	vadd.s32 v4, v36;
	v1 =	vadd.bf16 v63, v1  }
0x95: {  	v31 =	vadd.s32 v5, v36;
	v30 =	vld.idx.msk [tilespmem:v30+s2+$0x0], $0xffff;
	v7 =	vadd.bf16 v33, v7;
	v32 =	vadd.s32 v0, v38  }
0x96: {  	v18 =	vadd.bf16 v44, v18;
	v44 =	vld [tilespmem:$0x1FE40];
	v29 =	vadd.s32 v5, v38;
	v1 =	vadd.bf16 v56, v1  }
0x97: {  	v46 =	vld.idx.msk [tilespmem:v57+s2+$0x0], $0xffff;
	v63 =	vadd.s32 v0, v60;
	v36 =	vadd.s32 v3, v38;
	v57 =	vadd.s32 v4, v38  }
0x98: {  	v38 =	vld [tilespmem:$0x1FE50];
	v7 =	vadd.bf16 v37, v7;
	v37 =	vbroadcast v8, $0x7;
	v1 =	vadd.bf16 v23, v1  }
0x99: {  	v9 =	vld.idx.msk [tilespmem:v9+s2+$0x0], $0xffff  }
0x9a: {  	v13 =	vadd.bf16 v15, v13;
	v51 =	vadd.s32 v0, v37;
	v1 =	vadd.bf16 v52, v1;
	v32 =	vld.idx.msk [tilespmem:v32+s2+$0x0], $0xffff  }
0x9b: {  	v7 =	vadd.bf16 v39, v7;
	v18 =	vadd.bf16 v44, v18;
	v44 =	vbroadcast v8, $0x6;
	v21 =	vld.idx.msk [tilespmem:v29+s2+$0x0], $0xffff  }
0x9c: {  	v53 =	vadd.s32 v3, v37;
	v1 =	vadd.bf16 v11, v1;
	v11 =	vadd.bf16 v20, v13;
	v13 =	vld.idx.msk [tilespmem:v63+s2+$0x0], $0xffff  }
0x9d: {  	v17 =	vadd.bf16 v38, v18;
	v18 =	vld.idx.msk [tilespmem:v31+s2+$0x0], $0xffff;
	v31 =	vadd.s32 v0, v44  }
0x9e: {  	v7 =	vadd.bf16 v43, v7;
	v33 =	vadd.s32 v3, v44;
	v38 =	vld.idx.msk [tilespmem:v57+s2+$0x0], $0xffff  }
0x9f: {  	v50 =	vadd.s32 v5, v44;
	v57 =	vbroadcast v8, $0x8;
	v25 =	vld.idx.msk [tilespmem:v51+s2+$0x0], $0xffff;
	v17 =	vadd.bf16 v34, v17  }
0xa0: {  	v7 =	vadd.bf16 v45, v7;
	v34 =	vld.idx.msk [tilespmem:v36+s2+$0x0], $0xffff;
	v36 =	vadd.s32 v4, v44  }
0xa1: {  	v51 =	vadd.s32 v3, v57;
	v17 =	vadd.bf16 v35, v17;
	v35 =	vld.idx.msk [tilespmem:v53+s2+$0x0], $0xffff  }
0xa2: {  	v7 =	vadd.bf16 v47, v7;
	v43 =	vadd.s32 v5, v57;
	v31 =	vld.idx.msk [tilespmem:v31+s2+$0x0], $0xffff  }
0xa3: {  	v54 =	vbroadcast v8, $0x9;
	v53 =	vadd.s32 v4, v57;
	v33 =	vld.idx.msk [tilespmem:v33+s2+$0x0], $0xffff;
	v17 =	vadd.bf16 v40, v17  }
0xa4: {  	v7 =	vadd.bf16 v55, v7;
	v24 =	vld.idx.msk [tilespmem:v50+s2+$0x0], $0xffff;
	v50 =	vadd.s32 v0, v57  }
0xa5: {  	v55 =	vadd.s32 v0, v54;
	v36 =	vld.idx.msk [tilespmem:v36+s2+$0x0], $0xffff;
	v17 =	vadd.bf16 v41, v17  }
0xa6: {  	v40 =	vadd.s32 v4, v37;
	v7 =	vadd.bf16 v27, v7;
	v29 =	vld.idx.msk [tilespmem:v51+s2+$0x0], $0xffff  }
0xa7: {  	v37 =	vadd.s32 v5, v37;
	v23 =	vld.idx.msk [tilespmem:v43+s2+$0x0], $0xffff;
	v17 =	vadd.bf16 v49, v17  }
0xa8: {  	v44 =	vadd.s32 v5, v54;
	v51 =	vbroadcast v8, $0xB;
	v7 =	vadd.bf16 v61, v7;
	v41 =	vld.idx.msk [tilespmem:v53+s2+$0x0], $0xffff  }
0xa9: {  	v53 =	vadd.s32 v5, v60;
	v27 =	vld.idx.msk [tilespmem:v50+s2+$0x0], $0xffff;
	v17 =	vadd.bf16 v28, v17  }
0xaa: {  	v56 =	vadd.s32 v4, v51;
	v7 =	vadd.bf16 v22, v7;
	v22 =	vld.idx.msk [tilespmem:v55+s2+$0x0], $0xffff  }
0xab: {  	v49 =	vadd.s32 v3, v60;
	v40 =	vld.idx.msk [tilespmem:v40+s2+$0x0], $0xffff;
	v17 =	vadd.bf16 v58, v17  }
0xac: {  	v50 =	vadd.s32 v4, v60;
	v28 =	vld.idx.msk [tilespmem:v37+s2+$0x0], $0xffff  }
0xad: {  	v55 =	vadd.s32 v3, v51;
	v7 =	vadd.bf16 v14, v7;
	v14 =	vld.idx.msk [tilespmem:v44+s2+$0x0], $0xffff;
	v17 =	vadd.bf16 v62, v17  }
0xae: {  	v11 =	vadd.bf16 v19, v11;
	v57 =	vadd.s32 v3, v54;
	v19 =	vld.idx.msk [tilespmem:v53+s2+$0x0], $0xffff  }
0xaf: {  	v58 =	vadd.s32 v4, v54;
	v63 =	vld.idx.msk [tilespmem:v56+s2+$0x0], $0xffff;
	v62 =	vbroadcast v8, $0xD;
	v16 =	vadd.bf16 v16, v17  }
0xb0: {  	v1 =	vadd.bf16 v2, v1;
	v54 =	vadd.s32 v0, v51;
	v26 =	vld.idx.msk [tilespmem:v49+s2+$0x0], $0xffff  }
0xb1: {  	v11 =	vadd.bf16 v18, v11;
	v2 =	vld.idx.msk [tilespmem:v50+s2+$0x0], $0xffff;
	v43 =	vadd.s32 v0, v62;
	v12 =	vadd.bf16 v12, v16  }
0xb2: {  	v1 =	vadd.bf16 v9, v1;
	v7 =	vadd.bf16 v42, v7;
	v18 =	vld.idx.msk [tilespmem:v55+s2+$0x0], $0xffff;
	v44 =	vadd.s32 v3, v62  }
0xb3: {  	v11 =	vadd.bf16 v21, v11;
	v17 =	vld.idx.msk [tilespmem:v57+s2+$0x0], $0xffff;
	v45 =	vadd.s32 v4, v62;
	v10 =	vadd.bf16 v10, v12  }
0xb4: {  	v7 =	vadd.bf16 v30, v7;
	v57 =	vbroadcast v8, $0xC;
	v47 =	vadd.s32 v5, v62;
	v15 =	vld.idx.msk [tilespmem:v58+s2+$0x0], $0xffff  }
0xb5: {  	v1 =	vadd.bf16 v38, v1;
	v58 =	vadd.s32 v5, v51;
	v9 =	vld.idx.msk [tilespmem:v54+s2+$0x0], $0xffff;
	v10 =	vadd.bf16 v46, v10  }
0xb6: {  	v11 =	vadd.bf16 v24, v11;
	v7 =	vadd.bf16 v32, v7;
	v59 =	vadd.s32 v0, v57;
	v21 =	vld.idx.msk [tilespmem:v43+s2+$0x0], $0xffff  }
0xb7: {  	v1 =	vadd.bf16 v36, v1;
	v60 =	vadd.s32 v3, v57;
	v52 =	vld.idx.msk [tilespmem:v44+s2+$0x0], $0xffff;
	v10 =	vadd.bf16 v34, v10  }
0xb8: {  	v61 =	vadd.s32 v4, v57;
	v7 =	vadd.bf16 v31, v7;
	v54 =	vld.idx.msk [tilespmem:v45+s2+$0x0], $0xffff;
	v46 =	vbroadcast v8, $0xE  }
0xb9: {  	v1 =	vadd.bf16 v40, v1;
	v42 =	vadd.s32 v5, v57;
	v56 =	vld.idx.msk [tilespmem:v47+s2+$0x0], $0xffff;
	v10 =	vadd.bf16 v33, v10  }
0xba: {  	v11 =	vadd.bf16 v28, v11;
	v7 =	vadd.bf16 v25, v7;
	v12 =	vld.idx.msk [tilespmem:v58+s2+$0x0], $0xffff;
	v50 =	vadd.s32 v0, v46  }
0xbb: {  	v8 =	vbroadcast v8, $0xF;
	v30 =	vld.idx.msk [tilespmem:v59+s2+$0x0], $0xffff;
	v51 =	vadd.s32 v3, v46;
	v10 =	vadd.bf16 v35, v10  }
0xbc: {  	v1 =	vadd.bf16 v41, v1;
	v7 =	vadd.bf16 v27, v7;
	v16 =	vld.idx.msk [tilespmem:v60+s2+$0x0], $0xffff;
	v53 =	vadd.s32 v4, v46  }
0xbd: {  	v11 =	vadd.bf16 v23, v11;
	v20 =	vld.idx.msk [tilespmem:v61+s2+$0x0], $0xffff;
	v57 =	vadd.s32 v0, v8;
	v10 =	vadd.bf16 v29, v10  }
0xbe: {  	v1 =	vadd.bf16 v15, v1;
	v49 =	vld.idx.msk [tilespmem:v42+s2+$0x0], $0xffff;
	v7 =	vadd.bf16 v22, v7;
	v59 =	vadd.s32 v3, v8  }
0xbf: {  	v11 =	vadd.bf16 v14, v11;
	v55 =	vadd.s32 v5, v46;
	v58 =	vld.idx.msk [tilespmem:v50+s2+$0x0], $0xffff;
	v10 =	vadd.bf16 v17, v10  }
0xc0: {  	v61 =	vadd.s32 v4, v8;
	v1 =	vadd.bf16 v2, v1;
	v7 =	vadd.bf16 v13, v7;
	v60 =	vld.idx.msk [tilespmem:v51+s2+$0x0], $0xffff  }
0xc1: {  	v2 =	vadd.bf16 v19, v11;
	v8 =	vadd.s32 v5, v8;
	v11 =	vld.idx.msk [tilespmem:v53+s2+$0x0], $0xffff;
	v10 =	vadd.bf16 v26, v10  }
0xc2: {  	v1 =	vadd.bf16 v63, v1;
	v7 =	vadd.bf16 v9, v7;
	v62 =	vld.idx.msk [tilespmem:v57+s2+$0x0], $0xffff  }
0xc3: {  	v2 =	vadd.bf16 v12, v2;
	v15 =	vld.idx.msk [tilespmem:v59+s2+$0x0], $0xffff;
	v9 =	vadd.bf16 v18, v10  }
0xc4: {  	v1 =	vadd.bf16 v20, v1;
	v7 =	vadd.bf16 v30, v7;
	v10 =	vld.idx.msk [tilespmem:v55+s2+$0x0], $0xffff  }
0xc5: {  	v2 =	vadd.bf16 v49, v2;
	v63 =	vld.idx.msk [tilespmem:v61+s2+$0x0], $0xffff;
	v9 =	vadd.bf16 v16, v9  }
0xc6: {  	v8 =	vld.idx.msk [tilespmem:v8+s2+$0x0], $0xffff;
	v1 =	vadd.bf16 v54, v1;
	v7 =	vadd.bf16 v21, v7  }
0xc7: {  	v53 =	vld [tilespmem:$0x1FFF0];
	v2 =	vadd.bf16 v56, v2;
	v9 =	vadd.bf16 v52, v9  }
0xc8: {  	v7 =	vadd.bf16 v58, v7;
	v1 =	vadd.bf16 v11, v1;
	v52 =	vld [tilespmem:$0x1FFD0]  }
0xc9: {  	v11 =	vadd.bf16 v10, v2;
	v9 =	vadd.bf16 v60, v9  }
0xca: {  	v10 =	vadd.bf16 v62, v7;
	v2 =	vadd.bf16 v63, v1  }
0xcb: {  	s15 =	simm.s32 $0x2;
	v1 =	vadd.bf16 v8, v11;
	v9 =	vadd.bf16 v15, v9  }
.LBB2_3:
0xcc: {  	p0 =	seq.s32 s15, $0x2  }
0xcd: {  	v7 =	vpsel p0, v53, v52  }
0xce: {  	v7 =	vor.u32 v7, v48;
	_ =	sdelay $0x4  }
0xcf: {  	v8 =	vld.idx.msk [tilespmem:v7+s10+$0x0], $0xffff;
	_ =	sdelay $0x4  }
0xd0: {  	v7 =	vbroadcast v8, $0x0;
	_ =	sdelay $0x1  }
0xd1: {  	v11 =	vadd.s32 v0, v7  }
0xd2: {  	v12 =	vadd.s32 v3, v7  }
0xd3: {  	v14 =	vbroadcast v8, $0x1;
	v13 =	vadd.s32 v4, v7  }
0xd4: {  	v7 =	vadd.s32 v5, v7  }
0xd5: {  	v15 =	vadd.s32 v0, v14  }
0xd6: {  	v16 =	vadd.s32 v3, v14;
	v11 =	vld.idx.msk [tilespmem:v11+s2+$0x0], $0xffff  }
0xd7: {  	v18 =	vbroadcast v8, $0x2;
	v17 =	vadd.s32 v4, v14;
	v12 =	vld.idx.msk [tilespmem:v12+s2+$0x0], $0xffff  }
0xd8: {  	v14 =	vadd.s32 v5, v14;
	v13 =	vld.idx.msk [tilespmem:v13+s2+$0x0], $0xffff  }
0xd9: {  	v19 =	vadd.s32 v0, v18;
	v7 =	vld.idx.msk [tilespmem:v7+s2+$0x0], $0xffff  }
0xda: {  	v20 =	vadd.s32 v3, v18;
	v15 =	vld.idx.msk [tilespmem:v15+s2+$0x0], $0xffff  }
0xdb: {  	v22 =	vbroadcast v8, $0x3;
	v21 =	vadd.s32 v4, v18;
	v16 =	vld.idx.msk [tilespmem:v16+s2+$0x0], $0xffff  }
0xdc: {  	v18 =	vadd.s32 v5, v18;
	v17 =	vld.idx.msk [tilespmem:v17+s2+$0x0], $0xffff  }
0xdd: {  	v23 =	vadd.s32 v0, v22;
	v14 =	vld.idx.msk [tilespmem:v14+s2+$0x0], $0xffff  }
0xde: {  	v24 =	vadd.s32 v3, v22;
	v19 =	vld.idx.msk [tilespmem:v19+s2+$0x0], $0xffff  }
0xdf: {  	v26 =	vbroadcast v8, $0x4;
	v25 =	vadd.s32 v4, v22;
	v20 =	vld.idx.msk [tilespmem:v20+s2+$0x0], $0xffff  }
0xe0: {  	v22 =	vadd.s32 v5, v22;
	v21 =	vld.idx.msk [tilespmem:v21+s2+$0x0], $0xffff  }
0xe1: {  	v27 =	vadd.s32 v0, v26;
	v18 =	vld.idx.msk [tilespmem:v18+s2+$0x0], $0xffff  }
0xe2: {  	v28 =	vadd.s32 v3, v26;
	v23 =	vld.idx.msk [tilespmem:v23+s2+$0x0], $0xffff  }
0xe3: {  	v30 =	vbroadcast v8, $0x5;
	v29 =	vadd.s32 v4, v26;
	v24 =	vld.idx.msk [tilespmem:v24+s2+$0x0], $0xffff  }
0xe4: {  	v26 =	vadd.s32 v5, v26;
	v25 =	vld.idx.msk [tilespmem:v25+s2+$0x0], $0xffff  }
0xe5: {  	v31 =	vadd.s32 v0, v30;
	v22 =	vld.idx.msk [tilespmem:v22+s2+$0x0], $0xffff  }
0xe6: {  	v32 =	vadd.s32 v3, v30;
	v27 =	vld.idx.msk [tilespmem:v27+s2+$0x0], $0xffff  }
0xe7: {  	v34 =	vbroadcast v8, $0x6;
	v33 =	vadd.s32 v4, v30;
	v28 =	vld.idx.msk [tilespmem:v28+s2+$0x0], $0xffff  }
0xe8: {  	v30 =	vadd.s32 v5, v30;
	v29 =	vld.idx.msk [tilespmem:v29+s2+$0x0], $0xffff  }
0xe9: {  	v35 =	vadd.s32 v0, v34;
	v26 =	vld.idx.msk [tilespmem:v26+s2+$0x0], $0xffff  }
0xea: {  	v36 =	vadd.s32 v3, v34;
	v31 =	vld.idx.msk [tilespmem:v31+s2+$0x0], $0xffff  }
0xeb: {  	v38 =	vbroadcast v8, $0x7;
	v37 =	vadd.s32 v4, v34;
	v32 =	vld.idx.msk [tilespmem:v32+s2+$0x0], $0xffff  }
0xec: {  	v34 =	vadd.s32 v5, v34;
	v33 =	vld.idx.msk [tilespmem:v33+s2+$0x0], $0xffff  }
0xed: {  	v39 =	vadd.s32 v0, v38;
	v30 =	vld.idx.msk [tilespmem:v30+s2+$0x0], $0xffff  }
0xee: {  	v40 =	vadd.s32 v3, v38;
	v35 =	vld.idx.msk [tilespmem:v35+s2+$0x0], $0xffff  }
0xef: {  	v42 =	vbroadcast v8, $0x8;
	v41 =	vadd.s32 v4, v38;
	v36 =	vld.idx.msk [tilespmem:v36+s2+$0x0], $0xffff  }
0xf0: {  	v38 =	vadd.s32 v5, v38;
	v37 =	vld.idx.msk [tilespmem:v37+s2+$0x0], $0xffff  }
0xf1: {  	v43 =	vadd.s32 v0, v42;
	v34 =	vld.idx.msk [tilespmem:v34+s2+$0x0], $0xffff  }
0xf2: {  	v44 =	vadd.s32 v3, v42;
	v39 =	vld.idx.msk [tilespmem:v39+s2+$0x0], $0xffff  }
0xf3: {  	v51 =	vbroadcast v8, $0xA;
	v45 =	vadd.s32 v4, v42;
	v40 =	vld.idx.msk [tilespmem:v40+s2+$0x0], $0xffff  }
0xf4: {  	v46 =	vbroadcast v8, $0x9;
	v42 =	vadd.s32 v5, v42;
	v41 =	vld.idx.msk [tilespmem:v41+s2+$0x0], $0xffff  }
0xf5: {  	v62 =	vadd.s32 v0, v51;
	v38 =	vld.idx.msk [tilespmem:v38+s2+$0x0], $0xffff  }
0xf6: {  	v47 =	vadd.s32 v0, v46;
	v43 =	vld.idx.msk [tilespmem:v43+s2+$0x0], $0xffff  }
0xf7: {  	v55 =	vbroadcast v8, $0xB;
	v49 =	vadd.s32 v3, v46;
	v44 =	vld.idx.msk [tilespmem:v44+s2+$0x0], $0xffff  }
0xf8: {  	v60 =	vbroadcast v8, $0xC;
	v50 =	vadd.s32 v4, v46;
	v10 =	vadd.bf16 v11, v10;
	v11 =	vld.idx.msk [tilespmem:v45+s2+$0x0], $0xffff  }
0xf9: {  	v61 =	vadd.s32 v5, v46;
	v63 =	vadd.s32 v3, v51;
	v9 =	vadd.bf16 v12, v9;
	v12 =	vld.idx.msk [tilespmem:v42+s2+$0x0], $0xffff  }
0xfa: {  	v54 =	vadd.s32 v4, v51;
	v56 =	vadd.s32 v5, v51;
	v2 =	vadd.bf16 v13, v2;
	v13 =	vld.idx.msk [tilespmem:v62+s2+$0x0], $0xffff  }
0xfb: {  	v57 =	vadd.s32 v0, v55;
	v1 =	vadd.bf16 v7, v1;
	v7 =	vadd.bf16 v15, v10;
	v10 =	vld.idx.msk [tilespmem:v47+s2+$0x0], $0xffff  }
0xfc: {  	v58 =	vadd.s32 v3, v55;
	v59 =	vadd.s32 v4, v55;
	v9 =	vadd.bf16 v16, v9;
	v16 =	vld.idx.msk [tilespmem:v49+s2+$0x0], $0xffff  }
0xfd: {  	v62 =	vadd.s32 v0, v60;
	v45 =	vbroadcast v8, $0xD;
	v1 =	vadd.bf16 v14, v1;
	v14 =	vld.idx.msk [tilespmem:v50+s2+$0x0], $0xffff  }
0xfe: {  	v42 =	vadd.s32 v4, v60;
	v2 =	vadd.bf16 v17, v2;
	v15 =	vld.idx.msk [tilespmem:v63+s2+$0x0], $0xffff;
	v63 =	vadd.s32 v3, v60  }
0xff: {  	v17 =	vld.idx.msk [tilespmem:v56+s2+$0x0], $0xffff;
	v46 =	vadd.s32 v0, v45;
	v7 =	vadd.bf16 v19, v7;
	v9 =	vadd.bf16 v20, v9  }
0x100: {  	v47 =	vadd.s32 v3, v45;
	v19 =	vld.idx.msk [tilespmem:v61+s2+$0x0], $0xffff;
	v2 =	vadd.bf16 v21, v2;
	v1 =	vadd.bf16 v18, v1  }
0x101: {  	v49 =	vadd.s32 v4, v45;
	v20 =	vld.idx.msk [tilespmem:v57+s2+$0x0], $0xffff;
	v7 =	vadd.bf16 v23, v7;
	v9 =	vadd.bf16 v24, v9  }
0x102: {  	v50 =	vbroadcast v8, $0xE;
	v18 =	vld.idx.msk [tilespmem:v58+s2+$0x0], $0xffff;
	v2 =	vadd.bf16 v25, v2;
	v1 =	vadd.bf16 v22, v1  }
0x103: {  	v8 =	vbroadcast v8, $0xF;
	v21 =	vld.idx.msk [tilespmem:v59+s2+$0x0], $0xffff;
	v7 =	vadd.bf16 v27, v7;
	v9 =	vadd.bf16 v28, v9  }
0x104: {  	v61 =	vadd.s32 v5, v55;
	v24 =	vld.idx.msk [tilespmem:v54+s2+$0x0], $0xffff;
	v2 =	vadd.bf16 v29, v2;
	v1 =	vadd.bf16 v26, v1  }
0x105: {  	v51 =	vadd.s32 v0, v50;
	v22 =	vld.idx.msk [tilespmem:v62+s2+$0x0], $0xffff;
	v7 =	vadd.bf16 v31, v7;
	v9 =	vadd.bf16 v32, v9  }
0x106: {  	v55 =	vadd.s32 v4, v50;
	v27 =	vld.idx.msk [tilespmem:v63+s2+$0x0], $0xffff;
	v2 =	vadd.bf16 v33, v2;
	v1 =	vadd.bf16 v30, v1  }
0x107: {  	v59 =	vadd.s32 v3, v8;
	v26 =	vld.idx.msk [tilespmem:v42+s2+$0x0], $0xffff;
	v7 =	vadd.bf16 v35, v7;
	v9 =	vadd.bf16 v36, v9  }
0x108: {  	v57 =	vadd.s32 v0, v8;
	v29 =	vld.idx.msk [tilespmem:v46+s2+$0x0], $0xffff;
	v2 =	vadd.bf16 v37, v2;
	v1 =	vadd.bf16 v34, v1  }
0x109: {  	v23 =	vadd.s32 v5, v60;
	v25 =	vld.idx.msk [tilespmem:v61+s2+$0x0], $0xffff;
	v7 =	vadd.bf16 v39, v7;
	v9 =	vadd.bf16 v40, v9  }
0x10a: {  	v54 =	vadd.s32 v3, v50;
	v58 =	vld.idx.msk [tilespmem:v51+s2+$0x0], $0xffff;
	v2 =	vadd.bf16 v41, v2;
	v1 =	vadd.bf16 v38, v1  }
0x10b: {  	v28 =	vadd.s32 v5, v45;
	v62 =	vld.idx.msk [tilespmem:v55+s2+$0x0], $0xffff;
	v7 =	vadd.bf16 v43, v7;
	v9 =	vadd.bf16 v44, v9  }
0x10c: {  	v61 =	vadd.s32 v4, v8;
	v63 =	vld.idx.msk [tilespmem:v59+s2+$0x0], $0xffff;
	v2 =	vadd.bf16 v11, v2;
	v1 =	vadd.bf16 v12, v1  }
0x10d: {  	v8 =	vadd.s32 v5, v8;
	v30 =	vld.idx.msk [tilespmem:v47+s2+$0x0], $0xffff;
	v7 =	vadd.bf16 v10, v7;
	v9 =	vadd.bf16 v16, v9  }
0x10e: {  	v56 =	vadd.s32 v5, v50;
	v23 =	vld.idx.msk [tilespmem:v23+s2+$0x0], $0xffff;
	v2 =	vadd.bf16 v14, v2;
	v1 =	vadd.bf16 v19, v1  }
0x10f: {  	v60 =	vld.idx.msk [tilespmem:v54+s2+$0x0], $0xffff;
	v7 =	vadd.bf16 v13, v7;
	v9 =	vadd.bf16 v15, v9  }
0x110: {  	v11 =	vld.idx.msk [tilespmem:v49+s2+$0x0], $0xffff;
	v2 =	vadd.bf16 v24, v2;
	v1 =	vadd.bf16 v17, v1  }
0x111: {  	v10 =	vld.idx.msk [tilespmem:v28+s2+$0x0], $0xffff;
	v7 =	vadd.bf16 v20, v7;
	v9 =	vadd.bf16 v18, v9  }
0x112: {  	v8 =	vld.idx.msk [tilespmem:v8+s2+$0x0], $0xffff;
	v2 =	vadd.bf16 v21, v2;
	v1 =	vadd.bf16 v25, v1  }
0x113: {  	v12 =	vld.idx.msk [tilespmem:v56+s2+$0x0], $0xffff;
	v7 =	vadd.bf16 v22, v7;
	v9 =	vadd.bf16 v27, v9  }
0x114: {  	v16 =	vld.idx.msk [tilespmem:v57+s2+$0x0], $0xffff;
	v2 =	vadd.bf16 v26, v2;
	v1 =	vadd.bf16 v23, v1  }
0x115: {  	p0 =	sne.s32 s15, $0x1;
	v15 =	vld.idx.msk [tilespmem:v61+s2+$0x0], $0xffff;
	v7 =	vadd.bf16 v29, v7;
	v9 =	vadd.bf16 v30, v9  }
.Ltmp0:
0x116: {  	v2 =	vadd.bf16 v11, v2;
	v1 =	vadd.bf16 v10, v1;
	(pc) =	sbr.rel @p0 .LBB2_3-.Ltmp0, $4  }
0x117: {  	v7 =	vadd.bf16 v58, v7;
	v9 =	vadd.bf16 v60, v9  }
0x118: {  	v2 =	vadd.bf16 v62, v2;
	v1 =	vadd.bf16 v12, v1  }
0x119: {  	v10 =	vadd.bf16 v16, v7;
	v9 =	vadd.bf16 v63, v9  }
0x11a: {  	s15 =	sadd.s32 $0xFFFFFFFF, s15;
	v2 =	vadd.bf16 v15, v2;
	v1 =	vadd.bf16 v8, v1  }
0x11b: {  	s15 =	sshll.u32 s14, $0x6;
	s14 =	sadd.s32 $0x1, s14  }
0x11c: {  	p0 =	seq.s32 s14, $0x200  }
.Ltmp1:
0x11d: {  	s15 =	sand.u32 $0x3FFFFFC0, s15;
	(pc) =	sbr.rel @!p0 .LBB2_2-.Ltmp1, $4  }
0x11e: {  	[tilespmem:s15+$0x12200] =	vst v10  }
0x11f: {  	[tilespmem:s15+$0x12210] =	vst v9  }
0x120: {  	[tilespmem:s15+$0x12220] =	vst v2  }
0x121: {  	[tilespmem:s15+$0x12230] =	vst v1  }
0x122: {  	v1 =	vld [tilespmem:$0x1FF90]  }
0x123: {  	v2 =	vld [tilespmem:$0x1FFA0];
	_ =	sdelay $0x4  }
0x124: {  	v1 =	vadd.f32 v2, v1;
	_ =	sdelay $0x1  }
0x125: {  	v17 =	vld [tilespmem:$0x1FF50];
	(xrf2) =	vadd.scan.msk.f32 $0xffff, v1;
	_ =	sdelay $0x4  }
0x126: {  	v16 =	vbroadcast v17, $0x0  }
0x127: {  	v15 =	vbroadcast v17, $0x1;
	v14 =	vbroadcast v17, $0x2  }
0x128: {  	v13 =	vbroadcast v17, $0x3;
	v12 =	vbroadcast v17, $0x4  }
0x129: {  	v11 =	vbroadcast v17, $0x5;
	v10 =	vbroadcast v17, $0x6  }
0x12a: {  	v9 =	vbroadcast v17, $0x7;
	v8 =	vbroadcast v17, $0x8  }
0x12b: {  	v7 =	vbroadcast v17, $0x9;
	v2 =	vbroadcast v17, $0xA;
	v1, _, _ =	vpop (xrf2)  }
0x12c: {  	v63 =	vbroadcast v17, $0xC;
	v1 =	vbroadcast v1, $0xF  }
0x12d: {  	v62 =	vbroadcast v17, $0xD;
	v61 =	vbroadcast v17, $0xE  }
0x12e: {  	v60 =	vbroadcast v17, $0xF;
	[tilespmem:$0x1FE60] =	vst v1;
	v1 =	vbroadcast v17, $0xB;
	v17 =	vld [tilespmem:$0x1FF60];
	_ =	sdelay $0x4  }
0x12f: {  	v59 =	vbroadcast v17, $0x0;
	v58 =	vbroadcast v17, $0x1  }
0x130: {  	v57 =	vbroadcast v17, $0x2;
	v56 =	vbroadcast v17, $0x3  }
0x131: {  	v55 =	vbroadcast v17, $0x4;
	v54 =	vbroadcast v17, $0x5  }
0x132: {  	v53 =	vbroadcast v17, $0x6;
	v52 =	vbroadcast v17, $0x7  }
0x133: {  	v51 =	vbroadcast v17, $0x8;
	v50 =	vbroadcast v17, $0x9  }
0x134: {  	v49 =	vbroadcast v17, $0xA;
	v48 =	vbroadcast v17, $0xB  }
0x135: {  	v47 =	vbroadcast v17, $0xC;
	v46 =	vbroadcast v17, $0xD  }
0x136: {  	v45 =	vbroadcast v17, $0xE;
	v44 =	vbroadcast v17, $0xF;
	v17 =	vld [tilespmem:$0x1FF70];
	_ =	sdelay $0x4  }
0x137: {  	v43 =	vbroadcast v17, $0x0  }
0x138: {  	v42 =	vbroadcast v17, $0x1;
	v41 =	vbroadcast v17, $0x2  }
0x139: {  	v40 =	vbroadcast v17, $0x3;
	v39 =	vbroadcast v17, $0x4  }
0x13a: {  	v18 =	vld [tilespmem:$0x1FF80];
	v38 =	vbroadcast v17, $0x5;
	v37 =	vbroadcast v17, $0x6  }
0x13b: {  	v36 =	vbroadcast v17, $0x7;
	v35 =	vbroadcast v17, $0x8  }
0x13c: {  	v34 =	vbroadcast v17, $0x9;
	v33 =	vbroadcast v17, $0xA  }
0x13d: {  	v32 =	vbroadcast v17, $0xB;
	v31 =	vbroadcast v17, $0xC  }
0x13e: {  	v30 =	vbroadcast v17, $0xD;
	v29 =	vbroadcast v17, $0xE  }
0x13f: {  	v27 =	vbroadcast v17, $0xF;
	v17 =	vbroadcast v18, $0x2;
	_ =	sdelay $0x1  }
0x140: {  	[tilespmem:$0x1FE70] =	vst v17;
	v17 =	vbroadcast v18, $0x3;
	_ =	sdelay $0x1  }
0x141: {  	[tilespmem:$0x1FE80] =	vst v17;
	v17 =	vbroadcast v18, $0x4;
	_ =	sdelay $0x1  }
0x142: {  	[tilespmem:$0x1FE90] =	vst v17;
	v17 =	vbroadcast v18, $0x5;
	_ =	sdelay $0x1  }
0x143: {  	[tilespmem:$0x1FEA0] =	vst v17;
	v17 =	vbroadcast v18, $0x6;
	_ =	sdelay $0x1  }
0x144: {  	[tilespmem:$0x1FEB0] =	vst v17;
	v17 =	vbroadcast v18, $0x7;
	_ =	sdelay $0x1  }
0x145: {  	[tilespmem:$0x1FEC0] =	vst v17;
	v17 =	vbroadcast v18, $0x8;
	_ =	sdelay $0x1  }
0x146: {  	[tilespmem:$0x1FED0] =	vst v17;
	v17 =	vbroadcast v18, $0x9;
	_ =	sdelay $0x1  }
0x147: {  	[tilespmem:$0x1FEE0] =	vst v17;
	v17 =	vbroadcast v18, $0xA;
	_ =	sdelay $0x1  }
0x148: {  	v20 =	vmul.u32 $0x40, v0;
	[tilespmem:$0x1FEF0] =	vst v17;
	v17 =	vbroadcast v18, $0xB  }
0x149: {  	s16 =	simm.s32 $0x0  }
0x14a: {  	v19 =	vor.u32 s16, v20;
	[tilespmem:$0x1FF00] =	vst v17;
	v17 =	vbroadcast v18, $0xC;
	_ =	sdelay $0x1  }
0x14b: {  	[tilespmem:$0x1FF10] =	vst v17;
	v17 =	vbroadcast v18, $0xD;
	_ =	sdelay $0x1  }
0x14c: {  	s23 =	simm.s32 $0x3;
	[tilespmem:$0x1FF20] =	vst v17;
	v17 =	vbroadcast v18, $0xE  }
0x14d: {  	s22 =	simm.s32 $0x2;
	v21 =	vor.u32 s23, v20;
	v28 =	vbroadcast v18, $0x0;
	v19 =	vld.idx.msk [tilespmem:v19+s11+$0x0], $0xffff  }
0x14e: {  	v26 =	vbroadcast v18, $0x1;
	[tilespmem:$0x1FF30] =	vst v17;
	v17 =	vbroadcast v18, $0xF;
	v18 =	vor.u32 s22, v20;
	_ =	sdelay $0x1  }
0x14f: {  	s21 =	simm.s32 $0x1  }
0x150: {  	[tilespmem:$0x1FF40] =	vst v17;
	v17 =	vor.u32 s21, v20  }
0x151: {  	s26 =	simm.s32 $0x6;
	v24 =	vmax.bf16 v19, v6;
	v19 =	vld.idx.msk [tilespmem:v21+s11+$0x0], $0xffff  }
0x152: {  	s25 =	simm.s32 $0x5;
	v21 =	vor.u32 s26, v20;
	v18 =	vld.idx.msk [tilespmem:v18+s11+$0x0], $0xffff  }
0x153: {  	v23 =	vor.u32 s25, v20  }
0x154: {  	s24 =	simm.s32 $0x4  }
0x155: {  	v22 =	vor.u32 s24, v20;
	v17 =	vld.idx.msk [tilespmem:v17+s11+$0x0], $0xffff  }
0x156: {  	v19 =	vmax.bf16 v19, v6  }
0x157: {  	[tilespmem:$0x1F480] =	vst v19;
	v19 =	vld.idx.msk [tilespmem:v21+s11+$0x0], $0xffff;
	v18 =	vmax.bf16 v18, v6  }
0x158: {  	[tilespmem:$0x1F470] =	vst v18;
	v18 =	vld.idx.msk [tilespmem:v23+s11+$0x0], $0xffff  }
0x159: {  	v23 =	vld [tilespmem:$0x1F470]  }
0x15a: {  	v24 =	vmul.bf16 v16, v24;
	v25 =	vmax.bf16 v17, v6;
	v17 =	vld.idx.msk [tilespmem:v22+s11+$0x0], $0xffff  }
0x15b: {  	s28 =	simm.s32 $0x7;
	v21 =	vld [tilespmem:$0x1F480]  }
0x15c: {  	v24 =	vadd.bf16 v6, v24;
	v22 =	vor.u32 s28, v20;
	v25 =	vmul.bf16 v15, v25  }
0x15d: {  	s29 =	simm.s32 $0x8  }
0x15e: {  	v24 =	vadd.bf16 v25, v24;
	v25 =	vmul.bf16 v14, v23;
	v23 =	vor.u32 s29, v20  }
0x15f: {  	s30 =	simm.s32 $0x9;
	v17 =	vmax.bf16 v17, v6  }
0x160: {  	v24 =	vadd.bf16 v25, v24;
	v25 =	vmul.bf16 v13, v21;
	v21 =	vor.u32 s30, v20  }
0x161: {  	[tilespmem:$0x1F490] =	vst v17;
	v17 =	vld.idx.msk [tilespmem:v22+s11+$0x0], $0xffff  }
0x162: {  	v18 =	vmax.bf16 v18, v6;
	v22 =	vld [tilespmem:$0x1F490]  }
0x163: {  	[tilespmem:$0x1F4A0] =	vst v18;
	v18 =	vld.idx.msk [tilespmem:v23+s11+$0x0], $0xffff  }
0x164: {  	v19 =	vmax.bf16 v19, v6;
	v23 =	vld [tilespmem:$0x1F4A0]  }
0x165: {  	[tilespmem:$0x1F4B0] =	vst v19;
	v19 =	vld.idx.msk [tilespmem:v21+s11+$0x0], $0xffff  }
0x166: {  	s31 =	simm.s32 $0xA;
	v21 =	vld [tilespmem:$0x1F4B0]  }
0x167: {  	v24 =	vadd.bf16 v25, v24;
	v25 =	vmul.bf16 v12, v22;
	v22 =	vor.u32 s31, v20  }
0x168: {  	s17 =	simm.s32 $0xB  }
0x169: {  	v24 =	vadd.bf16 v25, v24;
	v25 =	vmul.bf16 v11, v23;
	v23 =	vor.u32 s17, v20  }
0x16a: {  	s18 =	simm.s32 $0xC;
	v17 =	vmax.bf16 v17, v6  }
0x16b: {  	v24 =	vadd.bf16 v25, v24;
	v25 =	vmul.bf16 v10, v21;
	v21 =	vor.u32 s18, v20  }
0x16c: {  	[tilespmem:$0x1F4C0] =	vst v17;
	v17 =	vld.idx.msk [tilespmem:v22+s11+$0x0], $0xffff  }
0x16d: {  	v18 =	vmax.bf16 v18, v6;
	v22 =	vld [tilespmem:$0x1F4C0]  }
0x16e: {  	[tilespmem:$0x1F4D0] =	vst v18;
	v18 =	vld.idx.msk [tilespmem:v23+s11+$0x0], $0xffff  }
0x16f: {  	v19 =	vmax.bf16 v19, v6;
	v23 =	vld [tilespmem:$0x1F4D0]  }
0x170: {  	[tilespmem:$0x1F4E0] =	vst v19;
	v19 =	vld.idx.msk [tilespmem:v21+s11+$0x0], $0xffff  }
0x171: {  	s19 =	simm.s32 $0xD;
	v21 =	vld [tilespmem:$0x1F4E0]  }
0x172: {  	v24 =	vadd.bf16 v25, v24;
	v25 =	vmul.bf16 v9, v22;
	v22 =	vor.u32 s19, v20  }
0x173: {  	s20 =	simm.s32 $0xE  }
0x174: {  	v24 =	vadd.bf16 v25, v24;
	v25 =	vmul.bf16 v8, v23;
	v23 =	vor.u32 s20, v20  }
0x175: {  	s21 =	simm.s32 $0xF;
	v17 =	vmax.bf16 v17, v6  }
0x176: {  	v24 =	vadd.bf16 v25, v24;
	v25 =	vmul.bf16 v7, v21;
	v21 =	vor.u32 s21, v20  }
0x177: {  	[tilespmem:$0x1F4F0] =	vst v17;
	v17 =	vld.idx.msk [tilespmem:v22+s11+$0x0], $0xffff  }
0x178: {  	v18 =	vmax.bf16 v18, v6;
	v22 =	vld [tilespmem:$0x1F4F0]  }
0x179: {  	[tilespmem:$0x1F500] =	vst v18;
	v18 =	vld.idx.msk [tilespmem:v23+s11+$0x0], $0xffff  }
0x17a: {  	v19 =	vmax.bf16 v19, v6;
	v23 =	vld [tilespmem:$0x1F500]  }
0x17b: {  	[tilespmem:$0x1F510] =	vst v19;
	v19 =	vld.idx.msk [tilespmem:v21+s11+$0x0], $0xffff  }
0x17c: {  	s22 =	simm.s32 $0x10;
	v21 =	vld [tilespmem:$0x1F510]  }
0x17d: {  	v24 =	vadd.bf16 v25, v24;
	v25 =	vmul.bf16 v2, v22;
	v22 =	vor.u32 s22, v20  }
0x17e: {  	s23 =	simm.s32 $0x11  }
0x17f: {  	v24 =	vadd.bf16 v25, v24;
	v25 =	vmul.bf16 v1, v23;
	v23 =	vor.u32 s23, v20  }
0x180: {  	s24 =	simm.s32 $0x12;
	v17 =	vmax.bf16 v17, v6  }
0x181: {  	v24 =	vadd.bf16 v25, v24;
	v25 =	vmul.bf16 v63, v21;
	v21 =	vor.u32 s24, v20  }
0x182: {  	[tilespmem:$0x1F520] =	vst v17;
	v17 =	vld.idx.msk [tilespmem:v22+s11+$0x0], $0xffff  }
0x183: {  	v18 =	vmax.bf16 v18, v6;
	v22 =	vld [tilespmem:$0x1F520]  }
0x184: {  	[tilespmem:$0x1F530] =	vst v18;
	v18 =	vld.idx.msk [tilespmem:v23+s11+$0x0], $0xffff  }
0x185: {  	v19 =	vmax.bf16 v19, v6;
	v23 =	vld [tilespmem:$0x1F530]  }
0x186: {  	[tilespmem:$0x1F540] =	vst v19;
	v19 =	vld.idx.msk [tilespmem:v21+s11+$0x0], $0xffff  }
0x187: {  	s25 =	simm.s32 $0x13;
	v21 =	vld [tilespmem:$0x1F540]  }
0x188: {  	v24 =	vadd.bf16 v25, v24;
	v25 =	vmul.bf16 v62, v22;
	v22 =	vor.u32 s25, v20  }
0x189: {  	s26 =	simm.s32 $0x14  }
0x18a: {  	v24 =	vadd.bf16 v25, v24;
	v25 =	vmul.bf16 v61, v23;
	v23 =	vor.u32 s26, v20  }
0x18b: {  	s28 =	simm.s32 $0x15;
	v17 =	vmax.bf16 v17, v6  }
0x18c: {  	v24 =	vadd.bf16 v25, v24;
	v25 =	vmul.bf16 v60, v21;
	v21 =	vor.u32 s28, v20  }
0x18d: {  	[tilespmem:$0x1F550] =	vst v17;
	v17 =	vld.idx.msk [tilespmem:v22+s11+$0x0], $0xffff  }
0x18e: {  	v18 =	vmax.bf16 v18, v6;
	v22 =	vld [tilespmem:$0x1F550]  }
0x18f: {  	[tilespmem:$0x1F560] =	vst v18;
	v18 =	vld.idx.msk [tilespmem:v23+s11+$0x0], $0xffff  }
0x190: {  	v19 =	vmax.bf16 v19, v6;
	v23 =	vld [tilespmem:$0x1F560]  }
0x191: {  	[tilespmem:$0x1F570] =	vst v19;
	v19 =	vld.idx.msk [tilespmem:v21+s11+$0x0], $0xffff  }
0x192: {  	s29 =	simm.s32 $0x16;
	v21 =	vld [tilespmem:$0x1F570]  }
0x193: {  	v24 =	vadd.bf16 v25, v24;
	v25 =	vmul.bf16 v59, v22;
	v22 =	vor.u32 s29, v20  }
0x194: {  	s30 =	simm.s32 $0x17  }
0x195: {  	v24 =	vadd.bf16 v25, v24;
	v25 =	vmul.bf16 v58, v23;
	v23 =	vor.u32 s30, v20  }
0x196: {  	s31 =	simm.s32 $0x18;
	v17 =	vmax.bf16 v17, v6  }
0x197: {  	v24 =	vadd.bf16 v25, v24;
	v25 =	vmul.bf16 v57, v21;
	v21 =	vor.u32 s31, v20  }
0x198: {  	[tilespmem:$0x1F580] =	vst v17;
	v17 =	vld.idx.msk [tilespmem:v22+s11+$0x0], $0xffff  }
0x199: {  	v18 =	vmax.bf16 v18, v6;
	v22 =	vld [tilespmem:$0x1F580]  }
0x19a: {  	[tilespmem:$0x1F590] =	vst v18;
	v18 =	vld.idx.msk [tilespmem:v23+s11+$0x0], $0xffff  }
0x19b: {  	v19 =	vmax.bf16 v19, v6;
	v23 =	vld [tilespmem:$0x1F590]  }
0x19c: {  	[tilespmem:$0x1F5A0] =	vst v19;
	v19 =	vld.idx.msk [tilespmem:v21+s11+$0x0], $0xffff  }
0x19d: {  	s17 =	simm.s32 $0x19;
	v21 =	vld [tilespmem:$0x1F5A0]  }
0x19e: {  	v24 =	vadd.bf16 v25, v24;
	v25 =	vmul.bf16 v56, v22;
	v22 =	vor.u32 s17, v20  }
0x19f: {  	s18 =	simm.s32 $0x1A  }
0x1a0: {  	v24 =	vadd.bf16 v25, v24;
	v25 =	vmul.bf16 v55, v23;
	v23 =	vor.u32 s18, v20  }
0x1a1: {  	s19 =	simm.s32 $0x1B;
	v17 =	vmax.bf16 v17, v6  }
0x1a2: {  	v24 =	vadd.bf16 v25, v24;
	v25 =	vmul.bf16 v54, v21;
	v21 =	vor.u32 s19, v20  }
0x1a3: {  	[tilespmem:$0x1F5B0] =	vst v17;
	v17 =	vld.idx.msk [tilespmem:v22+s11+$0x0], $0xffff  }
0x1a4: {  	v18 =	vmax.bf16 v18, v6;
	v22 =	vld [tilespmem:$0x1F5B0]  }
0x1a5: {  	[tilespmem:$0x1F5C0] =	vst v18;
	v18 =	vld.idx.msk [tilespmem:v23+s11+$0x0], $0xffff  }
0x1a6: {  	v19 =	vmax.bf16 v19, v6;
	v23 =	vld [tilespmem:$0x1F5C0]  }
0x1a7: {  	[tilespmem:$0x1F5D0] =	vst v19;
	v19 =	vld.idx.msk [tilespmem:v21+s11+$0x0], $0xffff  }
0x1a8: {  	s20 =	simm.s32 $0x1C;
	v21 =	vld [tilespmem:$0x1F5D0]  }
0x1a9: {  	v24 =	vadd.bf16 v25, v24;
	v25 =	vmul.bf16 v53, v22;
	v22 =	vor.u32 s20, v20  }
0x1aa: {  	s21 =	simm.s32 $0x1D  }
0x1ab: {  	v24 =	vadd.bf16 v25, v24;
	v25 =	vmul.bf16 v52, v23;
	v23 =	vor.u32 s21, v20  }
0x1ac: {  	s22 =	simm.s32 $0x1E;
	v17 =	vmax.bf16 v17, v6  }
0x1ad: {  	v24 =	vadd.bf16 v25, v24;
	v25 =	vmul.bf16 v51, v21;
	v21 =	vor.u32 s22, v20  }
0x1ae: {  	[tilespmem:$0x1F5E0] =	vst v17;
	v17 =	vld.idx.msk [tilespmem:v22+s11+$0x0], $0xffff  }
0x1af: {  	v18 =	vmax.bf16 v18, v6;
	v22 =	vld [tilespmem:$0x1F5E0]  }
0x1b0: {  	[tilespmem:$0x1F5F0] =	vst v18;
	v18 =	vld.idx.msk [tilespmem:v23+s11+$0x0], $0xffff  }
0x1b1: {  	v19 =	vmax.bf16 v19, v6;
	v23 =	vld [tilespmem:$0x1F5F0]  }
0x1b2: {  	[tilespmem:$0x1F600] =	vst v19;
	v19 =	vld.idx.msk [tilespmem:v21+s11+$0x0], $0xffff  }
0x1b3: {  	s23 =	simm.s32 $0x1F;
	v21 =	vld [tilespmem:$0x1F600]  }
0x1b4: {  	v24 =	vadd.bf16 v25, v24;
	v25 =	vmul.bf16 v50, v22;
	v22 =	vor.u32 s23, v20  }
0x1b5: {  	s24 =	simm.s32 $0x20  }
0x1b6: {  	v24 =	vadd.bf16 v25, v24;
	v25 =	vmul.bf16 v49, v23;
	v23 =	vor.u32 s24, v20  }
0x1b7: {  	s25 =	simm.s32 $0x21;
	v17 =	vmax.bf16 v17, v6  }
0x1b8: {  	v24 =	vadd.bf16 v25, v24;
	v25 =	vmul.bf16 v48, v21;
	v21 =	vor.u32 s25, v20  }
0x1b9: {  	[tilespmem:$0x1F610] =	vst v17;
	v17 =	vld.idx.msk [tilespmem:v22+s11+$0x0], $0xffff  }
0x1ba: {  	v18 =	vmax.bf16 v18, v6;
	v22 =	vld [tilespmem:$0x1F610]  }
0x1bb: {  	[tilespmem:$0x1F620] =	vst v18;
	v18 =	vld.idx.msk [tilespmem:v23+s11+$0x0], $0xffff  }
0x1bc: {  	v19 =	vmax.bf16 v19, v6;
	v23 =	vld [tilespmem:$0x1F620]  }
0x1bd: {  	[tilespmem:$0x1F630] =	vst v19;
	v19 =	vld.idx.msk [tilespmem:v21+s11+$0x0], $0xffff  }
0x1be: {  	s26 =	simm.s32 $0x22;
	v21 =	vld [tilespmem:$0x1F630]  }
0x1bf: {  	v24 =	vadd.bf16 v25, v24;
	v25 =	vmul.bf16 v47, v22;
	v22 =	vor.u32 s26, v20  }
0x1c0: {  	s28 =	simm.s32 $0x23  }
0x1c1: {  	v24 =	vadd.bf16 v25, v24;
	v25 =	vmul.bf16 v46, v23;
	v23 =	vor.u32 s28, v20  }
0x1c2: {  	s29 =	simm.s32 $0x24;
	v17 =	vmax.bf16 v17, v6  }
0x1c3: {  	v24 =	vadd.bf16 v25, v24;
	v25 =	vmul.bf16 v45, v21;
	v21 =	vor.u32 s29, v20  }
0x1c4: {  	[tilespmem:$0x1F640] =	vst v17;
	v17 =	vld.idx.msk [tilespmem:v22+s11+$0x0], $0xffff  }
0x1c5: {  	v18 =	vmax.bf16 v18, v6;
	v22 =	vld [tilespmem:$0x1F640]  }
0x1c6: {  	[tilespmem:$0x1F650] =	vst v18;
	v18 =	vld.idx.msk [tilespmem:v23+s11+$0x0], $0xffff  }
0x1c7: {  	v19 =	vmax.bf16 v19, v6;
	v23 =	vld [tilespmem:$0x1F650]  }
0x1c8: {  	[tilespmem:$0x1F660] =	vst v19;
	v19 =	vld.idx.msk [tilespmem:v21+s11+$0x0], $0xffff  }
0x1c9: {  	s30 =	simm.s32 $0x25;
	v21 =	vld [tilespmem:$0x1F660]  }
0x1ca: {  	v24 =	vadd.bf16 v25, v24;
	v25 =	vmul.bf16 v44, v22;
	v22 =	vor.u32 s30, v20  }
0x1cb: {  	s31 =	simm.s32 $0x26  }
0x1cc: {  	v24 =	vadd.bf16 v25, v24;
	v25 =	vmul.bf16 v43, v23;
	v23 =	vor.u32 s31, v20  }
0x1cd: {  	s17 =	simm.s32 $0x27;
	v17 =	vmax.bf16 v17, v6  }
0x1ce: {  	v24 =	vadd.bf16 v25, v24;
	v25 =	vmul.bf16 v42, v21;
	v21 =	vor.u32 s17, v20  }
0x1cf: {  	[tilespmem:$0x1F670] =	vst v17;
	v17 =	vld.idx.msk [tilespmem:v22+s11+$0x0], $0xffff  }
0x1d0: {  	v18 =	vmax.bf16 v18, v6;
	v22 =	vld [tilespmem:$0x1F670]  }
0x1d1: {  	[tilespmem:$0x1F680] =	vst v18;
	v18 =	vld.idx.msk [tilespmem:v23+s11+$0x0], $0xffff  }
0x1d2: {  	v19 =	vmax.bf16 v19, v6;
	v23 =	vld [tilespmem:$0x1F680]  }
0x1d3: {  	[tilespmem:$0x1F690] =	vst v19;
	v19 =	vld.idx.msk [tilespmem:v21+s11+$0x0], $0xffff  }
0x1d4: {  	s18 =	simm.s32 $0x28;
	v21 =	vld [tilespmem:$0x1F690]  }
0x1d5: {  	v24 =	vadd.bf16 v25, v24;
	v25 =	vmul.bf16 v41, v22;
	v22 =	vor.u32 s18, v20  }
0x1d6: {  	s19 =	simm.s32 $0x29  }
0x1d7: {  	v24 =	vadd.bf16 v25, v24;
	v25 =	vmul.bf16 v40, v23;
	v23 =	vor.u32 s19, v20  }
0x1d8: {  	s20 =	simm.s32 $0x2A;
	v17 =	vmax.bf16 v17, v6  }
0x1d9: {  	v24 =	vadd.bf16 v25, v24;
	v25 =	vmul.bf16 v39, v21;
	v21 =	vor.u32 s20, v20  }
0x1da: {  	[tilespmem:$0x1F6A0] =	vst v17;
	v17 =	vld.idx.msk [tilespmem:v22+s11+$0x0], $0xffff  }
0x1db: {  	v18 =	vmax.bf16 v18, v6;
	v22 =	vld [tilespmem:$0x1F6A0]  }
0x1dc: {  	[tilespmem:$0x1F6B0] =	vst v18;
	v18 =	vld.idx.msk [tilespmem:v23+s11+$0x0], $0xffff  }
0x1dd: {  	v19 =	vmax.bf16 v19, v6;
	v23 =	vld [tilespmem:$0x1F6B0]  }
0x1de: {  	[tilespmem:$0x1F6C0] =	vst v19;
	v19 =	vld.idx.msk [tilespmem:v21+s11+$0x0], $0xffff  }
0x1df: {  	s21 =	simm.s32 $0x2B;
	v21 =	vld [tilespmem:$0x1F6C0]  }
0x1e0: {  	v24 =	vadd.bf16 v25, v24;
	v25 =	vmul.bf16 v38, v22;
	v22 =	vor.u32 s21, v20  }
0x1e1: {  	s22 =	simm.s32 $0x2C  }
0x1e2: {  	v24 =	vadd.bf16 v25, v24;
	v25 =	vmul.bf16 v37, v23;
	v23 =	vor.u32 s22, v20  }
0x1e3: {  	s23 =	simm.s32 $0x2D;
	v17 =	vmax.bf16 v17, v6  }
0x1e4: {  	v24 =	vadd.bf16 v25, v24;
	v25 =	vmul.bf16 v36, v21;
	v21 =	vor.u32 s23, v20  }
0x1e5: {  	[tilespmem:$0x1F6D0] =	vst v17;
	v17 =	vld.idx.msk [tilespmem:v22+s11+$0x0], $0xffff  }
0x1e6: {  	v18 =	vmax.bf16 v18, v6;
	v22 =	vld [tilespmem:$0x1F6D0]  }
0x1e7: {  	[tilespmem:$0x1F6E0] =	vst v18;
	v18 =	vld.idx.msk [tilespmem:v23+s11+$0x0], $0xffff  }
0x1e8: {  	v19 =	vmax.bf16 v19, v6;
	v23 =	vld [tilespmem:$0x1F6E0]  }
0x1e9: {  	[tilespmem:$0x1F6F0] =	vst v19;
	v19 =	vld.idx.msk [tilespmem:v21+s11+$0x0], $0xffff  }
0x1ea: {  	v21 =	vld [tilespmem:$0x1F6F0]  }
0x1eb: {  	s24 =	simm.s32 $0x2E;
	v24 =	vadd.bf16 v25, v24;
	v25 =	vmul.bf16 v35, v22  }
0x1ec: {  	v22 =	vor.u32 s24, v20  }
0x1ed: {  	v24 =	vadd.bf16 v25, v24;
	v25 =	vmul.bf16 v34, v23  }
0x1ee: {  	s26 =	simm.s32 $0x30  }
0x1ef: {  	v24 =	vadd.bf16 v25, v24;
	v25 =	vmul.bf16 v33, v21;
	v21 =	vor.u32 s26, v20  }
0x1f0: {  	v17 =	vmax.bf16 v17, v6  }
0x1f1: {  	[tilespmem:$0x1F700] =	vst v17;
	v17 =	vld.idx.msk [tilespmem:v22+s11+$0x0], $0xffff  }
0x1f2: {  	v22 =	vld [tilespmem:$0x1F700]  }
0x1f3: {  	s25 =	simm.s32 $0x2F;
	v19 =	vmax.bf16 v19, v6  }
0x1f4: {  	v23 =	vor.u32 s25, v20;
	[tilespmem:$0x1F720] =	vst v19;
	v19 =	vld.idx.msk [tilespmem:v21+s11+$0x0], $0xffff  }
0x1f5: {  	v21 =	vld [tilespmem:$0x1F720]  }
0x1f6: {  	s28 =	simm.s32 $0x31  }
0x1f7: {  	v24 =	vadd.bf16 v25, v24;
	v25 =	vmul.bf16 v32, v22;
	v22 =	vor.u32 s28, v20  }
0x1f8: {  	v18 =	vmax.bf16 v18, v6  }
0x1f9: {  	[tilespmem:$0x1F710] =	vst v18;
	v18 =	vld.idx.msk [tilespmem:v23+s11+$0x0], $0xffff  }
0x1fa: {  	v23 =	vld [tilespmem:$0x1F710];
	v17 =	vmax.bf16 v17, v6;
	v21 =	vmul.bf16 v30, v21  }
0x1fb: {  	[tilespmem:$0x1F740] =	vst v17  }
0x1fc: {  	[tilespmem:$0x1F730] =	vst v21;
	v21 =	vld.idx.msk [tilespmem:v22+s11+$0x0], $0xffff  }
0x1fd: {  	v22 =	vld [tilespmem:$0x1F740]  }
0x1fe: {  	s29 =	simm.s32 $0x32;
	v17 =	vld [tilespmem:$0x1F730]  }
0x1ff: {  	v24 =	vadd.bf16 v25, v24;
	v25 =	vmul.bf16 v31, v23;
	v23 =	vor.u32 s29, v20  }
0x200: {  	s30 =	simm.s32 $0x33  }
0x201: {  	v25 =	vadd.bf16 v25, v24;
	v24 =	vor.u32 s30, v20  }
0x202: {  	s31 =	simm.s32 $0x34;
	v18 =	vmax.bf16 v18, v6  }
0x203: {  	v17 =	vadd.bf16 v17, v25;
	v25 =	vmul.bf16 v29, v22;
	v22 =	vor.u32 s31, v20  }
0x204: {  	[tilespmem:$0x1F750] =	vst v18;
	v18 =	vld.idx.msk [tilespmem:v23+s11+$0x0], $0xffff  }
0x205: {  	v19 =	vmax.bf16 v19, v6;
	v23 =	vld [tilespmem:$0x1F750]  }
0x206: {  	[tilespmem:$0x1F760] =	vst v19;
	v19 =	vld.idx.msk [tilespmem:v24+s11+$0x0], $0xffff  }
0x207: {  	v24 =	vld [tilespmem:$0x1F760];
	v21 =	vmax.bf16 v21, v6  }
0x208: {  	[tilespmem:$0x1F770] =	vst v21;
	v21 =	vld.idx.msk [tilespmem:v22+s11+$0x0], $0xffff  }
0x209: {  	v22 =	vld [tilespmem:$0x1F770]  }
0x20a: {  	v25 =	vadd.bf16 v25, v17;
	v17 =	vmul.bf16 v27, v23;
	_ =	sdelay $0x1  }
0x20b: {  	v25 =	vadd.bf16 v17, v25;
	v17 =	vmul.bf16 v28, v24;
	_ =	sdelay $0x1  }
0x20c: {  	v25 =	vadd.bf16 v17, v25;
	v17 =	vmul.bf16 v26, v22  }
0x20d: {  	s17 =	simm.s32 $0x35  }
0x20e: {  	v23 =	vor.u32 s17, v20;
	[tilespmem:$0x1F780] =	vst v17  }
0x20f: {  	v17 =	vmax.bf16 v18, v6;
	v18 =	vld [tilespmem:$0x1F780];
	_ =	sdelay $0x3  }
0x210: {  	[tilespmem:$0x1F790] =	vst v17;
	v17 =	vld.idx.msk [tilespmem:v23+s11+$0x0], $0xffff  }
0x211: {  	v23 =	vadd.bf16 v18, v25;
	v25 =	vld [tilespmem:$0x1FE70]  }
0x212: {  	v18 =	vld [tilespmem:$0x1F790];
	_ =	sdelay $0x4  }
0x213: {  	s18 =	simm.s32 $0x36;
	v18 =	vmul.bf16 v25, v18  }
0x214: {  	s20 =	simm.s32 $0x38;
	v24 =	vor.u32 s18, v20  }
0x215: {  	[tilespmem:$0x1F7A0] =	vst v18;
	v18 =	vor.u32 s20, v20  }
0x216: {  	[tilespmem:$0x1F7D0] =	vst v18;
	v18 =	vmax.bf16 v19, v6;
	v19 =	vld [tilespmem:$0x1F7A0];
	_ =	sdelay $0x2  }
0x217: {  	[tilespmem:$0x1F7B0] =	vst v18;
	v18 =	vld.idx.msk [tilespmem:v24+s11+$0x0], $0xffff  }
0x218: {  	v24 =	vld [tilespmem:$0x1F7B0]  }
0x219: {  	v23 =	vadd.bf16 v19, v23;
	v19 =	vld [tilespmem:$0x1FE80];
	_ =	sdelay $0x4  }
0x21a: {  	v19 =	vmul.bf16 v19, v24  }
0x21b: {  	s19 =	simm.s32 $0x37  }
0x21c: {  	v22 =	vor.u32 s19, v20;
	[tilespmem:$0x1F7C0] =	vst v19  }
0x21d: {  	v24 =	vmax.bf16 v21, v6;
	v21 =	vld [tilespmem:$0x1F7C0];
	_ =	sdelay $0x1  }
0x21e: {  	s21 =	simm.s32 $0x39  }
0x21f: {  	v19 =	vor.u32 s21, v20  }
0x220: {  	[tilespmem:$0x1F7E0] =	vst v19;
	v19 =	vld.idx.msk [tilespmem:v22+s11+$0x0], $0xffff  }
0x221: {  	v22 =	vadd.bf16 v21, v23;
	v21 =	vld [tilespmem:$0x1FE90];
	_ =	sdelay $0x4  }
0x222: {  	v23 =	vmul.bf16 v21, v24;
	v24 =	vmax.bf16 v17, v6;
	v17 =	vld [tilespmem:$0x1F7D0];
	_ =	sdelay $0x7  }
0x223: {  	v17 =	vld.idx.msk [tilespmem:v17+s11+$0x0], $0xffff;
	_ =	sdelay $0x4  }
0x224: {  	[tilespmem:$0x1F810] =	vst v17;
	v17 =	vadd.bf16 v23, v22;
	_ =	sdelay $0x1  }
0x225: {  	[tilespmem:$0x1F7F0] =	vst v17;
	v17 =	vld [tilespmem:$0x1FEA0];
	_ =	sdelay $0x4  }
0x226: {  	v23 =	vmul.bf16 v17, v24;
	v17 =	vld [tilespmem:$0x1F7E0];
	_ =	sdelay $0x7  }
0x227: {  	v24 =	vmax.bf16 v18, v6;
	v18 =	vld.idx.msk [tilespmem:v17+s11+$0x0], $0xffff  }
0x228: {  	v17 =	vld [tilespmem:$0x1F7F0];
	_ =	sdelay $0x4  }
0x229: {  	v17 =	vadd.bf16 v23, v17;
	_ =	sdelay $0x1  }
0x22a: {  	[tilespmem:$0x1F800] =	vst v17;
	v17 =	vld [tilespmem:$0x1FEB0];
	_ =	sdelay $0x3  }
0x22b: {  	s24 =	simm.s32 $0x3C  }
0x22c: {  	v23 =	vmul.bf16 v17, v24;
	v17 =	vor.u32 s24, v20  }
0x22d: {  	[tilespmem:$0x1F830] =	vst v17;
	v17 =	vld [tilespmem:$0x1F800];
	_ =	sdelay $0x4  }
0x22e: {  	v17 =	vadd.bf16 v23, v17;
	_ =	sdelay $0x1  }
0x22f: {  	[tilespmem:$0x1F820] =	vst v17;
	v17 =	vld [tilespmem:$0x1FEC0];
	_ =	sdelay $0x3  }
0x230: {  	s25 =	simm.s32 $0x3D;
	v24 =	vmax.bf16 v19, v6  }
0x231: {  	v23 =	vmul.bf16 v17, v24;
	v17 =	vor.u32 s25, v20  }
0x232: {  	[tilespmem:$0x1F850] =	vst v17;
	v17 =	vld [tilespmem:$0x1F810];
	_ =	sdelay $0x4  }
0x233: {  	v24 =	vmax.bf16 v17, v6;
	v17 =	vld [tilespmem:$0x1F820];
	_ =	sdelay $0x4  }
0x234: {  	v23 =	vadd.bf16 v23, v17;
	v17 =	vld [tilespmem:$0x1FED0];
	_ =	sdelay $0x4  }
0x235: {  	v24 =	vmul.bf16 v17, v24;
	v17 =	vmax.bf16 v18, v6  }
0x236: {  	[tilespmem:$0x1F840] =	vst v17;
	v17 =	vld [tilespmem:$0x1F830];
	_ =	sdelay $0x3  }
0x237: {  	s22 =	simm.s32 $0x3A  }
0x238: {  	v21 =	vor.u32 s22, v20;
	_ =	sdelay $0x1  }
0x239: {  	v23 =	vadd.bf16 v24, v23;
	v24 =	vld [tilespmem:$0x1F840]  }
0x23a: {  	v18 =	vld.idx.msk [tilespmem:v17+s11+$0x0], $0xffff  }
0x23b: {  	v17 =	vld [tilespmem:$0x1FEE0]  }
0x23c: {  	v19 =	vld.idx.msk [tilespmem:v21+s11+$0x0], $0xffff;
	_ =	sdelay $0x2  }
0x23d: {  	s15 =	simm.s32 $0x3F  }
0x23e: {  	v24 =	vmul.bf16 v17, v24;
	v17 =	vor.u32 s15, v20  }
0x23f: {  	[tilespmem:$0x1F870] =	vst v17;
	v17 =	vmax.bf16 v19, v6  }
0x240: {  	[tilespmem:$0x1F860] =	vst v17;
	v17 =	vld [tilespmem:$0x1F850];
	_ =	sdelay $0x3  }
0x241: {  	s23 =	simm.s32 $0x3B  }
0x242: {  	v22 =	vor.u32 s23, v20;
	_ =	sdelay $0x1  }
0x243: {  	v23 =	vadd.bf16 v24, v23;
	v24 =	vld [tilespmem:$0x1F860]  }
0x244: {  	v19 =	vld.idx.msk [tilespmem:v17+s11+$0x0], $0xffff  }
0x245: {  	s26 =	simm.s32 $0x3E;
	v17 =	vld [tilespmem:$0x1FEF0]  }
0x246: {  	v21 =	vld.idx.msk [tilespmem:v22+s11+$0x0], $0xffff;
	v22 =	vor.u32 s26, v20;
	_ =	sdelay $0x3  }
0x247: {  	v17 =	vmul.bf16 v17, v24  }
0x248: {  	v24 =	vmax.bf16 v21, v6;
	v21 =	vld.idx.msk [tilespmem:v22+s11+$0x0], $0xffff  }
0x249: {  	v22 =	vadd.bf16 v17, v23;
	v17 =	vld [tilespmem:$0x1FF00];
	_ =	sdelay $0x4  }
0x24a: {  	v23 =	vmul.bf16 v17, v24;
	v17 =	vld [tilespmem:$0x1F870];
	_ =	sdelay $0x7  }
0x24b: {  	v24 =	vmax.bf16 v18, v6;
	v18 =	vld.idx.msk [tilespmem:v17+s11+$0x0], $0xffff  }
0x24c: {  	v17 =	vld [tilespmem:$0x1FF10];
	_ =	sdelay $0x4  }
0x24d: {  	v22 =	vadd.bf16 v23, v22;
	v17 =	vmul.bf16 v17, v24;
	_ =	sdelay $0x1  }
0x24e: {  	v23 =	vmax.bf16 v19, v6;
	v19 =	vadd.bf16 v17, v22;
	v17 =	vld [tilespmem:$0x1FF20];
	_ =	sdelay $0x4  }
0x24f: {  	v17 =	vmul.bf16 v17, v23;
	_ =	sdelay $0x1  }
0x250: {  	v19 =	vadd.bf16 v17, v19;
	v17 =	vld [tilespmem:$0x1FF30];
	_ =	sdelay $0x3  }
0x251: {  	v21 =	vmax.bf16 v21, v6  }
0x252: {  	v17 =	vmul.bf16 v17, v21;
	_ =	sdelay $0x1  }
0x253: {  	v19 =	vadd.bf16 v17, v19;
	v17 =	vld [tilespmem:$0x1FF40];
	_ =	sdelay $0x3  }
0x254: {  	v18 =	vmax.bf16 v18, v6  }
0x255: {  	v17 =	vmul.bf16 v17, v18;
	_ =	sdelay $0x1  }
0x256: {  	v17 =	vadd.bf16 v17, v19;
	_ =	sdelay $0x1  }
0x257: {  	v18 =	vunpack.i.u.bf16.f32 v17;
	v17 =	vunpack.i.l.bf16.f32 v17  }
0x258: {  	v17 =	vadd.f32 v17, v18;
	v18 =	vld [tilespmem:$0x1FE60];
	_ =	sdelay $0x4  }
0x259: {  	v17 =	vadd.f32 v17, v18;
	_ =	sdelay $0x1  }
0x25a: {  	v17 =	vsub.f32 $0.0e+00, v17;
	_ =	sdelay $0x1  }
0x25b: {  	v17 =	vmul.f32 $1.442695020e+00, v17;
	_ =	sdelay $0x1  }
0x25c: {  	(erf) = vpow2.f32 v17;
	_ =	sdelay $0x8  }
0x25d: {  	v17 =	vpop (erf)  }
0x25e: {  	v17 =	vadd.f32 $1.000000000e+00, v17;
	_ =	sdelay $0x1  }
0x25f: {  	(erf) = vrcp.f32 v17;
	_ =	sdelay $0x4  }
0x260: {  	s28 =	simm.s32 $0x400  }
0x261: {  	v22 =	vor.u32 s28, v20;
	_ =	sdelay $0x2  }
0x262: {  	s14 =	simm.s32 $0x1A200;
	s29 =	simm.s32 $0x401;
	v17 =	vpop (erf)  }
0x263: {  	v19 =	vor.u32 s29, v20;
	[tilespmem:s14+$0x0] =	vst v17  }
0x264: {  	s30 =	simm.s32 $0x402;
	v22 =	vld.idx.msk [tilespmem:v22+s11+$0x0], $0xffff  }
0x265: {  	s31 =	simm.s32 $0x403;
	v21 =	vor.u32 s30, v20  }
0x266: {  	s16 =	simm.s32 $0x404;
	v17 =	vor.u32 s31, v20  }
0x267: {  	s17 =	simm.s32 $0x405;
	[tilespmem:$0x1F880] =	vst v17;
	v17 =	vor.u32 s16, v20  }
0x268: {  	v19 =	vld.idx.msk [tilespmem:v19+s11+$0x0], $0xffff;
	[tilespmem:$0x1F890] =	vst v17;
	v17 =	vor.u32 s17, v20  }
0x269: {  	[tilespmem:$0x1F8A0] =	vst v17;
	v17 =	vmax.bf16 v22, v6  }
0x26a: {  	v21 =	vld.idx.msk [tilespmem:v21+s11+$0x0], $0xffff;
	v23 =	vmul.bf16 v16, v17  }
0x26b: {  	s18 =	simm.s32 $0x406  }
0x26c: {  	v17 =	vor.u32 s18, v20;
	v23 =	vadd.bf16 v6, v23  }
0x26d: {  	s19 =	simm.s32 $0x407;
	[tilespmem:$0x1F8C0] =	vst v17;
	v17 =	vmax.bf16 v19, v6  }
0x26e: {  	[tilespmem:$0x1F8B0] =	vst v23;
	v23 =	vmul.bf16 v15, v17;
	v17 =	vor.u32 s19, v20  }
0x26f: {  	[tilespmem:$0x1F8E0] =	vst v17;
	v17 =	vmax.bf16 v21, v6;
	v21 =	vld [tilespmem:$0x1F8A0];
	_ =	sdelay $0x1  }
0x270: {  	v22 =	vld [tilespmem:$0x1F880];
	_ =	sdelay $0x5  }
0x271: {  	v21 =	vld.idx.msk [tilespmem:v21+s11+$0x0], $0xffff;
	_ =	sdelay $0x1  }
0x272: {  	v22 =	vld.idx.msk [tilespmem:v22+s11+$0x0], $0xffff  }
0x273: {  	v19 =	vld [tilespmem:$0x1F890]  }
0x274: {  	v17 =	vmul.bf16 v14, v17  }
0x275: {  	s20 =	simm.s32 $0x408;
	[tilespmem:$0x1F8F0] =	vst v21;
	v21 =	vld [tilespmem:$0x1F8B0]  }
0x276: {  	[tilespmem:$0x1F8D0] =	vst v17;
	v17 =	vor.u32 s20, v20  }
0x277: {  	[tilespmem:$0x1F900] =	vst v17;
	v17 =	vmax.bf16 v22, v6;
	v22 =	vld [tilespmem:$0x1F8D0];
	_ =	sdelay $0x2  }
0x278: {  	v23 =	vadd.bf16 v23, v21  }
0x279: {  	v19 =	vld.idx.msk [tilespmem:v19+s11+$0x0], $0xffff  }
0x27a: {  	v22 =	vadd.bf16 v22, v23;
	v23 =	vmul.bf16 v13, v17;
	_ =	sdelay $0x1  }
0x27b: {  	s21 =	simm.s32 $0x409;
	v23 =	vadd.bf16 v23, v22;
	v22 =	vld [tilespmem:$0x1F900]  }
0x27c: {  	v17 =	vor.u32 s21, v20  }
0x27d: {  	[tilespmem:$0x1F920] =	vst v17;
	v17 =	vmax.bf16 v19, v6  }
0x27e: {  	v17 =	vmul.bf16 v12, v17  }
0x27f: {  	s22 =	simm.s32 $0x40A  }
0x280: {  	v21 =	vld [tilespmem:$0x1F8C0];
	[tilespmem:$0x1F910] =	vst v17;
	v17 =	vor.u32 s22, v20  }
0x281: {  	[tilespmem:$0x1F940] =	vst v17;
	v17 =	vld [tilespmem:$0x1F8F0]  }
0x282: {  	v19 =	vld [tilespmem:$0x1F8E0]  }
0x283: {  	v22 =	vld.idx.msk [tilespmem:v22+s11+$0x0], $0xffff;
	_ =	sdelay $0x2  }
0x284: {  	v17 =	vmax.bf16 v17, v6  }
0x285: {  	v17 =	vmul.bf16 v11, v17  }
0x286: {  	[tilespmem:$0x1F950] =	vst v22;
	v22 =	vld [tilespmem:$0x1F910]  }
0x287: {  	v21 =	vld.idx.msk [tilespmem:v21+s11+$0x0], $0xffff;
	[tilespmem:$0x1F930] =	vst v17  }
0x288: {  	v24 =	vld [tilespmem:$0x1F930]  }
0x289: {  	v19 =	vld.idx.msk [tilespmem:v19+s11+$0x0], $0xffff;
	_ =	sdelay $0x1  }
0x28a: {  	v23 =	vadd.bf16 v22, v23  }
0x28b: {  	s24 =	simm.s32 $0x40C;
	v17 =	vmax.bf16 v21, v6;
	v21 =	vld [tilespmem:$0x1F920]  }
0x28c: {  	v23 =	vadd.bf16 v24, v23;
	v24 =	vmul.bf16 v10, v17;
	v17 =	vor.u32 s24, v20  }
0x28d: {  	[tilespmem:$0x1F960] =	vst v17;
	v17 =	vmax.bf16 v19, v6;
	v19 =	vld [tilespmem:$0x1F940];
	_ =	sdelay $0x1  }
0x28e: {  	s25 =	simm.s32 $0x40D  }
0x28f: {  	v23 =	vadd.bf16 v24, v23;
	v24 =	vmul.bf16 v9, v17;
	v17 =	vor.u32 s25, v20  }
0x290: {  	[tilespmem:$0x1F970] =	vst v17;
	v17 =	vld [tilespmem:$0x1F950];
	_ =	sdelay $0x1  }
0x291: {  	v21 =	vld.idx.msk [tilespmem:v21+s11+$0x0], $0xffff;
	_ =	sdelay $0x1  }
0x292: {  	v19 =	vld.idx.msk [tilespmem:v19+s11+$0x0], $0xffff  }
0x293: {  	s26 =	simm.s32 $0x40E;
	v17 =	vmax.bf16 v17, v6  }
0x294: {  	s23 =	simm.s32 $0x40B;
	v23 =	vadd.bf16 v24, v23;
	v24 =	vmul.bf16 v8, v17;
	v17 =	vor.u32 s26, v20  }
0x295: {  	s28 =	simm.s32 $0x40F;
	v22 =	vor.u32 s23, v20;
	[tilespmem:$0x1F980] =	vst v17;
	v17 =	vmax.bf16 v21, v6;
	v21 =	vld [tilespmem:$0x1F960]  }
0x296: {  	v23 =	vadd.bf16 v24, v23;
	v24 =	vmul.bf16 v7, v17;
	v17 =	vor.u32 s28, v20  }
0x297: {  	[tilespmem:$0x1F990] =	vst v17;
	v17 =	vmax.bf16 v19, v6;
	v19 =	vld [tilespmem:$0x1F970];
	_ =	sdelay $0x3  }
0x298: {  	v22 =	vld.idx.msk [tilespmem:v22+s11+$0x0], $0xffff;
	_ =	sdelay $0x1  }
0x299: {  	v21 =	vld.idx.msk [tilespmem:v21+s11+$0x0], $0xffff  }
0x29a: {  	s29 =	simm.s32 $0x410  }
0x29b: {  	v23 =	vadd.bf16 v24, v23;
	v24 =	vmul.bf16 v2, v17;
	v17 =	vor.u32 s29, v20;
	v19 =	vld.idx.msk [tilespmem:v19+s11+$0x0], $0xffff  }
0x29c: {  	s30 =	simm.s32 $0x411;
	[tilespmem:$0x1F9A0] =	vst v17;
	v17 =	vmax.bf16 v22, v6;
	v22 =	vld [tilespmem:$0x1F980]  }
0x29d: {  	v23 =	vadd.bf16 v24, v23;
	v24 =	vmul.bf16 v1, v17;
	v17 =	vor.u32 s30, v20  }
0x29e: {  	s31 =	simm.s32 $0x412;
	[tilespmem:$0x1F9B0] =	vst v17;
	v17 =	vmax.bf16 v21, v6;
	v21 =	vld [tilespmem:$0x1F990]  }
0x29f: {  	v23 =	vadd.bf16 v24, v23;
	v24 =	vmul.bf16 v63, v17;
	v17 =	vor.u32 s31, v20  }
0x2a0: {  	[tilespmem:$0x1F9C0] =	vst v17;
	v17 =	vmax.bf16 v19, v6;
	v19 =	vld [tilespmem:$0x1F9A0];
	_ =	sdelay $0x3  }
0x2a1: {  	v22 =	vld.idx.msk [tilespmem:v22+s11+$0x0], $0xffff;
	_ =	sdelay $0x1  }
0x2a2: {  	v21 =	vld.idx.msk [tilespmem:v21+s11+$0x0], $0xffff  }
0x2a3: {  	s16 =	simm.s32 $0x413  }
0x2a4: {  	v23 =	vadd.bf16 v24, v23;
	v24 =	vmul.bf16 v62, v17;
	v17 =	vor.u32 s16, v20;
	v19 =	vld.idx.msk [tilespmem:v19+s11+$0x0], $0xffff  }
0x2a5: {  	s17 =	simm.s32 $0x414;
	[tilespmem:$0x1F9D0] =	vst v17;
	v17 =	vmax.bf16 v22, v6;
	v22 =	vld [tilespmem:$0x1F9B0]  }
0x2a6: {  	v23 =	vadd.bf16 v24, v23;
	v24 =	vmul.bf16 v61, v17;
	v17 =	vor.u32 s17, v20  }
0x2a7: {  	s18 =	simm.s32 $0x415;
	[tilespmem:$0x1F9E0] =	vst v17;
	v17 =	vmax.bf16 v21, v6;
	v21 =	vld [tilespmem:$0x1F9C0]  }
0x2a8: {  	v23 =	vadd.bf16 v24, v23;
	v24 =	vmul.bf16 v60, v17;
	v17 =	vor.u32 s18, v20  }
0x2a9: {  	[tilespmem:$0x1F9F0] =	vst v17;
	v17 =	vmax.bf16 v19, v6;
	v19 =	vld [tilespmem:$0x1F9D0];
	_ =	sdelay $0x3  }
0x2aa: {  	v22 =	vld.idx.msk [tilespmem:v22+s11+$0x0], $0xffff;
	_ =	sdelay $0x1  }
0x2ab: {  	v21 =	vld.idx.msk [tilespmem:v21+s11+$0x0], $0xffff  }
0x2ac: {  	s19 =	simm.s32 $0x416  }
0x2ad: {  	v23 =	vadd.bf16 v24, v23;
	v24 =	vmul.bf16 v59, v17;
	v17 =	vor.u32 s19, v20;
	v19 =	vld.idx.msk [tilespmem:v19+s11+$0x0], $0xffff  }
0x2ae: {  	s20 =	simm.s32 $0x417;
	[tilespmem:$0x1FA00] =	vst v17;
	v17 =	vmax.bf16 v22, v6;
	v22 =	vld [tilespmem:$0x1F9E0]  }
0x2af: {  	v23 =	vadd.bf16 v24, v23;
	v24 =	vmul.bf16 v58, v17;
	v17 =	vor.u32 s20, v20  }
0x2b0: {  	s21 =	simm.s32 $0x418;
	[tilespmem:$0x1FA10] =	vst v17;
	v17 =	vmax.bf16 v21, v6;
	v21 =	vld [tilespmem:$0x1F9F0]  }
0x2b1: {  	v23 =	vadd.bf16 v24, v23;
	v24 =	vmul.bf16 v57, v17;
	v17 =	vor.u32 s21, v20  }
0x2b2: {  	[tilespmem:$0x1FA20] =	vst v17;
	v17 =	vmax.bf16 v19, v6;
	v19 =	vld [tilespmem:$0x1FA00];
	_ =	sdelay $0x3  }
0x2b3: {  	v22 =	vld.idx.msk [tilespmem:v22+s11+$0x0], $0xffff;
	_ =	sdelay $0x1  }
0x2b4: {  	v21 =	vld.idx.msk [tilespmem:v21+s11+$0x0], $0xffff  }
0x2b5: {  	s22 =	simm.s32 $0x419  }
0x2b6: {  	v23 =	vadd.bf16 v24, v23;
	v24 =	vmul.bf16 v56, v17;
	v17 =	vor.u32 s22, v20;
	v19 =	vld.idx.msk [tilespmem:v19+s11+$0x0], $0xffff  }
0x2b7: {  	s23 =	simm.s32 $0x41A;
	[tilespmem:$0x1FA30] =	vst v17;
	v17 =	vmax.bf16 v22, v6;
	v22 =	vld [tilespmem:$0x1FA10]  }
0x2b8: {  	v23 =	vadd.bf16 v24, v23;
	v24 =	vmul.bf16 v55, v17;
	v17 =	vor.u32 s23, v20  }
0x2b9: {  	s24 =	simm.s32 $0x41B;
	[tilespmem:$0x1FA40] =	vst v17;
	v17 =	vmax.bf16 v21, v6;
	v21 =	vld [tilespmem:$0x1FA20]  }
0x2ba: {  	v23 =	vadd.bf16 v24, v23;
	v24 =	vmul.bf16 v54, v17;
	v17 =	vor.u32 s24, v20  }
0x2bb: {  	[tilespmem:$0x1FA50] =	vst v17;
	v17 =	vmax.bf16 v19, v6;
	v19 =	vld [tilespmem:$0x1FA30];
	_ =	sdelay $0x3  }
0x2bc: {  	v22 =	vld.idx.msk [tilespmem:v22+s11+$0x0], $0xffff;
	_ =	sdelay $0x1  }
0x2bd: {  	v21 =	vld.idx.msk [tilespmem:v21+s11+$0x0], $0xffff  }
0x2be: {  	s25 =	simm.s32 $0x41C  }
0x2bf: {  	v23 =	vadd.bf16 v24, v23;
	v24 =	vmul.bf16 v53, v17;
	v17 =	vor.u32 s25, v20;
	v19 =	vld.idx.msk [tilespmem:v19+s11+$0x0], $0xffff  }
0x2c0: {  	s26 =	simm.s32 $0x41D;
	[tilespmem:$0x1FA60] =	vst v17;
	v17 =	vmax.bf16 v22, v6;
	v22 =	vld [tilespmem:$0x1FA40]  }
0x2c1: {  	v23 =	vadd.bf16 v24, v23;
	v24 =	vmul.bf16 v52, v17;
	v17 =	vor.u32 s26, v20  }
0x2c2: {  	s28 =	simm.s32 $0x41E;
	[tilespmem:$0x1FA70] =	vst v17;
	v17 =	vmax.bf16 v21, v6;
	v21 =	vld [tilespmem:$0x1FA50]  }
0x2c3: {  	v23 =	vadd.bf16 v24, v23;
	v24 =	vmul.bf16 v51, v17;
	v17 =	vor.u32 s28, v20  }
0x2c4: {  	[tilespmem:$0x1FA80] =	vst v17;
	v17 =	vmax.bf16 v19, v6;
	v19 =	vld [tilespmem:$0x1FA60];
	_ =	sdelay $0x3  }
0x2c5: {  	v22 =	vld.idx.msk [tilespmem:v22+s11+$0x0], $0xffff;
	_ =	sdelay $0x1  }
0x2c6: {  	v21 =	vld.idx.msk [tilespmem:v21+s11+$0x0], $0xffff  }
0x2c7: {  	s29 =	simm.s32 $0x41F  }
0x2c8: {  	v23 =	vadd.bf16 v24, v23;
	v24 =	vmul.bf16 v50, v17;
	v17 =	vor.u32 s29, v20;
	v19 =	vld.idx.msk [tilespmem:v19+s11+$0x0], $0xffff  }
0x2c9: {  	s30 =	simm.s32 $0x420;
	[tilespmem:$0x1FA90] =	vst v17;
	v17 =	vmax.bf16 v22, v6;
	v22 =	vld [tilespmem:$0x1FA70]  }
0x2ca: {  	v23 =	vadd.bf16 v24, v23;
	v24 =	vmul.bf16 v49, v17;
	v17 =	vor.u32 s30, v20  }
0x2cb: {  	s31 =	simm.s32 $0x421;
	[tilespmem:$0x1FAA0] =	vst v17;
	v17 =	vmax.bf16 v21, v6;
	v21 =	vld [tilespmem:$0x1FA80]  }
0x2cc: {  	v23 =	vadd.bf16 v24, v23;
	v24 =	vmul.bf16 v48, v17;
	v17 =	vor.u32 s31, v20  }
0x2cd: {  	[tilespmem:$0x1FAB0] =	vst v17;
	v17 =	vmax.bf16 v19, v6;
	v19 =	vld [tilespmem:$0x1FA90];
	_ =	sdelay $0x3  }
0x2ce: {  	v22 =	vld.idx.msk [tilespmem:v22+s11+$0x0], $0xffff;
	_ =	sdelay $0x1  }
0x2cf: {  	v21 =	vld.idx.msk [tilespmem:v21+s11+$0x0], $0xffff  }
0x2d0: {  	s16 =	simm.s32 $0x422  }
0x2d1: {  	v23 =	vadd.bf16 v24, v23;
	v24 =	vmul.bf16 v47, v17;
	v17 =	vor.u32 s16, v20;
	v19 =	vld.idx.msk [tilespmem:v19+s11+$0x0], $0xffff  }
0x2d2: {  	s17 =	simm.s32 $0x423;
	[tilespmem:$0x1FAC0] =	vst v17;
	v17 =	vmax.bf16 v22, v6;
	v22 =	vld [tilespmem:$0x1FAA0]  }
0x2d3: {  	v23 =	vadd.bf16 v24, v23;
	v24 =	vmul.bf16 v46, v17;
	v17 =	vor.u32 s17, v20  }
0x2d4: {  	s18 =	simm.s32 $0x424;
	[tilespmem:$0x1FAD0] =	vst v17;
	v17 =	vmax.bf16 v21, v6;
	v21 =	vld [tilespmem:$0x1FAB0]  }
0x2d5: {  	v23 =	vadd.bf16 v24, v23;
	v24 =	vmul.bf16 v45, v17;
	v17 =	vor.u32 s18, v20  }
0x2d6: {  	[tilespmem:$0x1FAE0] =	vst v17;
	v17 =	vmax.bf16 v19, v6;
	v19 =	vld [tilespmem:$0x1FAC0];
	_ =	sdelay $0x3  }
0x2d7: {  	v22 =	vld.idx.msk [tilespmem:v22+s11+$0x0], $0xffff;
	_ =	sdelay $0x1  }
0x2d8: {  	v21 =	vld.idx.msk [tilespmem:v21+s11+$0x0], $0xffff  }
0x2d9: {  	s19 =	simm.s32 $0x425  }
0x2da: {  	v23 =	vadd.bf16 v24, v23;
	v24 =	vmul.bf16 v44, v17;
	v17 =	vor.u32 s19, v20;
	v19 =	vld.idx.msk [tilespmem:v19+s11+$0x0], $0xffff  }
0x2db: {  	s20 =	simm.s32 $0x426;
	[tilespmem:$0x1FAF0] =	vst v17;
	v17 =	vmax.bf16 v22, v6;
	v22 =	vld [tilespmem:$0x1FAD0]  }
0x2dc: {  	v23 =	vadd.bf16 v24, v23;
	v24 =	vmul.bf16 v43, v17;
	v17 =	vor.u32 s20, v20  }
0x2dd: {  	s21 =	simm.s32 $0x427;
	[tilespmem:$0x1FB00] =	vst v17;
	v17 =	vmax.bf16 v21, v6;
	v21 =	vld [tilespmem:$0x1FAE0]  }
0x2de: {  	v23 =	vadd.bf16 v24, v23;
	v24 =	vmul.bf16 v42, v17;
	v17 =	vor.u32 s21, v20  }
0x2df: {  	[tilespmem:$0x1FB10] =	vst v17;
	v17 =	vmax.bf16 v19, v6;
	v19 =	vld [tilespmem:$0x1FAF0];
	_ =	sdelay $0x3  }
0x2e0: {  	v22 =	vld.idx.msk [tilespmem:v22+s11+$0x0], $0xffff;
	_ =	sdelay $0x1  }
0x2e1: {  	v21 =	vld.idx.msk [tilespmem:v21+s11+$0x0], $0xffff  }
0x2e2: {  	s22 =	simm.s32 $0x428  }
0x2e3: {  	v23 =	vadd.bf16 v24, v23;
	v24 =	vmul.bf16 v41, v17;
	v17 =	vor.u32 s22, v20;
	v19 =	vld.idx.msk [tilespmem:v19+s11+$0x0], $0xffff  }
0x2e4: {  	s23 =	simm.s32 $0x429;
	[tilespmem:$0x1FB20] =	vst v17;
	v17 =	vmax.bf16 v22, v6;
	v22 =	vld [tilespmem:$0x1FB00]  }
0x2e5: {  	v23 =	vadd.bf16 v24, v23;
	v24 =	vmul.bf16 v40, v17;
	v17 =	vor.u32 s23, v20  }
0x2e6: {  	s24 =	simm.s32 $0x42A;
	[tilespmem:$0x1FB30] =	vst v17;
	v17 =	vmax.bf16 v21, v6;
	v21 =	vld [tilespmem:$0x1FB10]  }
0x2e7: {  	v23 =	vadd.bf16 v24, v23;
	v24 =	vmul.bf16 v39, v17;
	v17 =	vor.u32 s24, v20  }
0x2e8: {  	[tilespmem:$0x1FB40] =	vst v17;
	v17 =	vmax.bf16 v19, v6;
	v19 =	vld [tilespmem:$0x1FB20];
	_ =	sdelay $0x3  }
0x2e9: {  	v22 =	vld.idx.msk [tilespmem:v22+s11+$0x0], $0xffff;
	_ =	sdelay $0x1  }
0x2ea: {  	v21 =	vld.idx.msk [tilespmem:v21+s11+$0x0], $0xffff  }
0x2eb: {  	s25 =	simm.s32 $0x42B  }
0x2ec: {  	v23 =	vadd.bf16 v24, v23;
	v24 =	vmul.bf16 v38, v17;
	v17 =	vor.u32 s25, v20;
	v19 =	vld.idx.msk [tilespmem:v19+s11+$0x0], $0xffff  }
0x2ed: {  	s26 =	simm.s32 $0x42C;
	[tilespmem:$0x1FB50] =	vst v17;
	v17 =	vmax.bf16 v22, v6;
	v22 =	vld [tilespmem:$0x1FB30]  }
0x2ee: {  	v23 =	vadd.bf16 v24, v23;
	v24 =	vmul.bf16 v37, v17;
	v17 =	vor.u32 s26, v20  }
0x2ef: {  	s28 =	simm.s32 $0x42D;
	[tilespmem:$0x1FB60] =	vst v17;
	v17 =	vmax.bf16 v21, v6;
	v21 =	vld [tilespmem:$0x1FB40]  }
0x2f0: {  	v23 =	vadd.bf16 v24, v23;
	v24 =	vmul.bf16 v36, v17;
	v17 =	vor.u32 s28, v20  }
0x2f1: {  	[tilespmem:$0x1FB70] =	vst v17;
	v17 =	vmax.bf16 v19, v6;
	v19 =	vld [tilespmem:$0x1FB50];
	_ =	sdelay $0x3  }
0x2f2: {  	v22 =	vld.idx.msk [tilespmem:v22+s11+$0x0], $0xffff;
	_ =	sdelay $0x1  }
0x2f3: {  	v21 =	vld.idx.msk [tilespmem:v21+s11+$0x0], $0xffff  }
0x2f4: {  	s29 =	simm.s32 $0x42E  }
0x2f5: {  	v23 =	vadd.bf16 v24, v23;
	v24 =	vmul.bf16 v35, v17;
	v17 =	vor.u32 s29, v20;
	v19 =	vld.idx.msk [tilespmem:v19+s11+$0x0], $0xffff  }
0x2f6: {  	s30 =	simm.s32 $0x42F;
	[tilespmem:$0x1FB80] =	vst v17;
	v17 =	vmax.bf16 v22, v6;
	v22 =	vld [tilespmem:$0x1FB60]  }
0x2f7: {  	v23 =	vadd.bf16 v24, v23;
	v24 =	vmul.bf16 v34, v17;
	v17 =	vor.u32 s30, v20  }
0x2f8: {  	s31 =	simm.s32 $0x430;
	[tilespmem:$0x1FB90] =	vst v17;
	v17 =	vmax.bf16 v21, v6;
	v21 =	vld [tilespmem:$0x1FB70]  }
0x2f9: {  	v23 =	vadd.bf16 v24, v23;
	v24 =	vmul.bf16 v33, v17;
	v17 =	vor.u32 s31, v20  }
0x2fa: {  	[tilespmem:$0x1FBA0] =	vst v17;
	v17 =	vmax.bf16 v19, v6;
	v19 =	vld [tilespmem:$0x1FB80];
	_ =	sdelay $0x3  }
0x2fb: {  	v22 =	vld.idx.msk [tilespmem:v22+s11+$0x0], $0xffff;
	_ =	sdelay $0x1  }
0x2fc: {  	v21 =	vld.idx.msk [tilespmem:v21+s11+$0x0], $0xffff  }
0x2fd: {  	s16 =	simm.s32 $0x431  }
0x2fe: {  	v23 =	vadd.bf16 v24, v23;
	v24 =	vmul.bf16 v32, v17;
	v17 =	vor.u32 s16, v20;
	v19 =	vld.idx.msk [tilespmem:v19+s11+$0x0], $0xffff  }
0x2ff: {  	s17 =	simm.s32 $0x432;
	[tilespmem:$0x1FBB0] =	vst v17;
	v17 =	vmax.bf16 v22, v6  }
0x300: {  	v23 =	vadd.bf16 v24, v23;
	v24 =	vmul.bf16 v31, v17;
	v17 =	vor.u32 s17, v20  }
0x301: {  	s18 =	simm.s32 $0x433;
	[tilespmem:$0x1FBC0] =	vst v17;
	v17 =	vmax.bf16 v21, v6  }
0x302: {  	v23 =	vadd.bf16 v24, v23;
	v24 =	vmul.bf16 v30, v17;
	v17 =	vor.u32 s18, v20  }
0x303: {  	[tilespmem:$0x1FBE0] =	vst v17;
	v17 =	vmax.bf16 v19, v6;
	v19 =	vld [tilespmem:$0x1FBB0];
	_ =	sdelay $0x6  }
0x304: {  	v22 =	vld [tilespmem:$0x1FB90]  }
0x305: {  	v19 =	vld.idx.msk [tilespmem:v19+s11+$0x0], $0xffff;
	_ =	sdelay $0x4  }
0x306: {  	[tilespmem:$0x1FC00] =	vst v19;
	v19 =	vld [tilespmem:$0x1FBC0];
	_ =	sdelay $0x2  }
0x307: {  	v22 =	vld.idx.msk [tilespmem:v22+s11+$0x0], $0xffff;
	_ =	sdelay $0x2  }
0x308: {  	s19 =	simm.s32 $0x434  }
0x309: {  	[tilespmem:$0x1FBD0] =	vst v27;
	v21 =	vld [tilespmem:$0x1FBA0];
	v23 =	vadd.bf16 v24, v23;
	v24 =	vmul.bf16 v29, v17;
	v17 =	vor.u32 s19, v20  }
0x30a: {  	[tilespmem:$0x1FC10] =	vst v17;
	v17 =	vmax.bf16 v22, v6;
	v22 =	vld.idx.msk [tilespmem:v19+s11+$0x0], $0xffff  }
0x30b: {  	v19 =	vld [tilespmem:$0x1FBD0];
	_ =	sdelay $0x4  }
0x30c: {  	v23 =	vadd.bf16 v24, v23;
	v24 =	vmul.bf16 v19, v17;
	v19 =	vld [tilespmem:$0x1FBE0];
	_ =	sdelay $0x2  }
0x30d: {  	v21 =	vld.idx.msk [tilespmem:v21+s11+$0x0], $0xffff;
	_ =	sdelay $0x2  }
0x30e: {  	s20 =	simm.s32 $0x435  }
0x30f: {  	[tilespmem:$0x1FBF0] =	vst v28;
	v17 =	vor.u32 s20, v20  }
0x310: {  	[tilespmem:$0x1FC30] =	vst v17;
	v17 =	vmax.bf16 v21, v6;
	v21 =	vld.idx.msk [tilespmem:v19+s11+$0x0], $0xffff  }
0x311: {  	v19 =	vld [tilespmem:$0x1FBF0];
	_ =	sdelay $0x4  }
0x312: {  	v23 =	vadd.bf16 v24, v23;
	v24 =	vmul.bf16 v19, v17;
	v19 =	vld [tilespmem:$0x1FC10];
	_ =	sdelay $0x7  }
0x313: {  	v19 =	vld.idx.msk [tilespmem:v19+s11+$0x0], $0xffff;
	_ =	sdelay $0x1  }
0x314: {  	s21 =	simm.s32 $0x436  }
0x315: {  	[tilespmem:$0x1FC20] =	vst v26;
	v17 =	vor.u32 s21, v20  }
0x316: {  	[tilespmem:$0x1FC40] =	vst v17;
	v17 =	vld [tilespmem:$0x1FC00]  }
0x317: {  	[tilespmem:$0x1FC50] =	vst v19;
	v19 =	vld [tilespmem:$0x1FC20];
	_ =	sdelay $0x3  }
0x318: {  	v17 =	vmax.bf16 v17, v6  }
0x319: {  	s22 =	simm.s32 $0x437;
	v23 =	vadd.bf16 v24, v23;
	v24 =	vmul.bf16 v19, v17;
	v19 =	vld [tilespmem:$0x1FC30]  }
0x31a: {  	v17 =	vor.u32 s22, v20  }
0x31b: {  	[tilespmem:$0x1FC60] =	vst v17;
	v17 =	vmax.bf16 v22, v6  }
0x31c: {  	v22 =	vadd.bf16 v24, v23;
	v23 =	vmul.bf16 v25, v17;
	_ =	sdelay $0x1  }
0x31d: {  	v23 =	vadd.bf16 v23, v22;
	v22 =	vld [tilespmem:$0x1FE80];
	_ =	sdelay $0x2  }
0x31e: {  	v19 =	vld.idx.msk [tilespmem:v19+s11+$0x0], $0xffff  }
0x31f: {  	v17 =	vmax.bf16 v21, v6  }
0x320: {  	v17 =	vmul.bf16 v22, v17;
	_ =	sdelay $0x1  }
0x321: {  	[tilespmem:$0x1FC70] =	vst v17  }
0x322: {  	[tilespmem:$0x1FC80] =	vst v19;
	v19 =	vld [tilespmem:$0x1FC70];
	_ =	sdelay $0x4  }
0x323: {  	v23 =	vadd.bf16 v19, v23  }
0x324: {  	v17 =	vld [tilespmem:$0x1FC50]  }
0x325: {  	[tilespmem:$0x1FC90] =	vst v23;
	v23 =	vld [tilespmem:$0x1FE90]  }
0x326: {  	s23 =	simm.s32 $0x438  }
0x327: {  	v25 =	vor.u32 s23, v20;
	_ =	sdelay $0x1  }
0x328: {  	v17 =	vmax.bf16 v17, v6  }
0x329: {  	v17 =	vmul.bf16 v23, v17  }
0x32a: {  	v19 =	vld [tilespmem:$0x1FC90]  }
0x32b: {  	v23 =	vld.idx.msk [tilespmem:v25+s11+$0x0], $0xffff;
	[tilespmem:$0x1FCA0] =	vst v17  }
0x32c: {  	v25 =	vld [tilespmem:$0x1FCA0];
	_ =	sdelay $0x1  }
0x32d: {  	s25 =	simm.s32 $0x43A  }
0x32e: {  	v21 =	vld [tilespmem:$0x1FC40];
	v17 =	vor.u32 s25, v20  }
0x32f: {  	[tilespmem:$0x1FCB0] =	vst v17;
	v17 =	vld [tilespmem:$0x1FC80]  }
0x330: {  	v25 =	vadd.bf16 v25, v19;
	v19 =	vld [tilespmem:$0x1FEA0];
	_ =	sdelay $0x3  }
0x331: {  	v17 =	vmax.bf16 v17, v6  }
0x332: {  	v22 =	vld [tilespmem:$0x1FC60];
	v19 =	vmul.bf16 v19, v17  }
0x333: {  	v21 =	vld.idx.msk [tilespmem:v21+s11+$0x0], $0xffff  }
0x334: {  	v25 =	vadd.bf16 v19, v25;
	v19 =	vld [tilespmem:$0x1FEB0];
	_ =	sdelay $0x1  }
0x335: {  	s26 =	simm.s32 $0x43B  }
0x336: {  	v17 =	vor.u32 s26, v20  }
0x337: {  	[tilespmem:$0x1FCD0] =	vst v17;
	v17 =	vmax.bf16 v21, v6  }
0x338: {  	v17 =	vmul.bf16 v19, v17;
	v19 =	vld [tilespmem:$0x1FCB0];
	_ =	sdelay $0x2  }
0x339: {  	v22 =	vld.idx.msk [tilespmem:v22+s11+$0x0], $0xffff;
	_ =	sdelay $0x4  }
0x33a: {  	[tilespmem:$0x1FCC0] =	vst v17;
	v17 =	vmax.bf16 v22, v6;
	v22 =	vld.idx.msk [tilespmem:v19+s11+$0x0], $0xffff  }
0x33b: {  	v19 =	vld [tilespmem:$0x1FCC0];
	_ =	sdelay $0x4  }
0x33c: {  	v19 =	vadd.bf16 v19, v25;
	_ =	sdelay $0x1  }
0x33d: {  	[tilespmem:$0x1FCE0] =	vst v19;
	v19 =	vld [tilespmem:$0x1FEC0]  }
0x33e: {  	s24 =	simm.s32 $0x439  }
0x33f: {  	v24 =	vor.u32 s24, v20;
	_ =	sdelay $0x2  }
0x340: {  	v17 =	vmul.bf16 v19, v17;
	v19 =	vld [tilespmem:$0x1FCD0];
	_ =	sdelay $0x1  }
0x341: {  	v21 =	vld.idx.msk [tilespmem:v24+s11+$0x0], $0xffff;
	_ =	sdelay $0x3  }
0x342: {  	[tilespmem:$0x1FCF0] =	vst v17  }
0x343: {  	[tilespmem:$0x1FD00] =	vst v21;
	v21 =	vld [tilespmem:$0x1FCF0]  }
0x344: {  	v17 =	vmax.bf16 v23, v6;
	v23 =	vld.idx.msk [tilespmem:v19+s11+$0x0], $0xffff  }
0x345: {  	v19 =	vld [tilespmem:$0x1FCE0];
	_ =	sdelay $0x4  }
0x346: {  	v19 =	vadd.bf16 v21, v19;
	_ =	sdelay $0x1  }
0x347: {  	s28 =	simm.s32 $0x43C;
	[tilespmem:$0x1FD10] =	vst v19;
	v19 =	vld [tilespmem:$0x1FED0]  }
0x348: {  	v24 =	vor.u32 s28, v20;
	_ =	sdelay $0x3  }
0x349: {  	v17 =	vmul.bf16 v19, v17  }
0x34a: {  	v21 =	vld.idx.msk [tilespmem:v24+s11+$0x0], $0xffff  }
0x34b: {  	v19 =	vld [tilespmem:$0x1FD10];
	[tilespmem:$0x1FD20] =	vst v17  }
0x34c: {  	v24 =	vld [tilespmem:$0x1FD20];
	_ =	sdelay $0x1  }
0x34d: {  	s30 =	simm.s32 $0x43E  }
0x34e: {  	v17 =	vor.u32 s30, v20  }
0x34f: {  	s29 =	simm.s32 $0x43D;
	[tilespmem:$0x1FD40] =	vst v17;
	v17 =	vld [tilespmem:$0x1FD00]  }
0x350: {  	v25 =	vor.u32 s29, v20;
	v24 =	vadd.bf16 v24, v19;
	v19 =	vld [tilespmem:$0x1FEE0];
	_ =	sdelay $0x3  }
0x351: {  	v22 =	vmax.bf16 v22, v6;
	v17 =	vmax.bf16 v17, v6  }
0x352: {  	[tilespmem:$0x1FD30] =	vst v22;
	v22 =	vld.idx.msk [tilespmem:v25+s11+$0x0], $0xffff;
	v17 =	vmul.bf16 v19, v17  }
0x353: {  	v25 =	vld [tilespmem:$0x1FD30]  }
0x354: {  	v24 =	vadd.bf16 v17, v24;
	v17 =	vld [tilespmem:$0x1FEF0];
	_ =	sdelay $0x4  }
0x355: {  	v17 =	vmul.bf16 v17, v25;
	_ =	sdelay $0x1  }
0x356: {  	v24 =	vadd.bf16 v17, v24;
	v17 =	vld [tilespmem:$0x1FD40];
	_ =	sdelay $0x7  }
0x357: {  	v25 =	vmax.bf16 v23, v6;
	v23 =	vld.idx.msk [tilespmem:v17+s11+$0x0], $0xffff  }
0x358: {  	v17 =	vld [tilespmem:$0x1FF00];
	_ =	sdelay $0x4  }
0x359: {  	v17 =	vmul.bf16 v17, v25;
	_ =	sdelay $0x1  }
0x35a: {  	v25 =	vmax.bf16 v21, v6;
	v21 =	vadd.bf16 v17, v24;
	v17 =	vld [tilespmem:$0x1FF10];
	_ =	sdelay $0x4  }
0x35b: {  	v17 =	vmul.bf16 v17, v25;
	_ =	sdelay $0x1  }
0x35c: {  	v21 =	vadd.bf16 v17, v21;
	v17 =	vld [tilespmem:$0x1FF20];
	_ =	sdelay $0x3  }
0x35d: {  	v22 =	vmax.bf16 v22, v6  }
0x35e: {  	v17 =	vmul.bf16 v17, v22;
	_ =	sdelay $0x1  }
0x35f: {  	s31 =	simm.s32 $0x43F;
	v21 =	vadd.bf16 v17, v21;
	v17 =	vld [tilespmem:$0x1FF30]  }
0x360: {  	v19 =	vor.u32 s31, v20;
	_ =	sdelay $0x2  }
0x361: {  	v22 =	vmax.bf16 v23, v6  }
0x362: {  	v17 =	vmul.bf16 v17, v22  }
0x363: {  	v19 =	vld.idx.msk [tilespmem:v19+s11+$0x0], $0xffff  }
0x364: {  	v21 =	vadd.bf16 v17, v21;
	v17 =	vld [tilespmem:$0x1FF40];
	_ =	sdelay $0x3  }
0x365: {  	v19 =	vmax.bf16 v19, v6  }
0x366: {  	v17 =	vmul.bf16 v17, v19;
	_ =	sdelay $0x1  }
0x367: {  	v17 =	vadd.bf16 v17, v21;
	_ =	sdelay $0x1  }
0x368: {  	v19 =	vunpack.i.u.bf16.f32 v17;
	v17 =	vunpack.i.l.bf16.f32 v17  }
0x369: {  	v17 =	vadd.f32 v17, v19;
	_ =	sdelay $0x1  }
0x36a: {  	v17 =	vadd.f32 v17, v18;
	_ =	sdelay $0x1  }
0x36b: {  	v17 =	vsub.f32 $0.0e+00, v17;
	_ =	sdelay $0x1  }
0x36c: {  	v17 =	vmul.f32 $1.442695020e+00, v17;
	_ =	sdelay $0x1  }
0x36d: {  	(erf) = vpow2.f32 v17;
	_ =	sdelay $0x8  }
0x36e: {  	v17 =	vpop (erf)  }
0x36f: {  	v17 =	vadd.f32 $1.000000000e+00, v17;
	_ =	sdelay $0x1  }
0x370: {  	s15 =	simm.s32 $0x83F;
	s16 =	simm.s32 $0xC3F;
	(erf) = vrcp.f32 v17  }
.LBB2_6:
0x371: {  	_ =	sdelay $0x3  }
0x372: {  	s17 =	sadd.s32 $0xFFFFFFC1, s15  }
0x373: {  	v17 =	vor.u32 s17, v20  }
0x374: {  	s21 =	sadd.s32 $0xFFFFFFC2, s15  }
0x375: {  	v18 =	vor.u32 s21, v20  }
0x376: {  	s22 =	sadd.s32 $0xFFFFFFC3, s15;
	s14 =	sadd.s32 $0x10, s14;
	v19 =	vpop (erf)  }
0x377: {  	v21 =	vor.u32 s22, v20;
	[tilespmem:s14+$0x0] =	vst v19  }
0x378: {  	s23 =	sadd.s32 $0xFFFFFFC4, s15;
	v17 =	vld.idx.msk [tilespmem:v17+s11+$0x0], $0xffff  }
0x379: {  	v19 =	vor.u32 s23, v20  }
0x37a: {  	s24 =	sadd.s32 $0xFFFFFFC5, s15;
	v18 =	vld.idx.msk [tilespmem:v18+s11+$0x0], $0xffff  }
0x37b: {  	v22 =	vor.u32 s24, v20  }
0x37c: {  	s25 =	sadd.s32 $0xFFFFFFC6, s15;
	v21 =	vld.idx.msk [tilespmem:v21+s11+$0x0], $0xffff  }
0x37d: {  	v23 =	vor.u32 s25, v20;
	v17 =	vmax.bf16 v17, v6  }
0x37e: {  	s26 =	sadd.s32 $0xFFFFFFC7, s15;
	v19 =	vld.idx.msk [tilespmem:v19+s11+$0x0], $0xffff;
	v17 =	vmul.bf16 v16, v17  }
0x37f: {  	v24 =	vor.u32 s26, v20;
	v18 =	vmax.bf16 v18, v6  }
0x380: {  	s28 =	sadd.s32 $0xFFFFFFC8, s15;
	v22 =	vld.idx.msk [tilespmem:v22+s11+$0x0], $0xffff;
	v18 =	vmul.bf16 v15, v18;
	v17 =	vadd.bf16 v6, v17  }
0x381: {  	v25 =	vor.u32 s28, v20;
	v21 =	vmax.bf16 v21, v6  }
0x382: {  	s29 =	sadd.s32 $0xFFFFFFC9, s15;
	v23 =	vld.idx.msk [tilespmem:v23+s11+$0x0], $0xffff;
	v17 =	vadd.bf16 v18, v17;
	v18 =	vmul.bf16 v14, v21  }
0x383: {  	v19 =	vmax.bf16 v19, v6;
	v21 =	vor.u32 s29, v20  }
0x384: {  	s30 =	sadd.s32 $0xFFFFFFCA, s15;
	v24 =	vld.idx.msk [tilespmem:v24+s11+$0x0], $0xffff;
	v17 =	vadd.bf16 v18, v17;
	v18 =	vmul.bf16 v13, v19  }
0x385: {  	v22 =	vmax.bf16 v22, v6;
	v19 =	vor.u32 s30, v20  }
0x386: {  	s31 =	sadd.s32 $0xFFFFFFCB, s15;
	v25 =	vld.idx.msk [tilespmem:v25+s11+$0x0], $0xffff;
	v17 =	vadd.bf16 v18, v17;
	v18 =	vmul.bf16 v12, v22  }
0x387: {  	v23 =	vmax.bf16 v23, v6;
	v22 =	vor.u32 s31, v20  }
0x388: {  	s18 =	sadd.s32 $0xFFFFFFCC, s15;
	v21 =	vld.idx.msk [tilespmem:v21+s11+$0x0], $0xffff;
	v17 =	vadd.bf16 v18, v17;
	v18 =	vmul.bf16 v11, v23  }
0x389: {  	v24 =	vmax.bf16 v24, v6;
	v23 =	vor.u32 s18, v20  }
0x38a: {  	s19 =	sadd.s32 $0xFFFFFFCD, s15;
	v19 =	vld.idx.msk [tilespmem:v19+s11+$0x0], $0xffff;
	v17 =	vadd.bf16 v18, v17;
	v18 =	vmul.bf16 v10, v24  }
0x38b: {  	v25 =	vmax.bf16 v25, v6;
	v24 =	vor.u32 s19, v20  }
0x38c: {  	s20 =	sadd.s32 $0xFFFFFFCE, s15;
	v22 =	vld.idx.msk [tilespmem:v22+s11+$0x0], $0xffff;
	v17 =	vadd.bf16 v18, v17;
	v18 =	vmul.bf16 v9, v25  }
0x38d: {  	v25 =	vor.u32 s20, v20;
	v21 =	vmax.bf16 v21, v6  }
0x38e: {  	s21 =	sadd.s32 $0xFFFFFFCF, s15;
	v23 =	vld.idx.msk [tilespmem:v23+s11+$0x0], $0xffff;
	v17 =	vadd.bf16 v18, v17;
	v18 =	vmul.bf16 v8, v21  }
0x38f: {  	v21 =	vor.u32 s21, v20;
	v19 =	vmax.bf16 v19, v6  }
0x390: {  	s22 =	sadd.s32 $0xFFFFFFD0, s15;
	v24 =	vld.idx.msk [tilespmem:v24+s11+$0x0], $0xffff;
	v17 =	vadd.bf16 v18, v17;
	v18 =	vmul.bf16 v7, v19  }
0x391: {  	v19 =	vor.u32 s22, v20;
	v22 =	vmax.bf16 v22, v6  }
0x392: {  	s23 =	sadd.s32 $0xFFFFFFD1, s15;
	v25 =	vld.idx.msk [tilespmem:v25+s11+$0x0], $0xffff;
	v17 =	vadd.bf16 v18, v17;
	v18 =	vmul.bf16 v2, v22  }
0x393: {  	v22 =	vor.u32 s23, v20;
	v23 =	vmax.bf16 v23, v6  }
0x394: {  	s24 =	sadd.s32 $0xFFFFFFD2, s15;
	v21 =	vld.idx.msk [tilespmem:v21+s11+$0x0], $0xffff;
	v17 =	vadd.bf16 v18, v17;
	v18 =	vmul.bf16 v1, v23  }
0x395: {  	v23 =	vor.u32 s24, v20;
	v24 =	vmax.bf16 v24, v6  }
0x396: {  	s25 =	sadd.s32 $0xFFFFFFD3, s15;
	v19 =	vld.idx.msk [tilespmem:v19+s11+$0x0], $0xffff;
	v17 =	vadd.bf16 v18, v17;
	v18 =	vmul.bf16 v63, v24  }
0x397: {  	v24 =	vor.u32 s25, v20;
	v25 =	vmax.bf16 v25, v6  }
0x398: {  	s26 =	sadd.s32 $0xFFFFFFD4, s15;
	v22 =	vld.idx.msk [tilespmem:v22+s11+$0x0], $0xffff;
	v17 =	vadd.bf16 v18, v17;
	v18 =	vmul.bf16 v62, v25  }
0x399: {  	v25 =	vor.u32 s26, v20;
	v21 =	vmax.bf16 v21, v6  }
0x39a: {  	s28 =	sadd.s32 $0xFFFFFFD5, s15;
	v23 =	vld.idx.msk [tilespmem:v23+s11+$0x0], $0xffff;
	v17 =	vadd.bf16 v18, v17;
	v18 =	vmul.bf16 v61, v21  }
0x39b: {  	v21 =	vor.u32 s28, v20;
	v19 =	vmax.bf16 v19, v6  }
0x39c: {  	s29 =	sadd.s32 $0xFFFFFFD6, s15;
	v24 =	vld.idx.msk [tilespmem:v24+s11+$0x0], $0xffff;
	v17 =	vadd.bf16 v18, v17;
	v18 =	vmul.bf16 v60, v19  }
0x39d: {  	v19 =	vor.u32 s29, v20;
	v22 =	vmax.bf16 v22, v6  }
0x39e: {  	s30 =	sadd.s32 $0xFFFFFFD7, s15;
	v25 =	vld.idx.msk [tilespmem:v25+s11+$0x0], $0xffff;
	v17 =	vadd.bf16 v18, v17;
	v18 =	vmul.bf16 v59, v22  }
0x39f: {  	v22 =	vor.u32 s30, v20;
	v23 =	vmax.bf16 v23, v6  }
0x3a0: {  	s31 =	sadd.s32 $0xFFFFFFD8, s15;
	v21 =	vld.idx.msk [tilespmem:v21+s11+$0x0], $0xffff;
	v17 =	vadd.bf16 v18, v17;
	v18 =	vmul.bf16 v58, v23  }
0x3a1: {  	v23 =	vor.u32 s31, v20;
	v24 =	vmax.bf16 v24, v6  }
0x3a2: {  	s18 =	sadd.s32 $0xFFFFFFD9, s15;
	v19 =	vld.idx.msk [tilespmem:v19+s11+$0x0], $0xffff;
	v17 =	vadd.bf16 v18, v17;
	v18 =	vmul.bf16 v57, v24  }
0x3a3: {  	v24 =	vor.u32 s18, v20;
	v25 =	vmax.bf16 v25, v6  }
0x3a4: {  	s19 =	sadd.s32 $0xFFFFFFDA, s15;
	v22 =	vld.idx.msk [tilespmem:v22+s11+$0x0], $0xffff;
	v17 =	vadd.bf16 v18, v17;
	v18 =	vmul.bf16 v56, v25  }
0x3a5: {  	v25 =	vor.u32 s19, v20;
	v21 =	vmax.bf16 v21, v6  }
0x3a6: {  	s20 =	sadd.s32 $0xFFFFFFDB, s15;
	v23 =	vld.idx.msk [tilespmem:v23+s11+$0x0], $0xffff;
	v17 =	vadd.bf16 v18, v17;
	v18 =	vmul.bf16 v55, v21  }
0x3a7: {  	v21 =	vor.u32 s20, v20;
	v19 =	vmax.bf16 v19, v6  }
0x3a8: {  	s21 =	sadd.s32 $0xFFFFFFDC, s15;
	v24 =	vld.idx.msk [tilespmem:v24+s11+$0x0], $0xffff;
	v17 =	vadd.bf16 v18, v17;
	v18 =	vmul.bf16 v54, v19  }
0x3a9: {  	v19 =	vor.u32 s21, v20;
	v22 =	vmax.bf16 v22, v6  }
0x3aa: {  	s22 =	sadd.s32 $0xFFFFFFDD, s15;
	v25 =	vld.idx.msk [tilespmem:v25+s11+$0x0], $0xffff;
	v17 =	vadd.bf16 v18, v17;
	v18 =	vmul.bf16 v53, v22  }
0x3ab: {  	v22 =	vor.u32 s22, v20;
	v23 =	vmax.bf16 v23, v6  }
0x3ac: {  	s23 =	sadd.s32 $0xFFFFFFDE, s15;
	v21 =	vld.idx.msk [tilespmem:v21+s11+$0x0], $0xffff;
	v17 =	vadd.bf16 v18, v17;
	v18 =	vmul.bf16 v52, v23  }
0x3ad: {  	v23 =	vor.u32 s23, v20;
	v24 =	vmax.bf16 v24, v6  }
0x3ae: {  	s24 =	sadd.s32 $0xFFFFFFDF, s15;
	v19 =	vld.idx.msk [tilespmem:v19+s11+$0x0], $0xffff;
	v17 =	vadd.bf16 v18, v17;
	v18 =	vmul.bf16 v51, v24  }
0x3af: {  	v24 =	vor.u32 s24, v20;
	v25 =	vmax.bf16 v25, v6  }
0x3b0: {  	s25 =	sadd.s32 $0xFFFFFFE0, s15;
	v22 =	vld.idx.msk [tilespmem:v22+s11+$0x0], $0xffff;
	v17 =	vadd.bf16 v18, v17;
	v18 =	vmul.bf16 v50, v25  }
0x3b1: {  	v25 =	vor.u32 s25, v20;
	v21 =	vmax.bf16 v21, v6  }
0x3b2: {  	s26 =	sadd.s32 $0xFFFFFFE1, s15;
	v23 =	vld.idx.msk [tilespmem:v23+s11+$0x0], $0xffff;
	v17 =	vadd.bf16 v18, v17;
	v18 =	vmul.bf16 v49, v21  }
0x3b3: {  	v21 =	vor.u32 s26, v20;
	v19 =	vmax.bf16 v19, v6  }
0x3b4: {  	s28 =	sadd.s32 $0xFFFFFFE2, s15;
	v24 =	vld.idx.msk [tilespmem:v24+s11+$0x0], $0xffff;
	v17 =	vadd.bf16 v18, v17;
	v18 =	vmul.bf16 v48, v19  }
0x3b5: {  	v19 =	vor.u32 s28, v20;
	v22 =	vmax.bf16 v22, v6  }
0x3b6: {  	s29 =	sadd.s32 $0xFFFFFFE3, s15;
	v25 =	vld.idx.msk [tilespmem:v25+s11+$0x0], $0xffff;
	v17 =	vadd.bf16 v18, v17;
	v18 =	vmul.bf16 v47, v22  }
0x3b7: {  	v22 =	vor.u32 s29, v20;
	v23 =	vmax.bf16 v23, v6  }
0x3b8: {  	s30 =	sadd.s32 $0xFFFFFFE4, s15;
	v21 =	vld.idx.msk [tilespmem:v21+s11+$0x0], $0xffff;
	v17 =	vadd.bf16 v18, v17;
	v18 =	vmul.bf16 v46, v23  }
0x3b9: {  	v23 =	vor.u32 s30, v20;
	v24 =	vmax.bf16 v24, v6  }
0x3ba: {  	s31 =	sadd.s32 $0xFFFFFFE5, s15;
	v19 =	vld.idx.msk [tilespmem:v19+s11+$0x0], $0xffff;
	v17 =	vadd.bf16 v18, v17;
	v18 =	vmul.bf16 v45, v24  }
0x3bb: {  	v24 =	vor.u32 s31, v20;
	v25 =	vmax.bf16 v25, v6  }
0x3bc: {  	s18 =	sadd.s32 $0xFFFFFFE6, s15;
	v22 =	vld.idx.msk [tilespmem:v22+s11+$0x0], $0xffff;
	v17 =	vadd.bf16 v18, v17;
	v18 =	vmul.bf16 v44, v25  }
0x3bd: {  	v25 =	vor.u32 s18, v20;
	v21 =	vmax.bf16 v21, v6  }
0x3be: {  	s19 =	sadd.s32 $0xFFFFFFE7, s15;
	v23 =	vld.idx.msk [tilespmem:v23+s11+$0x0], $0xffff;
	v17 =	vadd.bf16 v18, v17;
	v18 =	vmul.bf16 v43, v21  }
0x3bf: {  	v21 =	vor.u32 s19, v20;
	v19 =	vmax.bf16 v19, v6  }
0x3c0: {  	s20 =	sadd.s32 $0xFFFFFFE8, s15;
	v24 =	vld.idx.msk [tilespmem:v24+s11+$0x0], $0xffff;
	v17 =	vadd.bf16 v18, v17;
	v18 =	vmul.bf16 v42, v19  }
0x3c1: {  	v19 =	vor.u32 s20, v20;
	v22 =	vmax.bf16 v22, v6  }
0x3c2: {  	s21 =	sadd.s32 $0xFFFFFFE9, s15;
	v25 =	vld.idx.msk [tilespmem:v25+s11+$0x0], $0xffff;
	v17 =	vadd.bf16 v18, v17;
	v18 =	vmul.bf16 v41, v22  }
0x3c3: {  	v22 =	vor.u32 s21, v20;
	v23 =	vmax.bf16 v23, v6  }
0x3c4: {  	s22 =	sadd.s32 $0xFFFFFFEA, s15;
	v21 =	vld.idx.msk [tilespmem:v21+s11+$0x0], $0xffff;
	v17 =	vadd.bf16 v18, v17;
	v18 =	vmul.bf16 v40, v23  }
0x3c5: {  	v23 =	vor.u32 s22, v20;
	v24 =	vmax.bf16 v24, v6  }
0x3c6: {  	s23 =	sadd.s32 $0xFFFFFFEB, s15;
	v19 =	vld.idx.msk [tilespmem:v19+s11+$0x0], $0xffff;
	v17 =	vadd.bf16 v18, v17;
	v18 =	vmul.bf16 v39, v24  }
0x3c7: {  	v24 =	vor.u32 s23, v20;
	v25 =	vmax.bf16 v25, v6  }
0x3c8: {  	s24 =	sadd.s32 $0xFFFFFFEC, s15;
	v22 =	vld.idx.msk [tilespmem:v22+s11+$0x0], $0xffff;
	v17 =	vadd.bf16 v18, v17;
	v18 =	vmul.bf16 v38, v25  }
0x3c9: {  	v25 =	vor.u32 s24, v20;
	v21 =	vmax.bf16 v21, v6  }
0x3ca: {  	s25 =	sadd.s32 $0xFFFFFFED, s15;
	v23 =	vld.idx.msk [tilespmem:v23+s11+$0x0], $0xffff;
	v17 =	vadd.bf16 v18, v17;
	v18 =	vmul.bf16 v37, v21  }
0x3cb: {  	v21 =	vor.u32 s25, v20;
	v19 =	vmax.bf16 v19, v6  }
0x3cc: {  	s26 =	sadd.s32 $0xFFFFFFEE, s15;
	v24 =	vld.idx.msk [tilespmem:v24+s11+$0x0], $0xffff;
	v17 =	vadd.bf16 v18, v17;
	v18 =	vmul.bf16 v36, v19  }
0x3cd: {  	v19 =	vor.u32 s26, v20;
	v22 =	vmax.bf16 v22, v6  }
0x3ce: {  	s28 =	sadd.s32 $0xFFFFFFEF, s15;
	v25 =	vld.idx.msk [tilespmem:v25+s11+$0x0], $0xffff;
	v17 =	vadd.bf16 v18, v17;
	v18 =	vmul.bf16 v35, v22  }
0x3cf: {  	v22 =	vor.u32 s28, v20;
	v23 =	vmax.bf16 v23, v6  }
0x3d0: {  	s29 =	sadd.s32 $0xFFFFFFF0, s15;
	v21 =	vld.idx.msk [tilespmem:v21+s11+$0x0], $0xffff;
	v17 =	vadd.bf16 v18, v17;
	v18 =	vmul.bf16 v34, v23  }
0x3d1: {  	v23 =	vor.u32 s29, v20;
	v24 =	vmax.bf16 v24, v6  }
0x3d2: {  	s30 =	sadd.s32 $0xFFFFFFF1, s15;
	v19 =	vld.idx.msk [tilespmem:v19+s11+$0x0], $0xffff;
	v17 =	vadd.bf16 v18, v17;
	v18 =	vmul.bf16 v33, v24  }
0x3d3: {  	v24 =	vor.u32 s30, v20;
	v25 =	vmax.bf16 v25, v6  }
0x3d4: {  	s31 =	sadd.s32 $0xFFFFFFF2, s15;
	v22 =	vld.idx.msk [tilespmem:v22+s11+$0x0], $0xffff;
	v17 =	vadd.bf16 v18, v17;
	v18 =	vmul.bf16 v32, v25  }
0x3d5: {  	v25 =	vor.u32 s31, v20;
	v21 =	vmax.bf16 v21, v6  }
0x3d6: {  	v23 =	vld.idx.msk [tilespmem:v23+s11+$0x0], $0xffff;
	v17 =	vadd.bf16 v18, v17;
	v18 =	vmul.bf16 v31, v21  }
0x3d7: {  	v19 =	vmax.bf16 v19, v6  }
0x3d8: {  	v24 =	vld.idx.msk [tilespmem:v24+s11+$0x0], $0xffff;
	v17 =	vadd.bf16 v18, v17;
	v18 =	vmul.bf16 v30, v19  }
0x3d9: {  	v22 =	vmax.bf16 v22, v6  }
0x3da: {  	v25 =	vld.idx.msk [tilespmem:v25+s11+$0x0], $0xffff;
	v17 =	vadd.bf16 v18, v17;
	v18 =	vmul.bf16 v29, v22  }
0x3db: {  	s18 =	sadd.s32 $0xFFFFFFF3, s15;
	v23 =	vmax.bf16 v23, v6  }
0x3dc: {  	v21 =	vor.u32 s18, v20;
	v17 =	vadd.bf16 v18, v17;
	v18 =	vmul.bf16 v27, v23  }
0x3dd: {  	v24 =	vmax.bf16 v24, v6  }
0x3de: {  	v17 =	vadd.bf16 v18, v17;
	v18 =	vmul.bf16 v28, v24  }
0x3df: {  	v25 =	vmax.bf16 v25, v6  }
0x3e0: {  	v17 =	vadd.bf16 v18, v17;
	v18 =	vmul.bf16 v26, v25  }
0x3e1: {  	v21 =	vld.idx.msk [tilespmem:v21+s11+$0x0], $0xffff  }
0x3e2: {  	s19 =	sadd.s32 $0xFFFFFFF4, s15;
	v17 =	vadd.bf16 v18, v17;
	v18 =	vld [tilespmem:$0x1FE70]  }
0x3e3: {  	v19 =	vor.u32 s19, v20;
	_ =	sdelay $0x2  }
0x3e4: {  	v21 =	vmax.bf16 v21, v6  }
0x3e5: {  	v18 =	vmul.bf16 v18, v21  }
0x3e6: {  	v19 =	vld.idx.msk [tilespmem:v19+s11+$0x0], $0xffff  }
0x3e7: {  	s20 =	sadd.s32 $0xFFFFFFF5, s15;
	v17 =	vadd.bf16 v18, v17;
	v18 =	vld [tilespmem:$0x1FE80]  }
0x3e8: {  	v22 =	vor.u32 s20, v20;
	_ =	sdelay $0x2  }
0x3e9: {  	v19 =	vmax.bf16 v19, v6  }
0x3ea: {  	v18 =	vmul.bf16 v18, v19  }
0x3eb: {  	v22 =	vld.idx.msk [tilespmem:v22+s11+$0x0], $0xffff  }
0x3ec: {  	s21 =	sadd.s32 $0xFFFFFFF6, s15;
	v17 =	vadd.bf16 v18, v17;
	v18 =	vld [tilespmem:$0x1FE90]  }
0x3ed: {  	v23 =	vor.u32 s21, v20;
	_ =	sdelay $0x2  }
0x3ee: {  	v22 =	vmax.bf16 v22, v6  }
0x3ef: {  	v18 =	vmul.bf16 v18, v22  }
0x3f0: {  	v23 =	vld.idx.msk [tilespmem:v23+s11+$0x0], $0xffff  }
0x3f1: {  	s22 =	sadd.s32 $0xFFFFFFF7, s15;
	v17 =	vadd.bf16 v18, v17;
	v18 =	vld [tilespmem:$0x1FEA0]  }
0x3f2: {  	v24 =	vor.u32 s22, v20;
	_ =	sdelay $0x2  }
0x3f3: {  	v23 =	vmax.bf16 v23, v6  }
0x3f4: {  	v18 =	vmul.bf16 v18, v23  }
0x3f5: {  	v24 =	vld.idx.msk [tilespmem:v24+s11+$0x0], $0xffff  }
0x3f6: {  	s23 =	sadd.s32 $0xFFFFFFF8, s15;
	v17 =	vadd.bf16 v18, v17;
	v18 =	vld [tilespmem:$0x1FEB0]  }
0x3f7: {  	v25 =	vor.u32 s23, v20;
	_ =	sdelay $0x2  }
0x3f8: {  	v24 =	vmax.bf16 v24, v6  }
0x3f9: {  	v18 =	vmul.bf16 v18, v24  }
0x3fa: {  	v25 =	vld.idx.msk [tilespmem:v25+s11+$0x0], $0xffff  }
0x3fb: {  	s24 =	sadd.s32 $0xFFFFFFF9, s15;
	v17 =	vadd.bf16 v18, v17;
	v18 =	vld [tilespmem:$0x1FEC0]  }
0x3fc: {  	v21 =	vor.u32 s24, v20;
	_ =	sdelay $0x2  }
0x3fd: {  	v25 =	vmax.bf16 v25, v6  }
0x3fe: {  	v18 =	vmul.bf16 v18, v25  }
0x3ff: {  	v21 =	vld.idx.msk [tilespmem:v21+s11+$0x0], $0xffff  }
0x400: {  	s25 =	sadd.s32 $0xFFFFFFFA, s15;
	v17 =	vadd.bf16 v18, v17;
	v18 =	vld [tilespmem:$0x1FED0]  }
0x401: {  	v19 =	vor.u32 s25, v20;
	_ =	sdelay $0x2  }
0x402: {  	v21 =	vmax.bf16 v21, v6  }
0x403: {  	v18 =	vmul.bf16 v18, v21  }
0x404: {  	v19 =	vld.idx.msk [tilespmem:v19+s11+$0x0], $0xffff  }
0x405: {  	s26 =	sadd.s32 $0xFFFFFFFB, s15;
	v17 =	vadd.bf16 v18, v17;
	v18 =	vld [tilespmem:$0x1FEE0]  }
0x406: {  	v22 =	vor.u32 s26, v20;
	_ =	sdelay $0x2  }
0x407: {  	v19 =	vmax.bf16 v19, v6  }
0x408: {  	v18 =	vmul.bf16 v18, v19  }
0x409: {  	v22 =	vld.idx.msk [tilespmem:v22+s11+$0x0], $0xffff  }
0x40a: {  	s28 =	sadd.s32 $0xFFFFFFFC, s15;
	v17 =	vadd.bf16 v18, v17;
	v18 =	vld [tilespmem:$0x1FEF0]  }
0x40b: {  	v23 =	vor.u32 s28, v20;
	_ =	sdelay $0x2  }
0x40c: {  	v22 =	vmax.bf16 v22, v6  }
0x40d: {  	v18 =	vmul.bf16 v18, v22  }
0x40e: {  	v23 =	vld.idx.msk [tilespmem:v23+s11+$0x0], $0xffff  }
0x40f: {  	s29 =	sadd.s32 $0xFFFFFFFD, s15;
	v17 =	vadd.bf16 v18, v17;
	v18 =	vld [tilespmem:$0x1FF00]  }
0x410: {  	v24 =	vor.u32 s29, v20;
	_ =	sdelay $0x2  }
0x411: {  	v22 =	vmax.bf16 v23, v6  }
0x412: {  	v18 =	vmul.bf16 v18, v22  }
0x413: {  	v24 =	vld.idx.msk [tilespmem:v24+s11+$0x0], $0xffff  }
0x414: {  	s30 =	sadd.s32 $0xFFFFFFFE, s15;
	v17 =	vadd.bf16 v18, v17;
	v18 =	vld [tilespmem:$0x1FF10]  }
0x415: {  	v25 =	vor.u32 s30, v20;
	_ =	sdelay $0x2  }
0x416: {  	v22 =	vmax.bf16 v24, v6  }
0x417: {  	v18 =	vmul.bf16 v18, v22  }
0x418: {  	v25 =	vld.idx.msk [tilespmem:v25+s11+$0x0], $0xffff  }
0x419: {  	s31 =	sadd.s32 $0xFFFFFFFF, s15;
	v17 =	vadd.bf16 v18, v17;
	v18 =	vld [tilespmem:$0x1FF20]  }
0x41a: {  	v21 =	vor.u32 s31, v20;
	_ =	sdelay $0x2  }
0x41b: {  	v22 =	vmax.bf16 v25, v6  }
0x41c: {  	v18 =	vmul.bf16 v18, v22  }
0x41d: {  	v21 =	vld.idx.msk [tilespmem:v21+s11+$0x0], $0xffff  }
0x41e: {  	v17 =	vadd.bf16 v18, v17;
	v18 =	vld [tilespmem:$0x1FF30]  }
0x41f: {  	v19 =	vor.u32 s15, v20;
	_ =	sdelay $0x2  }
0x420: {  	v21 =	vmax.bf16 v21, v6  }
0x421: {  	v18 =	vmul.bf16 v18, v21  }
0x422: {  	v19 =	vld.idx.msk [tilespmem:v19+s11+$0x0], $0xffff  }
0x423: {  	v17 =	vadd.bf16 v18, v17;
	v18 =	vld [tilespmem:$0x1FF40];
	_ =	sdelay $0x3  }
0x424: {  	v19 =	vmax.bf16 v19, v6  }
0x425: {  	v18 =	vmul.bf16 v18, v19;
	_ =	sdelay $0x1  }
0x426: {  	v17 =	vadd.bf16 v18, v17;
	_ =	sdelay $0x1  }
0x427: {  	v18 =	vunpack.i.u.bf16.f32 v17;
	v17 =	vunpack.i.l.bf16.f32 v17  }
0x428: {  	v17 =	vadd.f32 v17, v18;
	v18 =	vld [tilespmem:$0x1FE60];
	_ =	sdelay $0x4  }
0x429: {  	v17 =	vadd.f32 v17, v18;
	_ =	sdelay $0x1  }
0x42a: {  	v17 =	vsub.f32 $0.0e+00, v17;
	_ =	sdelay $0x1  }
0x42b: {  	v17 =	vmul.f32 $1.442695020e+00, v17;
	_ =	sdelay $0x1  }
0x42c: {  	(erf) = vpow2.f32 v17;
	_ =	sdelay $0x6  }
0x42d: {  	p0 =	sne.s32 s16, $0x7C3F  }
.Ltmp2:
0x42e: {  	_ = 	snop;
	(pc) =	sbr.rel @p0 .LBB2_6-.Ltmp2, $3  }
0x42f: {  	v17 =	vpop (erf)  }
0x430: {  	v17 =	vadd.f32 $1.000000000e+00, v17;
	_ =	sdelay $0x1  }
0x431: {  	s15 =	smov.u32 s16;
	s16 =	sadd.s32 $0x400, s16;
	(erf) = vrcp.f32 v17  }
0x432: {  	_ =	sdelay $0x3  }
0x433: {  	s16 =	sadd.s32 $0xFFFFFFC1, s15  }
0x434: {  	v17 =	vor.u32 s16, v20  }
0x435: {  	s25 =	sadd.s32 $0xFFFFFFC2, s15  }
0x436: {  	v18 =	vor.u32 s25, v20  }
0x437: {  	s26 =	sadd.s32 $0xFFFFFFC3, s15;
	s14 =	sadd.s32 $0x10, s14;
	v19 =	vpop (erf)  }
0x438: {  	v24 =	vor.u32 s26, v20;
	[tilespmem:s14+$0x0] =	vst v19  }
0x439: {  	s28 =	sadd.s32 $0xFFFFFFC4, s15;
	v17 =	vld.idx.msk [tilespmem:v17+s11+$0x0], $0xffff  }
0x43a: {  	v21 =	vor.u32 s28, v20  }
0x43b: {  	s29 =	sadd.s32 $0xFFFFFFC5, s15;
	v18 =	vld.idx.msk [tilespmem:v18+s11+$0x0], $0xffff  }
0x43c: {  	v22 =	vor.u32 s29, v20  }
0x43d: {  	s30 =	sadd.s32 $0xFFFFFFC6, s15;
	v19 =	vld.idx.msk [tilespmem:v24+s11+$0x0], $0xffff  }
0x43e: {  	v23 =	vor.u32 s30, v20;
	v17 =	vmax.bf16 v17, v6  }
0x43f: {  	s31 =	sadd.s32 $0xFFFFFFC7, s15;
	v25 =	vld.idx.msk [tilespmem:v21+s11+$0x0], $0xffff;
	v16 =	vmul.bf16 v16, v17  }
0x440: {  	v21 =	vor.u32 s31, v20;
	v18 =	vmax.bf16 v18, v6  }
0x441: {  	s17 =	sadd.s32 $0xFFFFFFC8, s15;
	v15 =	vmul.bf16 v15, v18;
	v18 =	vld.idx.msk [tilespmem:v22+s11+$0x0], $0xffff;
	v16 =	vadd.bf16 v6, v16  }
0x442: {  	v19 =	vmax.bf16 v19, v6;
	v22 =	vor.u32 s17, v20  }
0x443: {  	s18 =	sadd.s32 $0xFFFFFFC9, s15;
	v24 =	vld.idx.msk [tilespmem:v23+s11+$0x0], $0xffff;
	v14 =	vmul.bf16 v14, v19;
	v15 =	vadd.bf16 v15, v16  }
0x444: {  	v17 =	vmax.bf16 v25, v6;
	v25 =	vor.u32 s18, v20  }
0x445: {  	s19 =	sadd.s32 $0xFFFFFFCA, s15;
	v13 =	vmul.bf16 v13, v17;
	v14 =	vadd.bf16 v14, v15;
	v15 =	vld.idx.msk [tilespmem:v21+s11+$0x0], $0xffff  }
0x446: {  	v21 =	vmax.bf16 v18, v6;
	v18 =	vor.u32 s19, v20  }
0x447: {  	s20 =	sadd.s32 $0xFFFFFFCB, s15;
	v23 =	vld.idx.msk [tilespmem:v22+s11+$0x0], $0xffff;
	v12 =	vmul.bf16 v12, v21;
	v13 =	vadd.bf16 v13, v14  }
0x448: {  	v16 =	vmax.bf16 v24, v6;
	v24 =	vor.u32 s20, v20  }
0x449: {  	s21 =	sadd.s32 $0xFFFFFFCC, s15;
	v11 =	vmul.bf16 v11, v16;
	v25 =	vld.idx.msk [tilespmem:v25+s11+$0x0], $0xffff;
	v12 =	vadd.bf16 v12, v13  }
0x44a: {  	v21 =	vor.u32 s21, v20;
	v15 =	vmax.bf16 v15, v6  }
0x44b: {  	s22 =	sadd.s32 $0xFFFFFFCD, s15;
	v22 =	vld.idx.msk [tilespmem:v18+s11+$0x0], $0xffff;
	v11 =	vadd.bf16 v11, v12;
	v10 =	vmul.bf16 v10, v15  }
0x44c: {  	v14 =	vmax.bf16 v23, v6;
	v23 =	vor.u32 s22, v20  }
0x44d: {  	s23 =	sadd.s32 $0xFFFFFFCE, s15;
	v24 =	vld.idx.msk [tilespmem:v24+s11+$0x0], $0xffff;
	v9 =	vmul.bf16 v9, v14;
	v10 =	vadd.bf16 v10, v11  }
0x44e: {  	v13 =	vmax.bf16 v25, v6;
	v25 =	vor.u32 s23, v20  }
0x44f: {  	s24 =	sadd.s32 $0xFFFFFFCF, s15;
	v8 =	vmul.bf16 v8, v13;
	v16 =	vld.idx.msk [tilespmem:v21+s11+$0x0], $0xffff;
	v9 =	vadd.bf16 v9, v10  }
0x450: {  	v17 =	vor.u32 s24, v20;
	v12 =	vmax.bf16 v22, v6  }
0x451: {  	s25 =	sadd.s32 $0xFFFFFFD0, s15;
	v18 =	vld.idx.msk [tilespmem:v23+s11+$0x0], $0xffff;
	v7 =	vmul.bf16 v7, v12;
	v8 =	vadd.bf16 v8, v9  }
0x452: {  	v19 =	vor.u32 s25, v20;
	v11 =	vmax.bf16 v24, v6  }
0x453: {  	s26 =	sadd.s32 $0xFFFFFFD1, s15;
	v2 =	vmul.bf16 v2, v11;
	v7 =	vadd.bf16 v7, v8;
	v8 =	vld.idx.msk [tilespmem:v25+s11+$0x0], $0xffff  }
0x454: {  	v21 =	vor.u32 s26, v20;
	v10 =	vmax.bf16 v16, v6  }
0x455: {  	s28 =	sadd.s32 $0xFFFFFFD2, s15;
	v1 =	vmul.bf16 v1, v10;
	v2 =	vadd.bf16 v2, v7;
	v7 =	vld.idx.msk [tilespmem:v17+s11+$0x0], $0xffff  }
0x456: {  	v22 =	vor.u32 s28, v20;
	v9 =	vmax.bf16 v18, v6  }
0x457: {  	s29 =	sadd.s32 $0xFFFFFFD3, s15;
	v9 =	vmul.bf16 v63, v9;
	v1 =	vadd.bf16 v1, v2;
	v2 =	vld.idx.msk [tilespmem:v19+s11+$0x0], $0xffff  }
0x458: {  	v23 =	vor.u32 s29, v20;
	v8 =	vmax.bf16 v8, v6  }
0x459: {  	s30 =	sadd.s32 $0xFFFFFFD4, s15;
	v24 =	vld.idx.msk [tilespmem:v21+s11+$0x0], $0xffff;
	v1 =	vadd.bf16 v9, v1;
	v8 =	vmul.bf16 v62, v8  }
0x45a: {  	v25 =	vor.u32 s30, v20;
	v7 =	vmax.bf16 v7, v6  }
0x45b: {  	s31 =	sadd.s32 $0xFFFFFFD5, s15;
	v1 =	vadd.bf16 v8, v1;
	v8 =	vld.idx.msk [tilespmem:v22+s11+$0x0], $0xffff;
	v7 =	vmul.bf16 v61, v7  }
0x45c: {  	v61 =	vor.u32 s31, v20;
	v2 =	vmax.bf16 v2, v6  }
0x45d: {  	s17 =	sadd.s32 $0xFFFFFFD6, s15;
	v1 =	vadd.bf16 v7, v1;
	v7 =	vld.idx.msk [tilespmem:v23+s11+$0x0], $0xffff;
	v2 =	vmul.bf16 v60, v2  }
0x45e: {  	v62 =	vor.u32 s17, v20;
	v9 =	vmax.bf16 v24, v6  }
0x45f: {  	s18 =	sadd.s32 $0xFFFFFFD7, s15;
	v9 =	vmul.bf16 v59, v9;
	v1 =	vadd.bf16 v2, v1;
	v2 =	vld.idx.msk [tilespmem:v25+s11+$0x0], $0xffff  }
0x460: {  	v63 =	vor.u32 s18, v20;
	v8 =	vmax.bf16 v8, v6  }
0x461: {  	s19 =	sadd.s32 $0xFFFFFFD8, s15;
	v16 =	vld.idx.msk [tilespmem:v61+s11+$0x0], $0xffff;
	v1 =	vadd.bf16 v9, v1;
	v8 =	vmul.bf16 v58, v8  }
0x462: {  	v17 =	vor.u32 s19, v20;
	v7 =	vmax.bf16 v7, v6  }
0x463: {  	s20 =	sadd.s32 $0xFFFFFFD9, s15;
	v1 =	vadd.bf16 v8, v1;
	v8 =	vld.idx.msk [tilespmem:v62+s11+$0x0], $0xffff;
	v7 =	vmul.bf16 v57, v7  }
0x464: {  	v18 =	vor.u32 s20, v20;
	v2 =	vmax.bf16 v2, v6  }
0x465: {  	s21 =	sadd.s32 $0xFFFFFFDA, s15;
	v1 =	vadd.bf16 v7, v1;
	v7 =	vld.idx.msk [tilespmem:v63+s11+$0x0], $0xffff;
	v2 =	vmul.bf16 v56, v2  }
0x466: {  	v19 =	vor.u32 s21, v20;
	v9 =	vmax.bf16 v16, v6  }
0x467: {  	s22 =	sadd.s32 $0xFFFFFFDB, s15;
	v9 =	vmul.bf16 v55, v9;
	v1 =	vadd.bf16 v2, v1;
	v2 =	vld.idx.msk [tilespmem:v17+s11+$0x0], $0xffff  }
0x468: {  	v21 =	vor.u32 s22, v20;
	v8 =	vmax.bf16 v8, v6  }
0x469: {  	s23 =	sadd.s32 $0xFFFFFFDC, s15;
	v22 =	vld.idx.msk [tilespmem:v18+s11+$0x0], $0xffff;
	v1 =	vadd.bf16 v9, v1;
	v8 =	vmul.bf16 v54, v8  }
0x46a: {  	v23 =	vor.u32 s23, v20;
	v7 =	vmax.bf16 v7, v6  }
0x46b: {  	s24 =	sadd.s32 $0xFFFFFFDD, s15;
	v1 =	vadd.bf16 v8, v1;
	v8 =	vld.idx.msk [tilespmem:v19+s11+$0x0], $0xffff;
	v7 =	vmul.bf16 v53, v7  }
0x46c: {  	v24 =	vor.u32 s24, v20;
	v2 =	vmax.bf16 v2, v6  }
0x46d: {  	s25 =	sadd.s32 $0xFFFFFFDE, s15;
	v1 =	vadd.bf16 v7, v1;
	v7 =	vld.idx.msk [tilespmem:v21+s11+$0x0], $0xffff;
	v2 =	vmul.bf16 v52, v2  }
0x46e: {  	v25 =	vor.u32 s25, v20;
	v9 =	vmax.bf16 v22, v6  }
0x46f: {  	s26 =	sadd.s32 $0xFFFFFFDF, s15;
	v9 =	vmul.bf16 v51, v9;
	v1 =	vadd.bf16 v2, v1;
	v2 =	vld.idx.msk [tilespmem:v23+s11+$0x0], $0xffff  }
0x470: {  	v51 =	vor.u32 s26, v20;
	v8 =	vmax.bf16 v8, v6  }
0x471: {  	s28 =	sadd.s32 $0xFFFFFFE0, s15;
	v52 =	vld.idx.msk [tilespmem:v24+s11+$0x0], $0xffff;
	v1 =	vadd.bf16 v9, v1;
	v8 =	vmul.bf16 v50, v8  }
0x472: {  	v53 =	vor.u32 s28, v20;
	v7 =	vmax.bf16 v7, v6  }
0x473: {  	s29 =	sadd.s32 $0xFFFFFFE1, s15;
	v1 =	vadd.bf16 v8, v1;
	v8 =	vld.idx.msk [tilespmem:v25+s11+$0x0], $0xffff;
	v7 =	vmul.bf16 v49, v7  }
0x474: {  	v54 =	vor.u32 s29, v20;
	v2 =	vmax.bf16 v2, v6  }
0x475: {  	s30 =	sadd.s32 $0xFFFFFFE2, s15;
	v1 =	vadd.bf16 v7, v1;
	v7 =	vld.idx.msk [tilespmem:v51+s11+$0x0], $0xffff;
	v2 =	vmul.bf16 v48, v2  }
0x476: {  	v55 =	vor.u32 s30, v20;
	v9 =	vmax.bf16 v52, v6  }
0x477: {  	s31 =	sadd.s32 $0xFFFFFFE3, s15;
	v9 =	vmul.bf16 v47, v9;
	v1 =	vadd.bf16 v2, v1;
	v2 =	vld.idx.msk [tilespmem:v53+s11+$0x0], $0xffff  }
0x478: {  	v56 =	vor.u32 s31, v20;
	v8 =	vmax.bf16 v8, v6  }
0x479: {  	s17 =	sadd.s32 $0xFFFFFFE4, s15;
	v57 =	vld.idx.msk [tilespmem:v54+s11+$0x0], $0xffff;
	v1 =	vadd.bf16 v9, v1;
	v8 =	vmul.bf16 v46, v8  }
0x47a: {  	v58 =	vor.u32 s17, v20;
	v7 =	vmax.bf16 v7, v6  }
0x47b: {  	s18 =	sadd.s32 $0xFFFFFFE5, s15;
	v1 =	vadd.bf16 v8, v1;
	v8 =	vld.idx.msk [tilespmem:v55+s11+$0x0], $0xffff;
	v7 =	vmul.bf16 v45, v7  }
0x47c: {  	v59 =	vor.u32 s18, v20;
	v2 =	vmax.bf16 v2, v6  }
0x47d: {  	s19 =	sadd.s32 $0xFFFFFFE6, s15;
	v1 =	vadd.bf16 v7, v1;
	v7 =	vld.idx.msk [tilespmem:v56+s11+$0x0], $0xffff;
	v2 =	vmul.bf16 v44, v2  }
0x47e: {  	v60 =	vor.u32 s19, v20;
	v9 =	vmax.bf16 v57, v6  }
0x47f: {  	s20 =	sadd.s32 $0xFFFFFFE7, s15;
	v9 =	vmul.bf16 v43, v9;
	v1 =	vadd.bf16 v2, v1;
	v2 =	vld.idx.msk [tilespmem:v58+s11+$0x0], $0xffff  }
0x480: {  	v61 =	vor.u32 s20, v20;
	v8 =	vmax.bf16 v8, v6  }
0x481: {  	s21 =	sadd.s32 $0xFFFFFFE8, s15;
	v62 =	vld.idx.msk [tilespmem:v59+s11+$0x0], $0xffff;
	v1 =	vadd.bf16 v9, v1;
	v8 =	vmul.bf16 v42, v8  }
0x482: {  	v63 =	vor.u32 s21, v20;
	v7 =	vmax.bf16 v7, v6  }
0x483: {  	s22 =	sadd.s32 $0xFFFFFFE9, s15;
	v1 =	vadd.bf16 v8, v1;
	v8 =	vld.idx.msk [tilespmem:v60+s11+$0x0], $0xffff;
	v7 =	vmul.bf16 v41, v7  }
0x484: {  	v16 =	vor.u32 s22, v20;
	v2 =	vmax.bf16 v2, v6  }
0x485: {  	s23 =	sadd.s32 $0xFFFFFFEA, s15;
	v1 =	vadd.bf16 v7, v1;
	v7 =	vld.idx.msk [tilespmem:v61+s11+$0x0], $0xffff;
	v2 =	vmul.bf16 v40, v2  }
0x486: {  	v17 =	vor.u32 s23, v20;
	v9 =	vmax.bf16 v62, v6  }
0x487: {  	s24 =	sadd.s32 $0xFFFFFFEB, s15;
	v9 =	vmul.bf16 v39, v9;
	v1 =	vadd.bf16 v2, v1;
	v2 =	vld.idx.msk [tilespmem:v63+s11+$0x0], $0xffff  }
0x488: {  	v18 =	vor.u32 s24, v20;
	v8 =	vmax.bf16 v8, v6  }
0x489: {  	s25 =	sadd.s32 $0xFFFFFFEC, s15;
	v19 =	vld.idx.msk [tilespmem:v16+s11+$0x0], $0xffff;
	v1 =	vadd.bf16 v9, v1;
	v8 =	vmul.bf16 v38, v8  }
0x48a: {  	v21 =	vor.u32 s25, v20;
	v7 =	vmax.bf16 v7, v6  }
0x48b: {  	s26 =	sadd.s32 $0xFFFFFFED, s15;
	v1 =	vadd.bf16 v8, v1;
	v8 =	vld.idx.msk [tilespmem:v17+s11+$0x0], $0xffff;
	v7 =	vmul.bf16 v37, v7  }
0x48c: {  	v22 =	vor.u32 s26, v20;
	v2 =	vmax.bf16 v2, v6  }
0x48d: {  	s28 =	sadd.s32 $0xFFFFFFEE, s15;
	v1 =	vadd.bf16 v7, v1;
	v7 =	vld.idx.msk [tilespmem:v18+s11+$0x0], $0xffff;
	v2 =	vmul.bf16 v36, v2  }
0x48e: {  	v23 =	vor.u32 s28, v20;
	v9 =	vmax.bf16 v19, v6  }
0x48f: {  	s29 =	sadd.s32 $0xFFFFFFEF, s15;
	v9 =	vmul.bf16 v35, v9;
	v1 =	vadd.bf16 v2, v1;
	v2 =	vld.idx.msk [tilespmem:v21+s11+$0x0], $0xffff  }
0x490: {  	v24 =	vor.u32 s29, v20;
	v8 =	vmax.bf16 v8, v6  }
0x491: {  	s30 =	sadd.s32 $0xFFFFFFF0, s15;
	v25 =	vld.idx.msk [tilespmem:v22+s11+$0x0], $0xffff;
	v1 =	vadd.bf16 v9, v1;
	v8 =	vmul.bf16 v34, v8  }
0x492: {  	v34 =	vor.u32 s30, v20;
	v7 =	vmax.bf16 v7, v6  }
0x493: {  	s31 =	sadd.s32 $0xFFFFFFF1, s15;
	v1 =	vadd.bf16 v8, v1;
	v8 =	vld.idx.msk [tilespmem:v23+s11+$0x0], $0xffff;
	v7 =	vmul.bf16 v33, v7  }
0x494: {  	v35 =	vor.u32 s31, v20;
	v2 =	vmax.bf16 v2, v6  }
0x495: {  	s17 =	sadd.s32 $0xFFFFFFF2, s15;
	v1 =	vadd.bf16 v7, v1;
	v7 =	vld.idx.msk [tilespmem:v24+s11+$0x0], $0xffff;
	v2 =	vmul.bf16 v32, v2  }
0x496: {  	v36 =	vor.u32 s17, v20;
	v9 =	vmax.bf16 v25, v6  }
0x497: {  	s18 =	sadd.s32 $0xFFFFFFF3, s15;
	v9 =	vmul.bf16 v31, v9;
	v1 =	vadd.bf16 v2, v1;
	v2 =	vld.idx.msk [tilespmem:v34+s11+$0x0], $0xffff  }
0x498: {  	v37 =	vor.u32 s18, v20;
	v8 =	vmax.bf16 v8, v6  }
0x499: {  	s19 =	sadd.s32 $0xFFFFFFF4, s15;
	v38 =	vld.idx.msk [tilespmem:v35+s11+$0x0], $0xffff;
	v1 =	vadd.bf16 v9, v1;
	v8 =	vmul.bf16 v30, v8  }
0x49a: {  	v39 =	vor.u32 s19, v20;
	v7 =	vmax.bf16 v7, v6  }
0x49b: {  	s20 =	sadd.s32 $0xFFFFFFF5, s15;
	v1 =	vadd.bf16 v8, v1;
	v8 =	vld.idx.msk [tilespmem:v36+s11+$0x0], $0xffff;
	v7 =	vmul.bf16 v29, v7  }
0x49c: {  	v40 =	vor.u32 s20, v20;
	v2 =	vmax.bf16 v2, v6  }
0x49d: {  	s21 =	sadd.s32 $0xFFFFFFF6, s15;
	v1 =	vadd.bf16 v7, v1;
	v7 =	vld.idx.msk [tilespmem:v37+s11+$0x0], $0xffff;
	v2 =	vmul.bf16 v27, v2  }
0x49e: {  	v45 =	vld [tilespmem:$0x1FE70];
	v41 =	vor.u32 s21, v20;
	v9 =	vmax.bf16 v38, v6  }
0x49f: {  	s22 =	sadd.s32 $0xFFFFFFF7, s15;
	v9 =	vmul.bf16 v28, v9;
	v1 =	vadd.bf16 v2, v1;
	v2 =	vld.idx.msk [tilespmem:v39+s11+$0x0], $0xffff  }
0x4a0: {  	v47 =	vld [tilespmem:$0x1FE80];
	v42 =	vor.u32 s22, v20;
	v8 =	vmax.bf16 v8, v6  }
0x4a1: {  	s23 =	sadd.s32 $0xFFFFFFF8, s15;
	v43 =	vld.idx.msk [tilespmem:v40+s11+$0x0], $0xffff;
	v1 =	vadd.bf16 v9, v1;
	v8 =	vmul.bf16 v26, v8  }
0x4a2: {  	v49 =	vld [tilespmem:$0x1FE90];
	v44 =	vor.u32 s23, v20;
	v7 =	vmax.bf16 v7, v6  }
0x4a3: {  	s24 =	sadd.s32 $0xFFFFFFF9, s15;
	v1 =	vadd.bf16 v8, v1;
	v8 =	vld.idx.msk [tilespmem:v41+s11+$0x0], $0xffff;
	v7 =	vmul.bf16 v45, v7  }
0x4a4: {  	v52 =	vld [tilespmem:$0x1FEA0];
	v46 =	vor.u32 s24, v20;
	v2 =	vmax.bf16 v2, v6  }
0x4a5: {  	s25 =	sadd.s32 $0xFFFFFFFA, s15;
	v1 =	vadd.bf16 v7, v1;
	v7 =	vld.idx.msk [tilespmem:v42+s11+$0x0], $0xffff;
	v2 =	vmul.bf16 v47, v2  }
0x4a6: {  	v54 =	vld [tilespmem:$0x1FEB0];
	v48 =	vor.u32 s25, v20;
	v9 =	vmax.bf16 v43, v6  }
0x4a7: {  	v9 =	vmul.bf16 v49, v9;
	v1 =	vadd.bf16 v2, v1;
	v2 =	vld.idx.msk [tilespmem:v44+s11+$0x0], $0xffff  }
0x4a8: {  	v56 =	vld [tilespmem:$0x1FEC0];
	v8 =	vmax.bf16 v8, v6  }
0x4a9: {  	v51 =	vld.idx.msk [tilespmem:v46+s11+$0x0], $0xffff;
	v1 =	vadd.bf16 v9, v1;
	v8 =	vmul.bf16 v52, v8  }
0x4aa: {  	v58 =	vld [tilespmem:$0x1FED0];
	v7 =	vmax.bf16 v7, v6  }
0x4ab: {  	v1 =	vadd.bf16 v8, v1;
	v8 =	vld.idx.msk [tilespmem:v48+s11+$0x0], $0xffff;
	v7 =	vmul.bf16 v54, v7  }
0x4ac: {  	s26 =	sadd.s32 $0xFFFFFFFB, s15;
	v60 =	vld [tilespmem:$0x1FEE0];
	v2 =	vmax.bf16 v2, v6  }
0x4ad: {  	v50 =	vor.u32 s26, v20;
	v1 =	vadd.bf16 v7, v1;
	v2 =	vmul.bf16 v56, v2  }
0x4ae: {  	v9 =	vmax.bf16 v51, v6  }
0x4af: {  	v9 =	vmul.bf16 v58, v9;
	v1 =	vadd.bf16 v2, v1  }
0x4b0: {  	v8 =	vmax.bf16 v8, v6  }
0x4b1: {  	v1 =	vadd.bf16 v9, v1;
	v8 =	vmul.bf16 v60, v8  }
0x4b2: {  	v7 =	vld.idx.msk [tilespmem:v50+s11+$0x0], $0xffff  }
0x4b3: {  	s28 =	sadd.s32 $0xFFFFFFFC, s15;
	v1 =	vadd.bf16 v8, v1;
	v8 =	vld [tilespmem:$0x1FEF0]  }
0x4b4: {  	v53 =	vor.u32 s28, v20;
	_ =	sdelay $0x2  }
0x4b5: {  	v7 =	vmax.bf16 v7, v6  }
0x4b6: {  	v7 =	vmul.bf16 v8, v7  }
0x4b7: {  	v2 =	vld.idx.msk [tilespmem:v53+s11+$0x0], $0xffff  }
0x4b8: {  	s29 =	sadd.s32 $0xFFFFFFFD, s15;
	v1 =	vadd.bf16 v7, v1;
	v7 =	vld [tilespmem:$0x1FF00]  }
0x4b9: {  	v55 =	vor.u32 s29, v20;
	_ =	sdelay $0x2  }
0x4ba: {  	v2 =	vmax.bf16 v2, v6  }
0x4bb: {  	v2 =	vmul.bf16 v7, v2  }
0x4bc: {  	v61 =	vld.idx.msk [tilespmem:v55+s11+$0x0], $0xffff  }
0x4bd: {  	s30 =	sadd.s32 $0xFFFFFFFE, s15;
	v1 =	vadd.bf16 v2, v1;
	v2 =	vld [tilespmem:$0x1FF10]  }
0x4be: {  	v57 =	vor.u32 s30, v20;
	_ =	sdelay $0x2  }
0x4bf: {  	v9 =	vmax.bf16 v61, v6  }
0x4c0: {  	v2 =	vmul.bf16 v2, v9  }
0x4c1: {  	v8 =	vld.idx.msk [tilespmem:v57+s11+$0x0], $0xffff  }
0x4c2: {  	s31 =	sadd.s32 $0xFFFFFFFF, s15;
	v1 =	vadd.bf16 v2, v1;
	v2 =	vld [tilespmem:$0x1FF20]  }
0x4c3: {  	v59 =	vor.u32 s31, v20;
	_ =	sdelay $0x2  }
0x4c4: {  	v8 =	vmax.bf16 v8, v6  }
0x4c5: {  	v2 =	vmul.bf16 v2, v8  }
0x4c6: {  	v7 =	vld.idx.msk [tilespmem:v59+s11+$0x0], $0xffff  }
0x4c7: {  	v1 =	vadd.bf16 v2, v1;
	v2 =	vld [tilespmem:$0x1FF30]  }
0x4c8: {  	v62 =	vor.u32 s15, v20;
	_ =	sdelay $0x2  }
0x4c9: {  	v7 =	vmax.bf16 v7, v6  }
0x4ca: {  	v2 =	vmul.bf16 v2, v7  }
0x4cb: {  	v63 =	vld.idx.msk [tilespmem:v62+s11+$0x0], $0xffff  }
0x4cc: {  	v1 =	vadd.bf16 v2, v1;
	v2 =	vld [tilespmem:$0x1FF40];
	_ =	sdelay $0x3  }
0x4cd: {  	v7 =	vmax.bf16 v63, v6  }
0x4ce: {  	v2 =	vmul.bf16 v2, v7;
	_ =	sdelay $0x1  }
0x4cf: {  	v1 =	vadd.bf16 v2, v1;
	_ =	sdelay $0x1  }
0x4d0: {  	v2 =	vunpack.i.u.bf16.f32 v1;
	v1 =	vunpack.i.l.bf16.f32 v1  }
0x4d1: {  	v1 =	vadd.f32 v1, v2;
	v2 =	vld [tilespmem:$0x1FE60];
	_ =	sdelay $0x4  }
0x4d2: {  	v1 =	vadd.f32 v1, v2;
	_ =	sdelay $0x1  }
0x4d3: {  	v1 =	vsub.f32 $0.0e+00, v1;
	_ =	sdelay $0x1  }
0x4d4: {  	v1 =	vmul.f32 $1.442695020e+00, v1;
	_ =	sdelay $0x1  }
0x4d5: {  	(erf) = vpow2.f32 v1;
	_ =	sdelay $0x8  }
0x4d6: {  	v1 =	vpop (erf)  }
0x4d7: {  	v1 =	vadd.f32 $1.000000000e+00, v1;
	_ =	sdelay $0x1  }
0x4d8: {  	(erf) = vrcp.f32 v1;
	_ =	sdelay $0x7  }
0x4d9: {  	s13 =	sadd.s32 $0x1, s13  }
0x4da: {  	p0 =	sne.s32 s13, s6;
	s14 =	sadd.s32 $0x10, s14;
	v1 =	vpop (erf)  }
.Ltmp3:
0x4db: {  	[tilespmem:s14+$0x0] =	vst v1;
	(pc) =	sbr.rel @p0 .LBB2_1-.Ltmp3, $4  }
0x4dc: {  	[hbm4b:s5+s2] =	stream.linear.scatter [tilespmem:s12], [sflag:$0x1], $0x200, $0x38;
	[tilespmem:$0x1A400] =	vst v63  }
0x4dd: {  	_ =	swait.ge [sflag:s7], $0x200  }
0x4de: {  	[sflag:s7] =	ssyncset.done $0x0  }
0x4df: {  	[sflag:s7] =	ssyncadd.s32 $0xFFFFFE00  }
0x4e0: {  	_ =	sfence.sel $0x180000  }
0x4e1: {  	[bflag:$0x0] =	sbarrier.arrive $0xFFFF  }
0x4e2: {  	p0 =	sne.s32 s1, $0x0;
	_ =	strace $0x90000047  }
0x4e3: {  	s0 =	sadd.s32 @!p0 $0x100000, s0;
	[bflag:$0x2] =	sbarrier.arrive $0xFFFF  }
0x4e4: {  	[sflag:s0] =	ssyncadd.tile.s32 @!p0 $0x1;
	_ =	shalt  }
.Lfunc_end2:
_tile_overlayer_lowered:
.L_overlay_start_2:
0x4e5: {  	(tag) =	ssettag $0x2  }
0x4e6: {  	s0 =	rddreg [dreg:$0x0];
	s2 =	stileid.u32  }
0x4e7: {  	s1 =	rddreg [dreg:$0x1];
	p0 =	sne.s32 s2, $0x0  }
0x4e8: {  	s3 =	rddreg [dreg:$0x2];
	[bflag:$0x3] =	sbarrier.arrive $0xFFFF;
	s2 =	simm.s32 @!p0 $0x1C01  }
0x4e9: {  	[timem:s3], [sflag:s2] =	dma.local @!p0 [hbm:s0], s1  }
0x4ea: {  	s0 =	simm.s32 @!p0 $0x1  }
0x4eb: {  	_ =	swait.ge @!p0 [sflag:s0], s1  }
0x4ec: {  	s1 =	ssub.s32 @!p0 $0x0, s1;
	[sflag:s0] =	ssyncset.done @!p0 $0x0  }
0x4ed: {  	[sflag:s0] =	ssyncadd.s32 @!p0 s1  }
0x4ee: {  	[bflag:$0x3] =	sbarrier.arrive $0xFFFF  }
0x4ef: {  	_ =	shalt  }

</sc_bundles>
